<compile_context>
chip_gen: v7x
topology: tpu7x:2x2x1
jax: 0.10.2.dev20260603
libtpu: 0.0.44.dev20260713+nightly
codegen_flags: <defaults>
</compile_context>

<pallas_src>
import jax
import jax.numpy as jnp
from jax import lax
from jax.experimental import pallas as pl
from jax.experimental.pallas import tpu as pltpu
from jax.experimental.pallas import tpu_sc as plsc

L_EV = 2_000_000
CHUNK = 8192
NCH_FULL = L_EV // CHUNK
TAIL = L_EV - NCH_FULL * CHUNK
NW = 32
EXTRA = NCH_FULL - 7 * NW
NQ = 10_000
QPW = 320
QV = QPW // 16
ROWS_C = CHUNK // 128
VPR = 128 // 16
NROWS = L_EV // 128
TAIL_ROWS = TAIL // 128

_mesh = plsc.VectorSubcoreMesh(
    core_axis_name="c", subcore_axis_name="s", num_cores=2, num_subcores=16)


def _stage_a_body(x_hbm, y_hbm, box_hbm, counts_hbm, rowincl_hbm,
                  xbuf, ybuf, rowbuf, boxv, cntv):
    wid = lax.axis_index("c") * 16 + lax.axis_index("s")
    pltpu.sync_copy(box_hbm, boxv)
    c0 = 7 * wid + jnp.minimum(wid, EXTRA)
    nch = jnp.where(wid < EXTRA, 8, 7)
    xlo = boxv[0, :]
    ylo = boxv[1, :]
    xhi = boxv[2, :]
    yhi = boxv[3, :]
    lanes = lax.iota(jnp.int32, 16)
    lane0 = lanes == 0

    def process_rows(rlo, rhi, cnt_vec):
        @plsc.parallel_loop(rlo, rhi, step=1, unroll=2, carry=cnt_vec)
        def row_body(ri, cv):
            for k in range(VPR):
                xv = xbuf[ri, pl.ds(k * 16, 16)]
                yv = ybuf[ri, pl.ds(k * 16, 16)]
                m = (xv >= xlo) & (xv <= xhi) & (yv >= ylo) & (yv <= yhi)
                cv = cv + plsc.all_reduce_population_count(m)
            plsc.store_scatter(rowbuf, [lanes * 0 + ri], cv, mask=lane0)
            return cv

        return row_body

    def chunk_body(ci, cnt_vec):
        r0 = (c0 + ci) * ROWS_C
        pltpu.sync_copy(x_hbm.at[pl.ds(r0, ROWS_C), :], xbuf)
        pltpu.sync_copy(y_hbm.at[pl.ds(r0, ROWS_C), :], ybuf)
        cnt_vec = process_rows(0, ROWS_C, cnt_vec)
        pltpu.sync_copy(rowbuf.at[pl.ds(0, ROWS_C)],
                        rowincl_hbm.at[pl.ds(r0, ROWS_C)])
        return cnt_vec

    cnt_vec = lax.fori_loop(0, nch, chunk_body, jnp.zeros((16,), jnp.int32))
    tr0 = NCH_FULL * ROWS_C
    pltpu.sync_copy(x_hbm.at[pl.ds(tr0, TAIL_ROWS), :],
                    xbuf.at[pl.ds(0, TAIL_ROWS), :])
    pltpu.sync_copy(y_hbm.at[pl.ds(tr0, TAIL_ROWS), :],
                    ybuf.at[pl.ds(0, TAIL_ROWS), :])
    trlo = jnp.where(wid == NW - 1, 0, TAIL_ROWS)
    cnt_vec = process_rows(trlo, TAIL_ROWS, cnt_vec)

    @pl.when(wid == NW - 1)
    def _():
        pltpu.sync_copy(rowbuf.at[pl.ds(0, TAIL_ROWS)],
                        rowincl_hbm.at[pl.ds(tr0, TAIL_ROWS)])

    cntv[...] = cnt_vec
    pltpu.sync_copy(cntv, counts_hbm.at[wid])


_STAGE_A = pl.kernel(
    _stage_a_body,
    out_type=(
        jax.ShapeDtypeStruct((NW, 16), jnp.int32),
        jax.ShapeDtypeStruct((NROWS,), jnp.int32),
    ),
    mesh=_mesh,
    scratch_types=(
        pltpu.VMEM((ROWS_C, 128), jnp.float32),
        pltpu.VMEM((ROWS_C, 128), jnp.float32),
        pltpu.VMEM((ROWS_C,), jnp.int32),
        pltpu.VMEM((4, 16), jnp.float32),
        pltpu.VMEM((16,), jnp.int32),
    ),
    compiler_params=pltpu.CompilerParams(needs_layout_passes=False),
)


def _worker_of_row(row):
    chunk = row >> 6
    w_lo = chunk >> 3
    w_hi = 20 + (((chunk - 160) * 9363) >> 16)
    w = jnp.where(chunk < 160, w_lo, w_hi)
    return jnp.minimum(w, NW - 1)


def _stage_b_body(x_hbm, y_hbm, seq_hbm, rowincl_hbm, counts_hbm, pn_hbm,
                  prm_hbm, out_hbm,
                  cntbuf, basebuf, rowbuf, pnbuf, rowsb, lrb, origbuf,
                  xrows, yrows, valbuf, prmbuf, dsem):
    wid = lax.axis_index("c") * 16 + lax.axis_index("s")
    qstart = jnp.minimum(wid * QPW, NQ - QPW)
    pltpu.sync_copy(counts_hbm, cntbuf)

    pltpu.sync_copy(pn_hbm.at[pl.ds(qstart, QPW)], pnbuf)
    pltpu.sync_copy(prm_hbm, prmbuf)
    lanes = lax.iota(jnp.int32, 16)
    zeros = jnp.zeros((16,), jnp.int32)
    c_lo = plsc.load_gather(cntbuf, [lanes, zeros])
    c_hi = plsc.load_gather(cntbuf, [lanes + 16, zeros])
    incl_lo = plsc.cumsum(c_lo)
    t_lo = jnp.sum(c_lo)
    incl_hi = plsc.cumsum(c_hi) + t_lo
    basebuf[pl.ds(0, 16)] = incl_lo - c_lo
    basebuf[pl.ds(16, 16)] = incl_hi - c_hi

    def gincl(row):
        loc = plsc.load_gather(rowbuf, [row])
        return loc + plsc.load_gather(basebuf, [_worker_of_row(row)])

    def rank_body(qv, carry):
        r = pnbuf[pl.ds(qv * 16, 16)]
        row = r >> 7
        lr = r & 127
        rowsb[pl.ds(qv * 16, 16)] = row
        lrb[pl.ds(qv * 16, 16)] = lr
        return carry

    lax.fori_loop(0, QV, rank_body, 0)

    xlo = prmbuf[0, :]
    ylo = prmbuf[1, :]
    xhi = prmbuf[2, :]
    yhi = prmbuf[3, :]

    def sel_body(qv, carry):
        qid = qv * 16 + lanes
        lr = lrb[pl.ds(qv * 16, 16)]
        row = rowsb[pl.ds(qv * 16, 16)]

        def col_body(c, rp):
            run, pos = rp
            cc = lanes * 0 + c
            xv = plsc.load_gather(xrows, [qid, cc])
            yv = plsc.load_gather(yrows, [qid, cc])
            m = (xv >= xlo) & (xv <= xhi) & (yv >= ylo) & (yv <= yhi)
            hit = m & (run == lr)
            pos = jnp.where(hit, c, pos)
            return run + jnp.where(m, 1, 0), pos

        pos = lrb[pl.ds(qv * 16, 16)] * 0
        origbuf[pl.ds(qv * 16, 16)] = row * 128 + pos
        return carry

    lax.fori_loop(0, QV, sel_body, 0)

    def gat_body(j, carry):
        c = j // QV
        rr = j - c * QV
        ov = origbuf[pl.ds(rr * 16, 16)]
        cidx = ov + c * L_EV
        pltpu.async_copy(seq_hbm.at[cidx], valbuf.at[pl.ds(j * 16, 16)], dsem)
        return carry



    for ch in range(2):
        lov = prmbuf[ch, :]
        dv = prmbuf[4 + ch, :]
        for rr in range(QV):
            j = ch * QV + rr
            v = valbuf[pl.ds(j * 16, 16)]
            valbuf[pl.ds(j * 16, 16)] = (v - lov) / dv

    for c in range(5):
        pltpu.sync_copy(valbuf.at[pl.ds(c * QPW, QPW)],
                        out_hbm.at[pl.ds(c * NQ + qstart, QPW)])


_STAGE_B = pl.kernel(
    _stage_b_body,
    out_type=jax.ShapeDtypeStruct((5 * NQ,), jnp.float32),
    mesh=_mesh,
    scratch_types=(
        pltpu.VMEM((NW, 16), jnp.int32),
        pltpu.VMEM((NW,), jnp.int32),
        pltpu.VMEM((NROWS,), jnp.int32),
        pltpu.VMEM((QPW,), jnp.int32),
        pltpu.VMEM((QPW,), jnp.int32),
        pltpu.VMEM((QPW,), jnp.int32),
        pltpu.VMEM((QPW,), jnp.int32),
        pltpu.VMEM((QPW, 128), jnp.float32),
        pltpu.VMEM((QPW, 128), jnp.float32),
        pltpu.VMEM((5 * QPW,), jnp.float32),
        pltpu.VMEM((6, 16), jnp.float32),
        pltpu.SemaphoreType.DMA,
    ),
    compiler_params=pltpu.CompilerParams(needs_layout_passes=False),
)


def kernel(Seq, previous_pred):
    lo = jnp.clip(previous_pred[:2] - previous_pred[2:] / 2 - 0.25, 0.0, 1.0)
    hi = jnp.clip(lo + previous_pred[2:] + 0.5, 0.0, 1.0)
    lo = jnp.clip(hi - previous_pred[2:] - 0.5, 0.0, 1.0)
    seq_flat = jnp.reshape(Seq, (-1,))
    x2d = jnp.reshape(Seq[0, 0], (-1, 128))
    y2d = jnp.reshape(Seq[0, 1], (-1, 128))
    box = jnp.stack([lo[0], lo[1], hi[0], hi[1]])
    box_b = jnp.broadcast_to(box[:, None], (4, 16))
    counts, rowincl = _STAGE_A(x2d, y2d, box_b)
    n_total = jnp.sum(counts[:, 0])
    pn = jax.random.randint(jax.random.key(1), (NQ,), 0, n_total)
    d0 = hi[0] - lo[0] + 1e-6
    d1 = hi[1] - lo[1] + 1e-6
    prm = jnp.stack([lo[0], lo[1], hi[0], hi[1], d0, d1])
    prm_b = jnp.broadcast_to(prm[:, None], (6, 16))
    out = _STAGE_B(x2d, y2d, seq_flat, rowincl, counts,
                   pn.astype(jnp.int32), prm_b)
    return jnp.reshape(out, (1, 5, NQ)), lo, hi

# --- scband reference (transcript-rebuilt; emitter-appended) ---
"""Pipeline reference for scband-event-tracker-86526411145614 (READ-ONLY COPY).

The authoritative reference and input builder live on the scoring server;
editing this copy changes nothing except your own understanding.
"""

import jax, jax.numpy as jnp
import numpy as np

# opt.search_size and opt.update_inter are hardcoded (the original reads them from an argparse-style opt object)
SEARCH_SIZE = 0.5

def setup_inputs(seed: int = 0) -> dict:
    key = jax.random.key(seed)
    k1, k2 = jax.random.split(key)
    # Seq: [B=1, C=5, N] event stream; channels 0,1 are x,y coords in [0,1], channel 2 is time, 3/4 polarity etc.
    Seq = jax.random.uniform(k1, (1, 5, 2000000), dtype=jnp.float32)
    # previous predicted box [cx, cy, w, h] in normalized coords
    previous_pred = jax.random.uniform(k2, (4,), dtype=jnp.float32)
    return {"Seq": Seq, "previous_pred": previous_pred}

def reference(Seq, previous_pred):
    # Faithful translation of Event_tracker._Crop_input_resmaple01 (file-I/O debug dumps omitted).
    search_size = SEARCH_SIZE
    crop_range_low = previous_pred[:2] - previous_pred[2:] / 2 - search_size / 2
    crop_range_low = jnp.clip(crop_range_low, 0.0, 1.0)
    crop_range_high = crop_range_low + previous_pred[2:] + search_size
    crop_range_high = jnp.clip(crop_range_high, 0.0, 1.0)
    crop_range_low = crop_range_high - previous_pred[2:] - search_size
    crop_range_low = jnp.clip(crop_range_low, 0.0, 1.0)
    flag1 = Seq[0, 0, :] >= crop_range_low[0]
    flag2 = Seq[0, 1, :] >= crop_range_low[1]
    flag3 = Seq[0, 0, :] <= crop_range_high[0]
    flag4 = Seq[0, 1, :] <= crop_range_high[1]
    flag = flag1 & flag2 & flag3 & flag4
    L = Seq.shape[2]
    # Compacted survivor indices: positions of True flags, in order, padded with L at the tail.
    sorted_idx = jnp.sort(jnp.where(flag, jnp.arange(L), L))
    N = jnp.sum(flag)
    # torch.randint(0, N, [10000]) -> random resample of 10000 event points
    pn_ = jax.random.randint(jax.random.key(1), (10000,), 0, N)
    orig_idx = sorted_idx[pn_]
    output = Seq[:, :, orig_idx]
    output = output.at[:, 0, :].set((output[:, 0, :] - crop_range_low[0]) / (crop_range_high[0] - crop_range_low[0] + 1e-06))
    output = output.at[:, 1, :].set((output[:, 1, :] - crop_range_low[1]) / (crop_range_high[1] - crop_range_low[1] + 1e-06))
    return (output, crop_range_low, crop_range_high)

if __name__ == "__main__":
    import jax
    _d = setup_inputs()
    print(jax.jit(kernel)(*tuple(_d.values())))

</pallas_src>

<mosaic_0001>
#map = affine_map<(d0, d1) -> (0, 0)>
#map1 = affine_map<(d0, d1) -> (0)>
module attributes {stable_mosaic.version = 14 : i64} {
  func.func @_stage_a_body(%arg0: i32, %arg1: i32, %arg2: memref<15625x128xf32, #tpu.memory_space<hbm>>, %arg3: memref<15625x128xf32, #tpu.memory_space<hbm>>, %arg4: memref<4x16xf32, #tpu.memory_space<hbm>>, %arg5: memref<32x16xi32, #tpu.memory_space<hbm>>, %arg6: memref<15625xi32, #tpu.memory_space<hbm>>, %arg7: memref<64x128xf32, #tpu.memory_space<vmem>>, %arg8: memref<64x128xf32, #tpu.memory_space<vmem>>, %arg9: memref<64xi32, #tpu.memory_space<vmem>>, %arg10: memref<4x16xf32, #tpu.memory_space<vmem>>, %arg11: memref<16xi32, #tpu.memory_space<vmem>>) attributes {dimension_semantics = [#tpu.dimension_semantics<core_parallel>, #tpu.dimension_semantics<subcore_parallel>], iteration_bounds = array<i64: 2, 16>, scalar_prefetch = 0 : i64, scratch_operands = 5 : i64, tpu.core_type = #tpu.core_type<sc_vector_subcore>, window_params = [{transform_indices = #map}, {transform_indices = #map}, {transform_indices = #map}, {transform_indices = #map}, {transform_indices = #map1}]} {
    %mul3A = arith.constant 16 : i32
    %mul3A_0 = arith.muli %arg0, %mul3A : i32
    %add3A = arith.addi %mul3A_0, %arg1 : i32
    "tpu.region"() ({
      %run_scoped3A = tpu.sem_alloc : memref<!tpu.dma_semaphore, #tpu.memory_space<semaphore_mem>>
      tpu.enqueue_dma source(%arg4 : memref<4x16xf32, #tpu.memory_space<hbm>>) target(%arg10 : memref<4x16xf32, #tpu.memory_space<vmem>>) target_semaphore(%run_scoped3A : memref<!tpu.dma_semaphore, #tpu.memory_space<semaphore_mem>>)
      tpu.wait_dma2 semaphore(%run_scoped3A : memref<!tpu.dma_semaphore, #tpu.memory_space<semaphore_mem>>) src(%arg4 : memref<4x16xf32, #tpu.memory_space<hbm>>) dst(%arg10 : memref<4x16xf32, #tpu.memory_space<vmem>>)
      tpu.yield
    }) : () -> ()
    %mul3A_1 = arith.constant 7 : i32
    %mul3A_2 = arith.muli %mul3A_1, %add3A : i32
    %min3A = arith.constant 20 : i32
    %min3A_3 = arith.minsi %add3A, %min3A : i32
    %add3A_4 = arith.addi %mul3A_2, %min3A_3 : i32
    %lt3A = arith.constant 20 : i32
    %lt3A_5 = arith.cmpi slt, %add3A, %lt3A : i32
    %jit3A = arith.constant 8 : i32
    %jit3A_6 = arith.constant 7 : i32
    %select_n3A = arith.select %lt3A_5, %jit3A, %jit3A_6 : i32
    %get3A = arith.constant 0 : i32
    %get3A_7 = arith.index_cast %get3A : i32 to index
    %get3A_8 = arith.constant 0 : index
    %get3A_9 = tpu.vector_load %arg10[%get3A_7, %get3A_8] {strides = array<i32>} : memref<4x16xf32, #tpu.memory_space<vmem>>, vector<16xf32>,
    %get3A_10 = arith.constant 1 : i32
    %get3A_11 = arith.index_cast %get3A_10 : i32 to index
    %get3A_12 = arith.constant 0 : index
    %get3A_13 = tpu.vector_load %arg10[%get3A_11, %get3A_12] {strides = array<i32>} : memref<4x16xf32, #tpu.memory_space<vmem>>, vector<16xf32>,
    %get3A_14 = arith.constant 2 : i32
    %get3A_15 = arith.index_cast %get3A_14 : i32 to index
    %get3A_16 = arith.constant 0 : index
    %get3A_17 = tpu.vector_load %arg10[%get3A_15, %get3A_16] {strides = array<i32>} : memref<4x16xf32, #tpu.memory_space<vmem>>, vector<16xf32>,
    %get3A_18 = arith.constant 3 : i32
    %get3A_19 = arith.index_cast %get3A_18 : i32 to index
    %get3A_20 = arith.constant 0 : index
    %get3A_21 = tpu.vector_load %arg10[%get3A_19, %get3A_20] {strides = array<i32>} : memref<4x16xf32, #tpu.memory_space<vmem>>, vector<16xf32>,
    %iota3A = tpu.iota {dimensions = array<i32: 0>} : vector<16xi32>
    %eq3A = arith.constant 0 : i32
    %eq3A_22 = vector.broadcast %eq3A : i32 to vector<16xi32>
    %eq3A_23 = arith.cmpi eq, %iota3A, %eq3A_22 : vector<16xi32>
    %broadcast_in_dim3A = arith.constant 0 : i32
    %broadcast_in_dim3A_24 = vector.broadcast %broadcast_in_dim3A : i32 to vector<16xi32>
    %while3A = arith.constant 0 : i32
    %while3A_25 = arith.subi %select_n3A, %while3A : i32
    %while3A_26 = arith.addi %while3A, %while3A_25 : i32
    %while3A_27 = arith.constant 1 : i32
    %while3A_28 = arith.divsi %while3A_25, %while3A_27 : i32
    %while3A_29 = arith.muli %while3A_28, %while3A_27 : i32
    %while3A_30 = arith.addi %while3A, %while3A_29 : i32
    %while3A_31 = arith.constant 1 : i32
    %while3A_32 = scf.for %while3A_46 = %while3A to %while3A_30 step %while3A_31 iter_args(%while3A_47 = %broadcast_in_dim3A_24) -> (vector<16xi32>)  : i32 {
      %add3A_48 = arith.addi %add3A_4, %while3A_46 : i32
      %mul3A_49 = arith.constant 64 : i32
      %mul3A_50 = arith.muli %add3A_48, %mul3A_49 : i32
      "tpu.region"() ({
        %run_scoped3A = tpu.sem_alloc : memref<!tpu.dma_semaphore, #tpu.memory_space<semaphore_mem>>
        %dma_start3A = arith.constant 0 : i32
        %dma_start3A_55 = tpu.memref_slice %arg2[%mul3A_50, %dma_start3A] : memref<15625x128xf32, #tpu.memory_space<hbm>> -> memref<64x128xf32, #tpu.memory_space<hbm>>
        %dma_start3A_56 = arith.constant 0 : i32
        %dma_start3A_57 = tpu.memref_slice %arg2[%mul3A_50, %dma_start3A_56] : memref<15625x128xf32, #tpu.memory_space<hbm>> -> memref<64x128xf32, #tpu.memory_space<hbm>>
        tpu.enqueue_dma source(%dma_start3A_57 : memref<64x128xf32, #tpu.memory_space<hbm>>) target(%arg7 : memref<64x128xf32, #tpu.memory_space<vmem>>) target_semaphore(%run_scoped3A : memref<!tpu.dma_semaphore, #tpu.memory_space<semaphore_mem>>)
        %dma_wait3A = arith.constant 0 : i32
        %dma_wait3A_58 = tpu.memref_slice %arg2[%mul3A_50, %dma_wait3A] : memref<15625x128xf32, #tpu.memory_space<hbm>> -> memref<64x128xf32, #tpu.memory_space<hbm>>
        %dma_wait3A_59 = arith.constant 0 : i32
        %dma_wait3A_60 = tpu.memref_slice %arg2[%mul3A_50, %dma_wait3A_59] : memref<15625x128xf32, #tpu.memory_space<hbm>> -> memref<64x128xf32, #tpu.memory_space<hbm>>
        tpu.wait_dma2 semaphore(%run_scoped3A : memref<!tpu.dma_semaphore, #tpu.memory_space<semaphore_mem>>) src(%dma_wait3A_60 : memref<64x128xf32, #tpu.memory_space<hbm>>) dst(%arg7 : memref<64x128xf32, #tpu.memory_space<vmem>>)
        tpu.yield
      }) : () -> ()
      "tpu.region"() ({
        %run_scoped3A = tpu.sem_alloc : memref<!tpu.dma_semaphore, #tpu.memory_space<semaphore_mem>>
        %dma_start3A = arith.constant 0 : i32
        %dma_start3A_55 = tpu.memref_slice %arg3[%mul3A_50, %dma_start3A] : memref<15625x128xf32, #tpu.memory_space<hbm>> -> memref<64x128xf32, #tpu.memory_space<hbm>>
        %dma_start3A_56 = arith.constant 0 : i32
        %dma_start3A_57 = tpu.memref_slice %arg3[%mul3A_50, %dma_start3A_56] : memref<15625x128xf32, #tpu.memory_space<hbm>> -> memref<64x128xf32, #tpu.memory_space<hbm>>
        tpu.enqueue_dma source(%dma_start3A_57 : memref<64x128xf32, #tpu.memory_space<hbm>>) target(%arg8 : memref<64x128xf32, #tpu.memory_space<vmem>>) target_semaphore(%run_scoped3A : memref<!tpu.dma_semaphore, #tpu.memory_space<semaphore_mem>>)
        %dma_wait3A = arith.constant 0 : i32
        %dma_wait3A_58 = tpu.memref_slice %arg3[%mul3A_50, %dma_wait3A] : memref<15625x128xf32, #tpu.memory_space<hbm>> -> memref<64x128xf32, #tpu.memory_space<hbm>>
        %dma_wait3A_59 = arith.constant 0 : i32
        %dma_wait3A_60 = tpu.memref_slice %arg3[%mul3A_50, %dma_wait3A_59] : memref<15625x128xf32, #tpu.memory_space<hbm>> -> memref<64x128xf32, #tpu.memory_space<hbm>>
        tpu.wait_dma2 semaphore(%run_scoped3A : memref<!tpu.dma_semaphore, #tpu.memory_space<semaphore_mem>>) src(%dma_wait3A_60 : memref<64x128xf32, #tpu.memory_space<hbm>>) dst(%arg8 : memref<64x128xf32, #tpu.memory_space<vmem>>)
        tpu.yield
      }) : () -> ()
      %parallel_loop3A_51 = arith.constant 0 : i32
      %parallel_loop3A_52 = arith.constant 64 : i32
      %parallel_loop3A_53 = arith.constant 1 : i32
      %parallel_loop3A_54 = scf.for %parallel_loop3A_55 = %parallel_loop3A_51 to %parallel_loop3A_52 step %parallel_loop3A_53 iter_args(%parallel_loop3A_56 = %while3A_47) -> (vector<16xi32>)  : i32 {
        %parallel_loop3A_57 = arith.index_cast %parallel_loop3A_55 : i32 to index
        %parallel_loop3A_58 = arith.constant 0 : index
        %parallel_loop3A_59 = tpu.vector_load %arg7[%parallel_loop3A_57, %parallel_loop3A_58] {strides = array<i32>} : memref<64x128xf32, #tpu.memory_space<vmem>>, vector<16xf32>,
        %parallel_loop3A_60 = arith.index_cast %parallel_loop3A_55 : i32 to index
        %parallel_loop3A_61 = arith.constant 0 : index
        %parallel_loop3A_62 = tpu.vector_load %arg8[%parallel_loop3A_60, %parallel_loop3A_61] {strides = array<i32>} : memref<64x128xf32, #tpu.memory_space<vmem>>, vector<16xf32>,
        %parallel_loop3A_63 = arith.cmpf oge, %parallel_loop3A_59, %get3A_9 : vector<16xf32>
        %parallel_loop3A_64 = arith.cmpf ole, %parallel_loop3A_59, %get3A_17 : vector<16xf32>
        %parallel_loop3A_65 = arith.andi %parallel_loop3A_63, %parallel_loop3A_64 : vector<16xi1>
        %parallel_loop3A_66 = arith.cmpf oge, %parallel_loop3A_62, %get3A_13 : vector<16xf32>
        %parallel_loop3A_67 = arith.andi %parallel_loop3A_65, %parallel_loop3A_66 : vector<16xi1>
        %parallel_loop3A_68 = arith.cmpf ole, %parallel_loop3A_62, %get3A_21 : vector<16xf32>
        %parallel_loop3A_69 = arith.andi %parallel_loop3A_67, %parallel_loop3A_68 : vector<16xi1>
        %parallel_loop3A_70 = tpu.all_reduce %parallel_loop3A_69 {dim = 0 : i64, kind = #tpu.reduction_kind<sum>} : vector<16xi1> -> vector<16xi32>
        %parallel_loop3A_71 = arith.addi %parallel_loop3A_56, %parallel_loop3A_70 : vector<16xi32>
        %parallel_loop3A_72 = arith.index_cast %parallel_loop3A_55 : i32 to index
        %parallel_loop3A_73 = arith.constant 16 : index
        %parallel_loop3A_74 = tpu.vector_load %arg7[%parallel_loop3A_72, %parallel_loop3A_73] {strides = array<i32>} : memref<64x128xf32, #tpu.memory_space<vmem>>, vector<16xf32>,
        %parallel_loop3A_75 = arith.index_cast %parallel_loop3A_55 : i32 to index
        %parallel_loop3A_76 = arith.constant 16 : index
        %parallel_loop3A_77 = tpu.vector_load %arg8[%parallel_loop3A_75, %parallel_loop3A_76] {strides = array<i32>} : memref<64x128xf32, #tpu.memory_space<vmem>>, vector<16xf32>,
        %parallel_loop3A_78 = arith.cmpf oge, %parallel_loop3A_74, %get3A_9 : vector<16xf32>
        %parallel_loop3A_79 = arith.cmpf ole, %parallel_loop3A_74, %get3A_17 : vector<16xf32>
        %parallel_loop3A_80 = arith.andi %parallel_loop3A_78, %parallel_loop3A_79 : vector<16xi1>
        %parallel_loop3A_81 = arith.cmpf oge, %parallel_loop3A_77, %get3A_13 : vector<16xf32>
        %parallel_loop3A_82 = arith.andi %parallel_loop3A_80, %parallel_loop3A_81 : vector<16xi1>
        %parallel_loop3A_83 = arith.cmpf ole, %parallel_loop3A_77, %get3A_21 : vector<16xf32>
        %parallel_loop3A_84 = arith.andi %parallel_loop3A_82, %parallel_loop3A_83 : vector<16xi1>
        %parallel_loop3A_85 = tpu.all_reduce %parallel_loop3A_84 {dim = 0 : i64, kind = #tpu.reduction_kind<sum>} : vector<16xi1> -> vector<16xi32>
        %parallel_loop3A_86 = arith.addi %parallel_loop3A_71, %parallel_loop3A_85 : vector<16xi32>
        %parallel_loop3A_87 = arith.index_cast %parallel_loop3A_55 : i32 to index
        %parallel_loop3A_88 = arith.constant 32 : index
        %parallel_loop3A_89 = tpu.vector_load %arg7[%parallel_loop3A_87, %parallel_loop3A_88] {strides = array<i32>} : memref<64x128xf32, #tpu.memory_space<vmem>>, vector<16xf32>,
        %parallel_loop3A_90 = arith.index_cast %parallel_loop3A_55 : i32 to index
        %parallel_loop3A_91 = arith.constant 32 : index
        %parallel_loop3A_92 = tpu.vector_load %arg8[%parallel_loop3A_90, %parallel_loop3A_91] {strides = array<i32>} : memref<64x128xf32, #tpu.memory_space<vmem>>, vector<16xf32>,
        %parallel_loop3A_93 = arith.cmpf oge, %parallel_loop3A_89, %get3A_9 : vector<16xf32>
        %parallel_loop3A_94 = arith.cmpf ole, %parallel_loop3A_89, %get3A_17 : vector<16xf32>
        %parallel_loop3A_95 = arith.andi %parallel_loop3A_93, %parallel_loop3A_94 : vector<16xi1>
        %parallel_loop3A_96 = arith.cmpf oge, %parallel_loop3A_92, %get3A_13 : vector<16xf32>
        %parallel_loop3A_97 = arith.andi %parallel_loop3A_95, %parallel_loop3A_96 : vector<16xi1>
        %parallel_loop3A_98 = arith.cmpf ole, %parallel_loop3A_92, %get3A_21 : vector<16xf32>
        %parallel_loop3A_99 = arith.andi %parallel_loop3A_97, %parallel_loop3A_98 : vector<16xi1>
        %parallel_loop3A_100 = tpu.all_reduce %parallel_loop3A_99 {dim = 0 : i64, kind = #tpu.reduction_kind<sum>} : vector<16xi1> -> vector<16xi32>
        %parallel_loop3A_101 = arith.addi %parallel_loop3A_86, %parallel_loop3A_100 : vector<16xi32>
        %parallel_loop3A_102 = arith.index_cast %parallel_loop3A_55 : i32 to index
        %parallel_loop3A_103 = arith.constant 48 : index
        %parallel_loop3A_104 = tpu.vector_load %arg7[%parallel_loop3A_102, %parallel_loop3A_103] {strides = array<i32>} : memref<64x128xf32, #tpu.memory_space<vmem>>, vector<16xf32>,
        %parallel_loop3A_105 = arith.index_cast %parallel_loop3A_55 : i32 to index
        %parallel_loop3A_106 = arith.constant 48 : index
        %parallel_loop3A_107 = tpu.vector_load %arg8[%parallel_loop3A_105, %parallel_loop3A_106] {strides = array<i32>} : memref<64x128xf32, #tpu.memory_space<vmem>>, vector<16xf32>,
        %parallel_loop3A_108 = arith.cmpf oge, %parallel_loop3A_104, %get3A_9 : vector<16xf32>
        %parallel_loop3A_109 = arith.cmpf ole, %parallel_loop3A_104, %get3A_17 : vector<16xf32>
        %parallel_loop3A_110 = arith.andi %parallel_loop3A_108, %parallel_loop3A_109 : vector<16xi1>
        %parallel_loop3A_111 = arith.cmpf oge, %parallel_loop3A_107, %get3A_13 : vector<16xf32>
        %parallel_loop3A_112 = arith.andi %parallel_loop3A_110, %parallel_loop3A_111 : vector<16xi1>
        %parallel_loop3A_113 = arith.cmpf ole, %parallel_loop3A_107, %get3A_21 : vector<16xf32>
        %parallel_loop3A_114 = arith.andi %parallel_loop3A_112, %parallel_loop3A_113 : vector<16xi1>
        %parallel_loop3A_115 = tpu.all_reduce %parallel_loop3A_114 {dim = 0 : i64, kind = #tpu.reduction_kind<sum>} : vector<16xi1> -> vector<16xi32>
        %parallel_loop3A_116 = arith.addi %parallel_loop3A_101, %parallel_loop3A_115 : vector<16xi32>
        %parallel_loop3A_117 = arith.index_cast %parallel_loop3A_55 : i32 to index
        %parallel_loop3A_118 = arith.constant 64 : index
        %parallel_loop3A_119 = tpu.vector_load %arg7[%parallel_loop3A_117, %parallel_loop3A_118] {strides = array<i32>} : memref<64x128xf32, #tpu.memory_space<vmem>>, vector<16xf32>,
        %parallel_loop3A_120 = arith.index_cast %parallel_loop3A_55 : i32 to index
        %parallel_loop3A_121 = arith.constant 64 : index
        %parallel_loop3A_122 = tpu.vector_load %arg8[%parallel_loop3A_120, %parallel_loop3A_121] {strides = array<i32>} : memref<64x128xf32, #tpu.memory_space<vmem>>, vector<16xf32>,
        %parallel_loop3A_123 = arith.cmpf oge, %parallel_loop3A_119, %get3A_9 : vector<16xf32>
        %parallel_loop3A_124 = arith.cmpf ole, %parallel_loop3A_119, %get3A_17 : vector<16xf32>
        %parallel_loop3A_125 = arith.andi %parallel_loop3A_123, %parallel_loop3A_124 : vector<16xi1>
        %parallel_loop3A_126 = arith.cmpf oge, %parallel_loop3A_122, %get3A_13 : vector<16xf32>
        %parallel_loop3A_127 = arith.andi %parallel_loop3A_125, %parallel_loop3A_126 : vector<16xi1>
        %parallel_loop3A_128 = arith.cmpf ole, %parallel_loop3A_122, %get3A_21 : vector<16xf32>
        %parallel_loop3A_129 = arith.andi %parallel_loop3A_127, %parallel_loop3A_128 : vector<16xi1>
        %parallel_loop3A_130 = tpu.all_reduce %parallel_loop3A_129 {dim = 0 : i64, kind = #tpu.reduction_kind<sum>} : vector<16xi1> -> vector<16xi32>
        %parallel_loop3A_131 = arith.addi %parallel_loop3A_116, %parallel_loop3A_130 : vector<16xi32>
        %parallel_loop3A_132 = arith.index_cast %parallel_loop3A_55 : i32 to index
        %parallel_loop3A_133 = arith.constant 80 : index
        %parallel_loop3A_134 = tpu.vector_load %arg7[%parallel_loop3A_132, %parallel_loop3A_133] {strides = array<i32>} : memref<64x128xf32, #tpu.memory_space<vmem>>, vector<16xf32>,
        %parallel_loop3A_135 = arith.index_cast %parallel_loop3A_55 : i32 to index
        %parallel_loop3A_136 = arith.constant 80 : index
        %parallel_loop3A_137 = tpu.vector_load %arg8[%parallel_loop3A_135, %parallel_loop3A_136] {strides = array<i32>} : memref<64x128xf32, #tpu.memory_space<vmem>>, vector<16xf32>,
        %parallel_loop3A_138 = arith.cmpf oge, %parallel_loop3A_134, %get3A_9 : vector<16xf32>
        %parallel_loop3A_139 = arith.cmpf ole, %parallel_loop3A_134, %get3A_17 : vector<16xf32>
        %parallel_loop3A_140 = arith.andi %parallel_loop3A_138, %parallel_loop3A_139 : vector<16xi1>
        %parallel_loop3A_141 = arith.cmpf oge, %parallel_loop3A_137, %get3A_13 : vector<16xf32>
        %parallel_loop3A_142 = arith.andi %parallel_loop3A_140, %parallel_loop3A_141 : vector<16xi1>
        %parallel_loop3A_143 = arith.cmpf ole, %parallel_loop3A_137, %get3A_21 : vector<16xf32>
        %parallel_loop3A_144 = arith.andi %parallel_loop3A_142, %parallel_loop3A_143 : vector<16xi1>
        %parallel_loop3A_145 = tpu.all_reduce %parallel_loop3A_144 {dim = 0 : i64, kind = #tpu.reduction_kind<sum>} : vector<16xi1> -> vector<16xi32>
        %parallel_loop3A_146 = arith.addi %parallel_loop3A_131, %parallel_loop3A_145 : vector<16xi32>
        %parallel_loop3A_147 = arith.index_cast %parallel_loop3A_55 : i32 to index
        %parallel_loop3A_148 = arith.constant 96 : index
        %parallel_loop3A_149 = tpu.vector_load %arg7[%parallel_loop3A_147, %parallel_loop3A_148] {strides = array<i32>} : memref<64x128xf32, #tpu.memory_space<vmem>>, vector<16xf32>,
        %parallel_loop3A_150 = arith.index_cast %parallel_loop3A_55 : i32 to index
        %parallel_loop3A_151 = arith.constant 96 : index
        %parallel_loop3A_152 = tpu.vector_load %arg8[%parallel_loop3A_150, %parallel_loop3A_151] {strides = array<i32>} : memref<64x128xf32, #tpu.memory_space<vmem>>, vector<16xf32>,
        %parallel_loop3A_153 = arith.cmpf oge, %parallel_loop3A_149, %get3A_9 : vector<16xf32>
        %parallel_loop3A_154 = arith.cmpf ole, %parallel_loop3A_149, %get3A_17 : vector<16xf32>
        %parallel_loop3A_155 = arith.andi %parallel_loop3A_153, %parallel_loop3A_154 : vector<16xi1>
        %parallel_loop3A_156 = arith.cmpf oge, %parallel_loop3A_152, %get3A_13 : vector<16xf32>
        %parallel_loop3A_157 = arith.andi %parallel_loop3A_155, %parallel_loop3A_156 : vector<16xi1>
        %parallel_loop3A_158 = arith.cmpf ole, %parallel_loop3A_152, %get3A_21 : vector<16xf32>
        %parallel_loop3A_159 = arith.andi %parallel_loop3A_157, %parallel_loop3A_158 : vector<16xi1>
        %parallel_loop3A_160 = tpu.all_reduce %parallel_loop3A_159 {dim = 0 : i64, kind = #tpu.reduction_kind<sum>} : vector<16xi1> -> vector<16xi32>
        %parallel_loop3A_161 = arith.addi %parallel_loop3A_146, %parallel_loop3A_160 : vector<16xi32>
        %parallel_loop3A_162 = arith.index_cast %parallel_loop3A_55 : i32 to index
        %parallel_loop3A_163 = arith.constant 112 : index
        %parallel_loop3A_164 = tpu.vector_load %arg7[%parallel_loop3A_162, %parallel_loop3A_163] {strides = array<i32>} : memref<64x128xf32, #tpu.memory_space<vmem>>, vector<16xf32>,
        %parallel_loop3A_165 = arith.index_cast %parallel_loop3A_55 : i32 to index
        %parallel_loop3A_166 = arith.constant 112 : index
        %parallel_loop3A_167 = tpu.vector_load %arg8[%parallel_loop3A_165, %parallel_loop3A_166] {strides = array<i32>} : memref<64x128xf32, #tpu.memory_space<vmem>>, vector<16xf32>,
        %parallel_loop3A_168 = arith.cmpf oge, %parallel_loop3A_164, %get3A_9 : vector<16xf32>
        %parallel_loop3A_169 = arith.cmpf ole, %parallel_loop3A_164, %get3A_17 : vector<16xf32>
        %parallel_loop3A_170 = arith.andi %parallel_loop3A_168, %parallel_loop3A_169 : vector<16xi1>
        %parallel_loop3A_171 = arith.cmpf oge, %parallel_loop3A_167, %get3A_13 : vector<16xf32>
        %parallel_loop3A_172 = arith.andi %parallel_loop3A_170, %parallel_loop3A_171 : vector<16xi1>
        %parallel_loop3A_173 = arith.cmpf ole, %parallel_loop3A_167, %get3A_21 : vector<16xf32>
        %parallel_loop3A_174 = arith.andi %parallel_loop3A_172, %parallel_loop3A_173 : vector<16xi1>
        %parallel_loop3A_175 = tpu.all_reduce %parallel_loop3A_174 {dim = 0 : i64, kind = #tpu.reduction_kind<sum>} : vector<16xi1> -> vector<16xi32>
        %parallel_loop3A_176 = arith.addi %parallel_loop3A_161, %parallel_loop3A_175 : vector<16xi32>
        %parallel_loop3A_177 = arith.constant 0 : i32
        %parallel_loop3A_178 = vector.broadcast %parallel_loop3A_177 : i32 to vector<16xi32>
        %parallel_loop3A_179 = arith.muli %iota3A, %parallel_loop3A_178 : vector<16xi32>
        %parallel_loop3A_180 = vector.broadcast %parallel_loop3A_55 : i32 to vector<16xi32>
        %parallel_loop3A_181 = arith.addi %parallel_loop3A_179, %parallel_loop3A_180 : vector<16xi32>
        tpu.vector_store_idx %arg9[%parallel_loop3A_181], %parallel_loop3A_176 masked %eq3A_23 : memref<64xi32, #tpu.memory_space<vmem>>[vector<16xi32>], vector<16xi32>, vector<16xi1>
        scf.yield %parallel_loop3A_176 : vector<16xi32>
      } {sc.loop_unroll_factor = 2 : i64, sc.parallel_access}
      "tpu.region"() ({
        %run_scoped3A = tpu.sem_alloc : memref<!tpu.dma_semaphore, #tpu.memory_space<semaphore_mem>>
        %dma_start3A = arith.constant 0 : i32
        %dma_start3A_55 = tpu.memref_slice %arg9[%dma_start3A] : memref<64xi32, #tpu.memory_space<vmem>> -> memref<64xi32, #tpu.memory_space<vmem>>
        %dma_start3A_56 = tpu.memref_slice %arg6[%mul3A_50] : memref<15625xi32, #tpu.memory_space<hbm>> -> memref<64xi32, #tpu.memory_space<hbm>>
        %dma_start3A_57 = tpu.memref_slice %arg6[%mul3A_50] : memref<15625xi32, #tpu.memory_space<hbm>> -> memref<64xi32, #tpu.memory_space<hbm>>
        %dma_start3A_58 = arith.constant 0 : i32
        %dma_start3A_59 = tpu.memref_slice %arg9[%dma_start3A_58] : memref<64xi32, #tpu.memory_space<vmem>> -> memref<64xi32, #tpu.memory_space<vmem>>
        tpu.enqueue_dma source(%dma_start3A_59 : memref<64xi32, #tpu.memory_space<vmem>>) target(%dma_start3A_57 : memref<64xi32, #tpu.memory_space<hbm>>) target_semaphore(%run_scoped3A : memref<!tpu.dma_semaphore, #tpu.memory_space<semaphore_mem>>)
        %dma_wait3A = arith.constant 0 : i32
        %dma_wait3A_60 = tpu.memref_slice %arg9[%dma_wait3A] : memref<64xi32, #tpu.memory_space<vmem>> -> memref<64xi32, #tpu.memory_space<vmem>>
        %dma_wait3A_61 = tpu.memref_slice %arg6[%mul3A_50] : memref<15625xi32, #tpu.memory_space<hbm>> -> memref<64xi32, #tpu.memory_space<hbm>>
        %dma_wait3A_62 = tpu.memref_slice %arg6[%mul3A_50] : memref<15625xi32, #tpu.memory_space<hbm>> -> memref<64xi32, #tpu.memory_space<hbm>>
        %dma_wait3A_63 = arith.constant 0 : i32
        %dma_wait3A_64 = tpu.memref_slice %arg9[%dma_wait3A_63] : memref<64xi32, #tpu.memory_space<vmem>> -> memref<64xi32, #tpu.memory_space<vmem>>
        tpu.wait_dma2 semaphore(%run_scoped3A : memref<!tpu.dma_semaphore, #tpu.memory_space<semaphore_mem>>) src(%dma_wait3A_64 : memref<64xi32, #tpu.memory_space<vmem>>) dst(%dma_wait3A_62 : memref<64xi32, #tpu.memory_space<hbm>>)
        tpu.yield
      }) : () -> ()
      scf.yield %parallel_loop3A_54 : vector<16xi32>
    }
    %while3A_33 = arith.constant 1 : i32
    %while3A_34 = scf.for %while3A_46 = %while3A_30 to %while3A_26 step %while3A_33 iter_args(%while3A_47 = %while3A_32) -> (vector<16xi32>)  : i32 {
      %add3A_48 = arith.addi %add3A_4, %while3A_46 : i32
      %mul3A_49 = arith.constant 64 : i32
      %mul3A_50 = arith.muli %add3A_48, %mul3A_49 : i32
      "tpu.region"() ({
        %run_scoped3A = tpu.sem_alloc : memref<!tpu.dma_semaphore, #tpu.memory_space<semaphore_mem>>
        %dma_start3A = arith.constant 0 : i32
        %dma_start3A_55 = tpu.memref_slice %arg2[%mul3A_50, %dma_start3A] : memref<15625x128xf32, #tpu.memory_space<hbm>> -> memref<64x128xf32, #tpu.memory_space<hbm>>
        %dma_start3A_56 = arith.constant 0 : i32
        %dma_start3A_57 = tpu.memref_slice %arg2[%mul3A_50, %dma_start3A_56] : memref<15625x128xf32, #tpu.memory_space<hbm>> -> memref<64x128xf32, #tpu.memory_space<hbm>>
        tpu.enqueue_dma source(%dma_start3A_57 : memref<64x128xf32, #tpu.memory_space<hbm>>) target(%arg7 : memref<64x128xf32, #tpu.memory_space<vmem>>) target_semaphore(%run_scoped3A : memref<!tpu.dma_semaphore, #tpu.memory_space<semaphore_mem>>)
        %dma_wait3A = arith.constant 0 : i32
        %dma_wait3A_58 = tpu.memref_slice %arg2[%mul3A_50, %dma_wait3A] : memref<15625x128xf32, #tpu.memory_space<hbm>> -> memref<64x128xf32, #tpu.memory_space<hbm>>
        %dma_wait3A_59 = arith.constant 0 : i32
        %dma_wait3A_60 = tpu.memref_slice %arg2[%mul3A_50, %dma_wait3A_59] : memref<15625x128xf32, #tpu.memory_space<hbm>> -> memref<64x128xf32, #tpu.memory_space<hbm>>
        tpu.wait_dma2 semaphore(%run_scoped3A : memref<!tpu.dma_semaphore, #tpu.memory_space<semaphore_mem>>) src(%dma_wait3A_60 : memref<64x128xf32, #tpu.memory_space<hbm>>) dst(%arg7 : memref<64x128xf32, #tpu.memory_space<vmem>>)
        tpu.yield
      }) : () -> ()
      "tpu.region"() ({
        %run_scoped3A = tpu.sem_alloc : memref<!tpu.dma_semaphore, #tpu.memory_space<semaphore_mem>>
        %dma_start3A = arith.constant 0 : i32
        %dma_start3A_55 = tpu.memref_slice %arg3[%mul3A_50, %dma_start3A] : memref<15625x128xf32, #tpu.memory_space<hbm>> -> memref<64x128xf32, #tpu.memory_space<hbm>>
        %dma_start3A_56 = arith.constant 0 : i32
        %dma_start3A_57 = tpu.memref_slice %arg3[%mul3A_50, %dma_start3A_56] : memref<15625x128xf32, #tpu.memory_space<hbm>> -> memref<64x128xf32, #tpu.memory_space<hbm>>
        tpu.enqueue_dma source(%dma_start3A_57 : memref<64x128xf32, #tpu.memory_space<hbm>>) target(%arg8 : memref<64x128xf32, #tpu.memory_space<vmem>>) target_semaphore(%run_scoped3A : memref<!tpu.dma_semaphore, #tpu.memory_space<semaphore_mem>>)
        %dma_wait3A = arith.constant 0 : i32
        %dma_wait3A_58 = tpu.memref_slice %arg3[%mul3A_50, %dma_wait3A] : memref<15625x128xf32, #tpu.memory_space<hbm>> -> memref<64x128xf32, #tpu.memory_space<hbm>>
        %dma_wait3A_59 = arith.constant 0 : i32
        %dma_wait3A_60 = tpu.memref_slice %arg3[%mul3A_50, %dma_wait3A_59] : memref<15625x128xf32, #tpu.memory_space<hbm>> -> memref<64x128xf32, #tpu.memory_space<hbm>>
        tpu.wait_dma2 semaphore(%run_scoped3A : memref<!tpu.dma_semaphore, #tpu.memory_space<semaphore_mem>>) src(%dma_wait3A_60 : memref<64x128xf32, #tpu.memory_space<hbm>>) dst(%arg8 : memref<64x128xf32, #tpu.memory_space<vmem>>)
        tpu.yield
      }) : () -> ()
      %parallel_loop3A_51 = arith.constant 0 : i32
      %parallel_loop3A_52 = arith.constant 64 : i32
      %parallel_loop3A_53 = arith.constant 1 : i32
      %parallel_loop3A_54 = scf.for %parallel_loop3A_55 = %parallel_loop3A_51 to %parallel_loop3A_52 step %parallel_loop3A_53 iter_args(%parallel_loop3A_56 = %while3A_47) -> (vector<16xi32>)  : i32 {
        %parallel_loop3A_57 = arith.index_cast %parallel_loop3A_55 : i32 to index
        %parallel_loop3A_58 = arith.constant 0 : index
        %parallel_loop3A_59 = tpu.vector_load %arg7[%parallel_loop3A_57, %parallel_loop3A_58] {strides = array<i32>} : memref<64x128xf32, #tpu.memory_space<vmem>>, vector<16xf32>,
        %parallel_loop3A_60 = arith.index_cast %parallel_loop3A_55 : i32 to index
        %parallel_loop3A_61 = arith.constant 0 : index
        %parallel_loop3A_62 = tpu.vector_load %arg8[%parallel_loop3A_60, %parallel_loop3A_61] {strides = array<i32>} : memref<64x128xf32, #tpu.memory_space<vmem>>, vector<16xf32>,
        %parallel_loop3A_63 = arith.cmpf oge, %parallel_loop3A_59, %get3A_9 : vector<16xf32>
        %parallel_loop3A_64 = arith.cmpf ole, %parallel_loop3A_59, %get3A_17 : vector<16xf32>
        %parallel_loop3A_65 = arith.andi %parallel_loop3A_63, %parallel_loop3A_64 : vector<16xi1>
        %parallel_loop3A_66 = arith.cmpf oge, %parallel_loop3A_62, %get3A_13 : vector<16xf32>
        %parallel_loop3A_67 = arith.andi %parallel_loop3A_65, %parallel_loop3A_66 : vector<16xi1>
        %parallel_loop3A_68 = arith.cmpf ole, %parallel_loop3A_62, %get3A_21 : vector<16xf32>
        %parallel_loop3A_69 = arith.andi %parallel_loop3A_67, %parallel_loop3A_68 : vector<16xi1>
        %parallel_loop3A_70 = tpu.all_reduce %parallel_loop3A_69 {dim = 0 : i64, kind = #tpu.reduction_kind<sum>} : vector<16xi1> -> vector<16xi32>
        %parallel_loop3A_71 = arith.addi %parallel_loop3A_56, %parallel_loop3A_70 : vector<16xi32>
        %parallel_loop3A_72 = arith.index_cast %parallel_loop3A_55 : i32 to index
        %parallel_loop3A_73 = arith.constant 16 : index
        %parallel_loop3A_74 = tpu.vector_load %arg7[%parallel_loop3A_72, %parallel_loop3A_73] {strides = array<i32>} : memref<64x128xf32, #tpu.memory_space<vmem>>, vector<16xf32>,
        %parallel_loop3A_75 = arith.index_cast %parallel_loop3A_55 : i32 to index
        %parallel_loop3A_76 = arith.constant 16 : index
        %parallel_loop3A_77 = tpu.vector_load %arg8[%parallel_loop3A_75, %parallel_loop3A_76] {strides = array<i32>} : memref<64x128xf32, #tpu.memory_space<vmem>>, vector<16xf32>,
        %parallel_loop3A_78 = arith.cmpf oge, %parallel_loop3A_74, %get3A_9 : vector<16xf32>
        %parallel_loop3A_79 = arith.cmpf ole, %parallel_loop3A_74, %get3A_17 : vector<16xf32>
        %parallel_loop3A_80 = arith.andi %parallel_loop3A_78, %parallel_loop3A_79 : vector<16xi1>
        %parallel_loop3A_81 = arith.cmpf oge, %parallel_loop3A_77, %get3A_13 : vector<16xf32>
        %parallel_loop3A_82 = arith.andi %parallel_loop3A_80, %parallel_loop3A_81 : vector<16xi1>
        %parallel_loop3A_83 = arith.cmpf ole, %parallel_loop3A_77, %get3A_21 : vector<16xf32>
        %parallel_loop3A_84 = arith.andi %parallel_loop3A_82, %parallel_loop3A_83 : vector<16xi1>
        %parallel_loop3A_85 = tpu.all_reduce %parallel_loop3A_84 {dim = 0 : i64, kind = #tpu.reduction_kind<sum>} : vector<16xi1> -> vector<16xi32>
        %parallel_loop3A_86 = arith.addi %parallel_loop3A_71, %parallel_loop3A_85 : vector<16xi32>
        %parallel_loop3A_87 = arith.index_cast %parallel_loop3A_55 : i32 to index
        %parallel_loop3A_88 = arith.constant 32 : index
        %parallel_loop3A_89 = tpu.vector_load %arg7[%parallel_loop3A_87, %parallel_loop3A_88] {strides = array<i32>} : memref<64x128xf32, #tpu.memory_space<vmem>>, vector<16xf32>,
        %parallel_loop3A_90 = arith.index_cast %parallel_loop3A_55 : i32 to index
        %parallel_loop3A_91 = arith.constant 32 : index
        %parallel_loop3A_92 = tpu.vector_load %arg8[%parallel_loop3A_90, %parallel_loop3A_91] {strides = array<i32>} : memref<64x128xf32, #tpu.memory_space<vmem>>, vector<16xf32>,
        %parallel_loop3A_93 = arith.cmpf oge, %parallel_loop3A_89, %get3A_9 : vector<16xf32>
        %parallel_loop3A_94 = arith.cmpf ole, %parallel_loop3A_89, %get3A_17 : vector<16xf32>
        %parallel_loop3A_95 = arith.andi %parallel_loop3A_93, %parallel_loop3A_94 : vector<16xi1>
        %parallel_loop3A_96 = arith.cmpf oge, %parallel_loop3A_92, %get3A_13 : vector<16xf32>
        %parallel_loop3A_97 = arith.andi %parallel_loop3A_95, %parallel_loop3A_96 : vector<16xi1>
        %parallel_loop3A_98 = arith.cmpf ole, %parallel_loop3A_92, %get3A_21 : vector<16xf32>
        %parallel_loop3A_99 = arith.andi %parallel_loop3A_97, %parallel_loop3A_98 : vector<16xi1>
        %parallel_loop3A_100 = tpu.all_reduce %parallel_loop3A_99 {dim = 0 : i64, kind = #tpu.reduction_kind<sum>} : vector<16xi1> -> vector<16xi32>
        %parallel_loop3A_101 = arith.addi %parallel_loop3A_86, %parallel_loop3A_100 : vector<16xi32>
        %parallel_loop3A_102 = arith.index_cast %parallel_loop3A_55 : i32 to index
        %parallel_loop3A_103 = arith.constant 48 : index
        %parallel_loop3A_104 = tpu.vector_load %arg7[%parallel_loop3A_102, %parallel_loop3A_103] {strides = array<i32>} : memref<64x128xf32, #tpu.memory_space<vmem>>, vector<16xf32>,
        %parallel_loop3A_105 = arith.index_cast %parallel_loop3A_55 : i32 to index
        %parallel_loop3A_106 = arith.constant 48 : index
        %parallel_loop3A_107 = tpu.vector_load %arg8[%parallel_loop3A_105, %parallel_loop3A_106] {strides = array<i32>} : memref<64x128xf32, #tpu.memory_space<vmem>>, vector<16xf32>,
        %parallel_loop3A_108 = arith.cmpf oge, %parallel_loop3A_104, %get3A_9 : vector<16xf32>
        %parallel_loop3A_109 = arith.cmpf ole, %parallel_loop3A_104, %get3A_17 : vector<16xf32>
        %parallel_loop3A_110 = arith.andi %parallel_loop3A_108, %parallel_loop3A_109 : vector<16xi1>
        %parallel_loop3A_111 = arith.cmpf oge, %parallel_loop3A_107, %get3A_13 : vector<16xf32>
        %parallel_loop3A_112 = arith.andi %parallel_loop3A_110, %parallel_loop3A_111 : vector<16xi1>
        %parallel_loop3A_113 = arith.cmpf ole, %parallel_loop3A_107, %get3A_21 : vector<16xf32>
        %parallel_loop3A_114 = arith.andi %parallel_loop3A_112, %parallel_loop3A_113 : vector<16xi1>
        %parallel_loop3A_115 = tpu.all_reduce %parallel_loop3A_114 {dim = 0 : i64, kind = #tpu.reduction_kind<sum>} : vector<16xi1> -> vector<16xi32>
        %parallel_loop3A_116 = arith.addi %parallel_loop3A_101, %parallel_loop3A_115 : vector<16xi32>
        %parallel_loop3A_117 = arith.index_cast %parallel_loop3A_55 : i32 to index
        %parallel_loop3A_118 = arith.constant 64 : index
        %parallel_loop3A_119 = tpu.vector_load %arg7[%parallel_loop3A_117, %parallel_loop3A_118] {strides = array<i32>} : memref<64x128xf32, #tpu.memory_space<vmem>>, vector<16xf32>,
        %parallel_loop3A_120 = arith.index_cast %parallel_loop3A_55 : i32 to index
        %parallel_loop3A_121 = arith.constant 64 : index
        %parallel_loop3A_122 = tpu.vector_load %arg8[%parallel_loop3A_120, %parallel_loop3A_121] {strides = array<i32>} : memref<64x128xf32, #tpu.memory_space<vmem>>, vector<16xf32>,
        %parallel_loop3A_123 = arith.cmpf oge, %parallel_loop3A_119, %get3A_9 : vector<16xf32>
        %parallel_loop3A_124 = arith.cmpf ole, %parallel_loop3A_119, %get3A_17 : vector<16xf32>
        %parallel_loop3A_125 = arith.andi %parallel_loop3A_123, %parallel_loop3A_124 : vector<16xi1>
        %parallel_loop3A_126 = arith.cmpf oge, %parallel_loop3A_122, %get3A_13 : vector<16xf32>
        %parallel_loop3A_127 = arith.andi %parallel_loop3A_125, %parallel_loop3A_126 : vector<16xi1>
        %parallel_loop3A_128 = arith.cmpf ole, %parallel_loop3A_122, %get3A_21 : vector<16xf32>
        %parallel_loop3A_129 = arith.andi %parallel_loop3A_127, %parallel_loop3A_128 : vector<16xi1>
        %parallel_loop3A_130 = tpu.all_reduce %parallel_loop3A_129 {dim = 0 : i64, kind = #tpu.reduction_kind<sum>} : vector<16xi1> -> vector<16xi32>
        %parallel_loop3A_131 = arith.addi %parallel_loop3A_116, %parallel_loop3A_130 : vector<16xi32>
        %parallel_loop3A_132 = arith.index_cast %parallel_loop3A_55 : i32 to index
        %parallel_loop3A_133 = arith.constant 80 : index
        %parallel_loop3A_134 = tpu.vector_load %arg7[%parallel_loop3A_132, %parallel_loop3A_133] {strides = array<i32>} : memref<64x128xf32, #tpu.memory_space<vmem>>, vector<16xf32>,
        %parallel_loop3A_135 = arith.index_cast %parallel_loop3A_55 : i32 to index
        %parallel_loop3A_136 = arith.constant 80 : index
        %parallel_loop3A_137 = tpu.vector_load %arg8[%parallel_loop3A_135, %parallel_loop3A_136] {strides = array<i32>} : memref<64x128xf32, #tpu.memory_space<vmem>>, vector<16xf32>,
        %parallel_loop3A_138 = arith.cmpf oge, %parallel_loop3A_134, %get3A_9 : vector<16xf32>
        %parallel_loop3A_139 = arith.cmpf ole, %parallel_loop3A_134, %get3A_17 : vector<16xf32>
        %parallel_loop3A_140 = arith.andi %parallel_loop3A_138, %parallel_loop3A_139 : vector<16xi1>
        %parallel_loop3A_141 = arith.cmpf oge, %parallel_loop3A_137, %get3A_13 : vector<16xf32>
        %parallel_loop3A_142 = arith.andi %parallel_loop3A_140, %parallel_loop3A_141 : vector<16xi1>
        %parallel_loop3A_143 = arith.cmpf ole, %parallel_loop3A_137, %get3A_21 : vector<16xf32>
        %parallel_loop3A_144 = arith.andi %parallel_loop3A_142, %parallel_loop3A_143 : vector<16xi1>
        %parallel_loop3A_145 = tpu.all_reduce %parallel_loop3A_144 {dim = 0 : i64, kind = #tpu.reduction_kind<sum>} : vector<16xi1> -> vector<16xi32>
        %parallel_loop3A_146 = arith.addi %parallel_loop3A_131, %parallel_loop3A_145 : vector<16xi32>
        %parallel_loop3A_147 = arith.index_cast %parallel_loop3A_55 : i32 to index
        %parallel_loop3A_148 = arith.constant 96 : index
        %parallel_loop3A_149 = tpu.vector_load %arg7[%parallel_loop3A_147, %parallel_loop3A_148] {strides = array<i32>} : memref<64x128xf32, #tpu.memory_space<vmem>>, vector<16xf32>,
        %parallel_loop3A_150 = arith.index_cast %parallel_loop3A_55 : i32 to index
        %parallel_loop3A_151 = arith.constant 96 : index
        %parallel_loop3A_152 = tpu.vector_load %arg8[%parallel_loop3A_150, %parallel_loop3A_151] {strides = array<i32>} : memref<64x128xf32, #tpu.memory_space<vmem>>, vector<16xf32>,
        %parallel_loop3A_153 = arith.cmpf oge, %parallel_loop3A_149, %get3A_9 : vector<16xf32>
        %parallel_loop3A_154 = arith.cmpf ole, %parallel_loop3A_149, %get3A_17 : vector<16xf32>
        %parallel_loop3A_155 = arith.andi %parallel_loop3A_153, %parallel_loop3A_154 : vector<16xi1>
        %parallel_loop3A_156 = arith.cmpf oge, %parallel_loop3A_152, %get3A_13 : vector<16xf32>
        %parallel_loop3A_157 = arith.andi %parallel_loop3A_155, %parallel_loop3A_156 : vector<16xi1>
        %parallel_loop3A_158 = arith.cmpf ole, %parallel_loop3A_152, %get3A_21 : vector<16xf32>
        %parallel_loop3A_159 = arith.andi %parallel_loop3A_157, %parallel_loop3A_158 : vector<16xi1>
        %parallel_loop3A_160 = tpu.all_reduce %parallel_loop3A_159 {dim = 0 : i64, kind = #tpu.reduction_kind<sum>} : vector<16xi1> -> vector<16xi32>
        %parallel_loop3A_161 = arith.addi %parallel_loop3A_146, %parallel_loop3A_160 : vector<16xi32>
        %parallel_loop3A_162 = arith.index_cast %parallel_loop3A_55 : i32 to index
        %parallel_loop3A_163 = arith.constant 112 : index
        %parallel_loop3A_164 = tpu.vector_load %arg7[%parallel_loop3A_162, %parallel_loop3A_163] {strides = array<i32>} : memref<64x128xf32, #tpu.memory_space<vmem>>, vector<16xf32>,
        %parallel_loop3A_165 = arith.index_cast %parallel_loop3A_55 : i32 to index
        %parallel_loop3A_166 = arith.constant 112 : index
        %parallel_loop3A_167 = tpu.vector_load %arg8[%parallel_loop3A_165, %parallel_loop3A_166] {strides = array<i32>} : memref<64x128xf32, #tpu.memory_space<vmem>>, vector<16xf32>,
        %parallel_loop3A_168 = arith.cmpf oge, %parallel_loop3A_164, %get3A_9 : vector<16xf32>
        %parallel_loop3A_169 = arith.cmpf ole, %parallel_loop3A_164, %get3A_17 : vector<16xf32>
        %parallel_loop3A_170 = arith.andi %parallel_loop3A_168, %parallel_loop3A_169 : vector<16xi1>
        %parallel_loop3A_171 = arith.cmpf oge, %parallel_loop3A_167, %get3A_13 : vector<16xf32>
        %parallel_loop3A_172 = arith.andi %parallel_loop3A_170, %parallel_loop3A_171 : vector<16xi1>
        %parallel_loop3A_173 = arith.cmpf ole, %parallel_loop3A_167, %get3A_21 : vector<16xf32>
        %parallel_loop3A_174 = arith.andi %parallel_loop3A_172, %parallel_loop3A_173 : vector<16xi1>
        %parallel_loop3A_175 = tpu.all_reduce %parallel_loop3A_174 {dim = 0 : i64, kind = #tpu.reduction_kind<sum>} : vector<16xi1> -> vector<16xi32>
        %parallel_loop3A_176 = arith.addi %parallel_loop3A_161, %parallel_loop3A_175 : vector<16xi32>
        %parallel_loop3A_177 = arith.constant 0 : i32
        %parallel_loop3A_178 = vector.broadcast %parallel_loop3A_177 : i32 to vector<16xi32>
        %parallel_loop3A_179 = arith.muli %iota3A, %parallel_loop3A_178 : vector<16xi32>
        %parallel_loop3A_180 = vector.broadcast %parallel_loop3A_55 : i32 to vector<16xi32>
        %parallel_loop3A_181 = arith.addi %parallel_loop3A_179, %parallel_loop3A_180 : vector<16xi32>
        tpu.vector_store_idx %arg9[%parallel_loop3A_181], %parallel_loop3A_176 masked %eq3A_23 : memref<64xi32, #tpu.memory_space<vmem>>[vector<16xi32>], vector<16xi32>, vector<16xi1>
        scf.yield %parallel_loop3A_176 : vector<16xi32>
      } {sc.loop_unroll_factor = 2 : i64, sc.parallel_access}
      "tpu.region"() ({
        %run_scoped3A = tpu.sem_alloc : memref<!tpu.dma_semaphore, #tpu.memory_space<semaphore_mem>>
        %dma_start3A = arith.constant 0 : i32
        %dma_start3A_55 = tpu.memref_slice %arg9[%dma_start3A] : memref<64xi32, #tpu.memory_space<vmem>> -> memref<64xi32, #tpu.memory_space<vmem>>
        %dma_start3A_56 = tpu.memref_slice %arg6[%mul3A_50] : memref<15625xi32, #tpu.memory_space<hbm>> -> memref<64xi32, #tpu.memory_space<hbm>>
        %dma_start3A_57 = tpu.memref_slice %arg6[%mul3A_50] : memref<15625xi32, #tpu.memory_space<hbm>> -> memref<64xi32, #tpu.memory_space<hbm>>
        %dma_start3A_58 = arith.constant 0 : i32
        %dma_start3A_59 = tpu.memref_slice %arg9[%dma_start3A_58] : memref<64xi32, #tpu.memory_space<vmem>> -> memref<64xi32, #tpu.memory_space<vmem>>
        tpu.enqueue_dma source(%dma_start3A_59 : memref<64xi32, #tpu.memory_space<vmem>>) target(%dma_start3A_57 : memref<64xi32, #tpu.memory_space<hbm>>) target_semaphore(%run_scoped3A : memref<!tpu.dma_semaphore, #tpu.memory_space<semaphore_mem>>)
        %dma_wait3A = arith.constant 0 : i32
        %dma_wait3A_60 = tpu.memref_slice %arg9[%dma_wait3A] : memref<64xi32, #tpu.memory_space<vmem>> -> memref<64xi32, #tpu.memory_space<vmem>>
        %dma_wait3A_61 = tpu.memref_slice %arg6[%mul3A_50] : memref<15625xi32, #tpu.memory_space<hbm>> -> memref<64xi32, #tpu.memory_space<hbm>>
        %dma_wait3A_62 = tpu.memref_slice %arg6[%mul3A_50] : memref<15625xi32, #tpu.memory_space<hbm>> -> memref<64xi32, #tpu.memory_space<hbm>>
        %dma_wait3A_63 = arith.constant 0 : i32
        %dma_wait3A_64 = tpu.memref_slice %arg9[%dma_wait3A_63] : memref<64xi32, #tpu.memory_space<vmem>> -> memref<64xi32, #tpu.memory_space<vmem>>
        tpu.wait_dma2 semaphore(%run_scoped3A : memref<!tpu.dma_semaphore, #tpu.memory_space<semaphore_mem>>) src(%dma_wait3A_64 : memref<64xi32, #tpu.memory_space<vmem>>) dst(%dma_wait3A_62 : memref<64xi32, #tpu.memory_space<hbm>>)
        tpu.yield
      }) : () -> ()
      scf.yield %parallel_loop3A_54 : vector<16xi32>
    }
    "tpu.region"() ({
      %run_scoped3A = tpu.sem_alloc : memref<!tpu.dma_semaphore, #tpu.memory_space<semaphore_mem>>
      %dma_start3A = arith.constant 0 : i32
      %dma_start3A_46 = arith.constant 0 : i32
      %dma_start3A_47 = tpu.memref_slice %arg7[%dma_start3A, %dma_start3A_46] : memref<64x128xf32, #tpu.memory_space<vmem>> -> memref<9x128xf32, #tpu.memory_space<vmem>>
      %dma_start3A_48 = arith.constant 15616 : i32
      %dma_start3A_49 = arith.constant 0 : i32
      %dma_start3A_50 = tpu.memref_slice %arg2[%dma_start3A_48, %dma_start3A_49] : memref<15625x128xf32, #tpu.memory_space<hbm>> -> memref<9x128xf32, #tpu.memory_space<hbm>>
      %dma_start3A_51 = arith.constant 0 : i32
      %dma_start3A_52 = arith.constant 0 : i32
      %dma_start3A_53 = tpu.memref_slice %arg7[%dma_start3A_51, %dma_start3A_52] : memref<64x128xf32, #tpu.memory_space<vmem>> -> memref<9x128xf32, #tpu.memory_space<vmem>>
      %dma_start3A_54 = arith.constant 15616 : i32
      %dma_start3A_55 = arith.constant 0 : i32
      %dma_start3A_56 = tpu.memref_slice %arg2[%dma_start3A_54, %dma_start3A_55] : memref<15625x128xf32, #tpu.memory_space<hbm>> -> memref<9x128xf32, #tpu.memory_space<hbm>>
      tpu.enqueue_dma source(%dma_start3A_56 : memref<9x128xf32, #tpu.memory_space<hbm>>) target(%dma_start3A_53 : memref<9x128xf32, #tpu.memory_space<vmem>>) target_semaphore(%run_scoped3A : memref<!tpu.dma_semaphore, #tpu.memory_space<semaphore_mem>>)
      %dma_wait3A = arith.constant 0 : i32
      %dma_wait3A_57 = arith.constant 0 : i32
      %dma_wait3A_58 = tpu.memref_slice %arg7[%dma_wait3A, %dma_wait3A_57] : memref<64x128xf32, #tpu.memory_space<vmem>> -> memref<9x128xf32, #tpu.memory_space<vmem>>
      %dma_wait3A_59 = arith.constant 15616 : i32
      %dma_wait3A_60 = arith.constant 0 : i32
      %dma_wait3A_61 = tpu.memref_slice %arg2[%dma_wait3A_59, %dma_wait3A_60] : memref<15625x128xf32, #tpu.memory_space<hbm>> -> memref<9x128xf32, #tpu.memory_space<hbm>>
      %dma_wait3A_62 = arith.constant 0 : i32
      %dma_wait3A_63 = arith.constant 0 : i32
      %dma_wait3A_64 = tpu.memref_slice %arg7[%dma_wait3A_62, %dma_wait3A_63] : memref<64x128xf32, #tpu.memory_space<vmem>> -> memref<9x128xf32, #tpu.memory_space<vmem>>
      %dma_wait3A_65 = arith.constant 15616 : i32
      %dma_wait3A_66 = arith.constant 0 : i32
      %dma_wait3A_67 = tpu.memref_slice %arg2[%dma_wait3A_65, %dma_wait3A_66] : memref<15625x128xf32, #tpu.memory_space<hbm>> -> memref<9x128xf32, #tpu.memory_space<hbm>>
      tpu.wait_dma2 semaphore(%run_scoped3A : memref<!tpu.dma_semaphore, #tpu.memory_space<semaphore_mem>>) src(%dma_wait3A_67 : memref<9x128xf32, #tpu.memory_space<hbm>>) dst(%dma_wait3A_64 : memref<9x128xf32, #tpu.memory_space<vmem>>)
      tpu.yield
    }) : () -> ()
    "tpu.region"() ({
      %run_scoped3A = tpu.sem_alloc : memref<!tpu.dma_semaphore, #tpu.memory_space<semaphore_mem>>
      %dma_start3A = arith.constant 0 : i32
      %dma_start3A_46 = arith.constant 0 : i32
      %dma_start3A_47 = tpu.memref_slice %arg8[%dma_start3A, %dma_start3A_46] : memref<64x128xf32, #tpu.memory_space<vmem>> -> memref<9x128xf32, #tpu.memory_space<vmem>>
      %dma_start3A_48 = arith.constant 15616 : i32
      %dma_start3A_49 = arith.constant 0 : i32
      %dma_start3A_50 = tpu.memref_slice %arg3[%dma_start3A_48, %dma_start3A_49] : memref<15625x128xf32, #tpu.memory_space<hbm>> -> memref<9x128xf32, #tpu.memory_space<hbm>>
      %dma_start3A_51 = arith.constant 0 : i32
      %dma_start3A_52 = arith.constant 0 : i32
      %dma_start3A_53 = tpu.memref_slice %arg8[%dma_start3A_51, %dma_start3A_52] : memref<64x128xf32, #tpu.memory_space<vmem>> -> memref<9x128xf32, #tpu.memory_space<vmem>>
      %dma_start3A_54 = arith.constant 15616 : i32
      %dma_start3A_55 = arith.constant 0 : i32
      %dma_start3A_56 = tpu.memref_slice %arg3[%dma_start3A_54, %dma_start3A_55] : memref<15625x128xf32, #tpu.memory_space<hbm>> -> memref<9x128xf32, #tpu.memory_space<hbm>>
      tpu.enqueue_dma source(%dma_start3A_56 : memref<9x128xf32, #tpu.memory_space<hbm>>) target(%dma_start3A_53 : memref<9x128xf32, #tpu.memory_space<vmem>>) target_semaphore(%run_scoped3A : memref<!tpu.dma_semaphore, #tpu.memory_space<semaphore_mem>>)
      %dma_wait3A = arith.constant 0 : i32
      %dma_wait3A_57 = arith.constant 0 : i32
      %dma_wait3A_58 = tpu.memref_slice %arg8[%dma_wait3A, %dma_wait3A_57] : memref<64x128xf32, #tpu.memory_space<vmem>> -> memref<9x128xf32, #tpu.memory_space<vmem>>
      %dma_wait3A_59 = arith.constant 15616 : i32
      %dma_wait3A_60 = arith.constant 0 : i32
      %dma_wait3A_61 = tpu.memref_slice %arg3[%dma_wait3A_59, %dma_wait3A_60] : memref<15625x128xf32, #tpu.memory_space<hbm>> -> memref<9x128xf32, #tpu.memory_space<hbm>>
      %dma_wait3A_62 = arith.constant 0 : i32
      %dma_wait3A_63 = arith.constant 0 : i32
      %dma_wait3A_64 = tpu.memref_slice %arg8[%dma_wait3A_62, %dma_wait3A_63] : memref<64x128xf32, #tpu.memory_space<vmem>> -> memref<9x128xf32, #tpu.memory_space<vmem>>
      %dma_wait3A_65 = arith.constant 15616 : i32
      %dma_wait3A_66 = arith.constant 0 : i32
      %dma_wait3A_67 = tpu.memref_slice %arg3[%dma_wait3A_65, %dma_wait3A_66] : memref<15625x128xf32, #tpu.memory_space<hbm>> -> memref<9x128xf32, #tpu.memory_space<hbm>>
      tpu.wait_dma2 semaphore(%run_scoped3A : memref<!tpu.dma_semaphore, #tpu.memory_space<semaphore_mem>>) src(%dma_wait3A_67 : memref<9x128xf32, #tpu.memory_space<hbm>>) dst(%dma_wait3A_64 : memref<9x128xf32, #tpu.memory_space<vmem>>)
      tpu.yield
    }) : () -> ()
    %eq3A_35 = arith.constant 31 : i32
    %eq3A_36 = arith.cmpi eq, %add3A, %eq3A_35 : i32
    %jit3A_37 = arith.constant 0 : i32
    %jit3A_38 = arith.constant 9 : i32
    %select_n3A_39 = arith.select %eq3A_36, %jit3A_37, %jit3A_38 : i32
    %parallel_loop3A = arith.constant 9 : i32
    %parallel_loop3A_40 = arith.constant 1 : i32
    %parallel_loop3A_41 = scf.for %parallel_loop3A_46 = %select_n3A_39 to %parallel_loop3A step %parallel_loop3A_40 iter_args(%parallel_loop3A_47 = %while3A_34) -> (vector<16xi32>)  : i32 {
      %parallel_loop3A_48 = arith.index_cast %parallel_loop3A_46 : i32 to index
      %parallel_loop3A_49 = arith.constant 0 : index
      %parallel_loop3A_50 = tpu.vector_load %arg7[%parallel_loop3A_48, %parallel_loop3A_49] {strides = array<i32>} : memref<64x128xf32, #tpu.memory_space<vmem>>, vector<16xf32>,
      %parallel_loop3A_51 = arith.index_cast %parallel_loop3A_46 : i32 to index
      %parallel_loop3A_52 = arith.constant 0 : index
      %parallel_loop3A_53 = tpu.vector_load %arg8[%parallel_loop3A_51, %parallel_loop3A_52] {strides = array<i32>} : memref<64x128xf32, #tpu.memory_space<vmem>>, vector<16xf32>,
      %parallel_loop3A_54 = arith.cmpf oge, %parallel_loop3A_50, %get3A_9 : vector<16xf32>
      %parallel_loop3A_55 = arith.cmpf ole, %parallel_loop3A_50, %get3A_17 : vector<16xf32>
      %parallel_loop3A_56 = arith.andi %parallel_loop3A_54, %parallel_loop3A_55 : vector<16xi1>
      %parallel_loop3A_57 = arith.cmpf oge, %parallel_loop3A_53, %get3A_13 : vector<16xf32>
      %parallel_loop3A_58 = arith.andi %parallel_loop3A_56, %parallel_loop3A_57 : vector<16xi1>
      %parallel_loop3A_59 = arith.cmpf ole, %parallel_loop3A_53, %get3A_21 : vector<16xf32>
      %parallel_loop3A_60 = arith.andi %parallel_loop3A_58, %parallel_loop3A_59 : vector<16xi1>
      %parallel_loop3A_61 = tpu.all_reduce %parallel_loop3A_60 {dim = 0 : i64, kind = #tpu.reduction_kind<sum>} : vector<16xi1> -> vector<16xi32>
      %parallel_loop3A_62 = arith.addi %parallel_loop3A_47, %parallel_loop3A_61 : vector<16xi32>
      %parallel_loop3A_63 = arith.index_cast %parallel_loop3A_46 : i32 to index
      %parallel_loop3A_64 = arith.constant 16 : index
      %parallel_loop3A_65 = tpu.vector_load %arg7[%parallel_loop3A_63, %parallel_loop3A_64] {strides = array<i32>} : memref<64x128xf32, #tpu.memory_space<vmem>>, vector<16xf32>,
      %parallel_loop3A_66 = arith.index_cast %parallel_loop3A_46 : i32 to index
      %parallel_loop3A_67 = arith.constant 16 : index
      %parallel_loop3A_68 = tpu.vector_load %arg8[%parallel_loop3A_66, %parallel_loop3A_67] {strides = array<i32>} : memref<64x128xf32, #tpu.memory_space<vmem>>, vector<16xf32>,
      %parallel_loop3A_69 = arith.cmpf oge, %parallel_loop3A_65, %get3A_9 : vector<16xf32>
      %parallel_loop3A_70 = arith.cmpf ole, %parallel_loop3A_65, %get3A_17 : vector<16xf32>
      %parallel_loop3A_71 = arith.andi %parallel_loop3A_69, %parallel_loop3A_70 : vector<16xi1>
      %parallel_loop3A_72 = arith.cmpf oge, %parallel_loop3A_68, %get3A_13 : vector<16xf32>
      %parallel_loop3A_73 = arith.andi %parallel_loop3A_71, %parallel_loop3A_72 : vector<16xi1>
      %parallel_loop3A_74 = arith.cmpf ole, %parallel_loop3A_68, %get3A_21 : vector<16xf32>
      %parallel_loop3A_75 = arith.andi %parallel_loop3A_73, %parallel_loop3A_74 : vector<16xi1>
      %parallel_loop3A_76 = tpu.all_reduce %parallel_loop3A_75 {dim = 0 : i64, kind = #tpu.reduction_kind<sum>} : vector<16xi1> -> vector<16xi32>
      %parallel_loop3A_77 = arith.addi %parallel_loop3A_62, %parallel_loop3A_76 : vector<16xi32>
      %parallel_loop3A_78 = arith.index_cast %parallel_loop3A_46 : i32 to index
      %parallel_loop3A_79 = arith.constant 32 : index
      %parallel_loop3A_80 = tpu.vector_load %arg7[%parallel_loop3A_78, %parallel_loop3A_79] {strides = array<i32>} : memref<64x128xf32, #tpu.memory_space<vmem>>, vector<16xf32>,
      %parallel_loop3A_81 = arith.index_cast %parallel_loop3A_46 : i32 to index
      %parallel_loop3A_82 = arith.constant 32 : index
      %parallel_loop3A_83 = tpu.vector_load %arg8[%parallel_loop3A_81, %parallel_loop3A_82] {strides = array<i32>} : memref<64x128xf32, #tpu.memory_space<vmem>>, vector<16xf32>,
      %parallel_loop3A_84 = arith.cmpf oge, %parallel_loop3A_80, %get3A_9 : vector<16xf32>
      %parallel_loop3A_85 = arith.cmpf ole, %parallel_loop3A_80, %get3A_17 : vector<16xf32>
      %parallel_loop3A_86 = arith.andi %parallel_loop3A_84, %parallel_loop3A_85 : vector<16xi1>
      %parallel_loop3A_87 = arith.cmpf oge, %parallel_loop3A_83, %get3A_13 : vector<16xf32>
      %parallel_loop3A_88 = arith.andi %parallel_loop3A_86, %parallel_loop3A_87 : vector<16xi1>
      %parallel_loop3A_89 = arith.cmpf ole, %parallel_loop3A_83, %get3A_21 : vector<16xf32>
      %parallel_loop3A_90 = arith.andi %parallel_loop3A_88, %parallel_loop3A_89 : vector<16xi1>
      %parallel_loop3A_91 = tpu.all_reduce %parallel_loop3A_90 {dim = 0 : i64, kind = #tpu.reduction_kind<sum>} : vector<16xi1> -> vector<16xi32>
      %parallel_loop3A_92 = arith.addi %parallel_loop3A_77, %parallel_loop3A_91 : vector<16xi32>
      %parallel_loop3A_93 = arith.index_cast %parallel_loop3A_46 : i32 to index
      %parallel_loop3A_94 = arith.constant 48 : index
      %parallel_loop3A_95 = tpu.vector_load %arg7[%parallel_loop3A_93, %parallel_loop3A_94] {strides = array<i32>} : memref<64x128xf32, #tpu.memory_space<vmem>>, vector<16xf32>,
      %parallel_loop3A_96 = arith.index_cast %parallel_loop3A_46 : i32 to index
      %parallel_loop3A_97 = arith.constant 48 : index
      %parallel_loop3A_98 = tpu.vector_load %arg8[%parallel_loop3A_96, %parallel_loop3A_97] {strides = array<i32>} : memref<64x128xf32, #tpu.memory_space<vmem>>, vector<16xf32>,
      %parallel_loop3A_99 = arith.cmpf oge, %parallel_loop3A_95, %get3A_9 : vector<16xf32>
      %parallel_loop3A_100 = arith.cmpf ole, %parallel_loop3A_95, %get3A_17 : vector<16xf32>
      %parallel_loop3A_101 = arith.andi %parallel_loop3A_99, %parallel_loop3A_100 : vector<16xi1>
      %parallel_loop3A_102 = arith.cmpf oge, %parallel_loop3A_98, %get3A_13 : vector<16xf32>
      %parallel_loop3A_103 = arith.andi %parallel_loop3A_101, %parallel_loop3A_102 : vector<16xi1>
      %parallel_loop3A_104 = arith.cmpf ole, %parallel_loop3A_98, %get3A_21 : vector<16xf32>
      %parallel_loop3A_105 = arith.andi %parallel_loop3A_103, %parallel_loop3A_104 : vector<16xi1>
      %parallel_loop3A_106 = tpu.all_reduce %parallel_loop3A_105 {dim = 0 : i64, kind = #tpu.reduction_kind<sum>} : vector<16xi1> -> vector<16xi32>
      %parallel_loop3A_107 = arith.addi %parallel_loop3A_92, %parallel_loop3A_106 : vector<16xi32>
      %parallel_loop3A_108 = arith.index_cast %parallel_loop3A_46 : i32 to index
      %parallel_loop3A_109 = arith.constant 64 : index
      %parallel_loop3A_110 = tpu.vector_load %arg7[%parallel_loop3A_108, %parallel_loop3A_109] {strides = array<i32>} : memref<64x128xf32, #tpu.memory_space<vmem>>, vector<16xf32>,
      %parallel_loop3A_111 = arith.index_cast %parallel_loop3A_46 : i32 to index
      %parallel_loop3A_112 = arith.constant 64 : index
      %parallel_loop3A_113 = tpu.vector_load %arg8[%parallel_loop3A_111, %parallel_loop3A_112] {strides = array<i32>} : memref<64x128xf32, #tpu.memory_space<vmem>>, vector<16xf32>,
      %parallel_loop3A_114 = arith.cmpf oge, %parallel_loop3A_110, %get3A_9 : vector<16xf32>
      %parallel_loop3A_115 = arith.cmpf ole, %parallel_loop3A_110, %get3A_17 : vector<16xf32>
      %parallel_loop3A_116 = arith.andi %parallel_loop3A_114, %parallel_loop3A_115 : vector<16xi1>
      %parallel_loop3A_117 = arith.cmpf oge, %parallel_loop3A_113, %get3A_13 : vector<16xf32>
      %parallel_loop3A_118 = arith.andi %parallel_loop3A_116, %parallel_loop3A_117 : vector<16xi1>
      %parallel_loop3A_119 = arith.cmpf ole, %parallel_loop3A_113, %get3A_21 : vector<16xf32>
      %parallel_loop3A_120 = arith.andi %parallel_loop3A_118, %parallel_loop3A_119 : vector<16xi1>
      %parallel_loop3A_121 = tpu.all_reduce %parallel_loop3A_120 {dim = 0 : i64, kind = #tpu.reduction_kind<sum>} : vector<16xi1> -> vector<16xi32>
      %parallel_loop3A_122 = arith.addi %parallel_loop3A_107, %parallel_loop3A_121 : vector<16xi32>
      %parallel_loop3A_123 = arith.index_cast %parallel_loop3A_46 : i32 to index
      %parallel_loop3A_124 = arith.constant 80 : index
      %parallel_loop3A_125 = tpu.vector_load %arg7[%parallel_loop3A_123, %parallel_loop3A_124] {strides = array<i32>} : memref<64x128xf32, #tpu.memory_space<vmem>>, vector<16xf32>,
      %parallel_loop3A_126 = arith.index_cast %parallel_loop3A_46 : i32 to index
      %parallel_loop3A_127 = arith.constant 80 : index
      %parallel_loop3A_128 = tpu.vector_load %arg8[%parallel_loop3A_126, %parallel_loop3A_127] {strides = array<i32>} : memref<64x128xf32, #tpu.memory_space<vmem>>, vector<16xf32>,
      %parallel_loop3A_129 = arith.cmpf oge, %parallel_loop3A_125, %get3A_9 : vector<16xf32>
      %parallel_loop3A_130 = arith.cmpf ole, %parallel_loop3A_125, %get3A_17 : vector<16xf32>
      %parallel_loop3A_131 = arith.andi %parallel_loop3A_129, %parallel_loop3A_130 : vector<16xi1>
      %parallel_loop3A_132 = arith.cmpf oge, %parallel_loop3A_128, %get3A_13 : vector<16xf32>
      %parallel_loop3A_133 = arith.andi %parallel_loop3A_131, %parallel_loop3A_132 : vector<16xi1>
      %parallel_loop3A_134 = arith.cmpf ole, %parallel_loop3A_128, %get3A_21 : vector<16xf32>
      %parallel_loop3A_135 = arith.andi %parallel_loop3A_133, %parallel_loop3A_134 : vector<16xi1>
      %parallel_loop3A_136 = tpu.all_reduce %parallel_loop3A_135 {dim = 0 : i64, kind = #tpu.reduction_kind<sum>} : vector<16xi1> -> vector<16xi32>
      %parallel_loop3A_137 = arith.addi %parallel_loop3A_122, %parallel_loop3A_136 : vector<16xi32>
      %parallel_loop3A_138 = arith.index_cast %parallel_loop3A_46 : i32 to index
      %parallel_loop3A_139 = arith.constant 96 : index
      %parallel_loop3A_140 = tpu.vector_load %arg7[%parallel_loop3A_138, %parallel_loop3A_139] {strides = array<i32>} : memref<64x128xf32, #tpu.memory_space<vmem>>, vector<16xf32>,
      %parallel_loop3A_141 = arith.index_cast %parallel_loop3A_46 : i32 to index
      %parallel_loop3A_142 = arith.constant 96 : index
      %parallel_loop3A_143 = tpu.vector_load %arg8[%parallel_loop3A_141, %parallel_loop3A_142] {strides = array<i32>} : memref<64x128xf32, #tpu.memory_space<vmem>>, vector<16xf32>,
      %parallel_loop3A_144 = arith.cmpf oge, %parallel_loop3A_140, %get3A_9 : vector<16xf32>
      %parallel_loop3A_145 = arith.cmpf ole, %parallel_loop3A_140, %get3A_17 : vector<16xf32>
      %parallel_loop3A_146 = arith.andi %parallel_loop3A_144, %parallel_loop3A_145 : vector<16xi1>
      %parallel_loop3A_147 = arith.cmpf oge, %parallel_loop3A_143, %get3A_13 : vector<16xf32>
      %parallel_loop3A_148 = arith.andi %parallel_loop3A_146, %parallel_loop3A_147 : vector<16xi1>
      %parallel_loop3A_149 = arith.cmpf ole, %parallel_loop3A_143, %get3A_21 : vector<16xf32>
      %parallel_loop3A_150 = arith.andi %parallel_loop3A_148, %parallel_loop3A_149 : vector<16xi1>
      %parallel_loop3A_151 = tpu.all_reduce %parallel_loop3A_150 {dim = 0 : i64, kind = #tpu.reduction_kind<sum>} : vector<16xi1> -> vector<16xi32>
      %parallel_loop3A_152 = arith.addi %parallel_loop3A_137, %parallel_loop3A_151 : vector<16xi32>
      %parallel_loop3A_153 = arith.index_cast %parallel_loop3A_46 : i32 to index
      %parallel_loop3A_154 = arith.constant 112 : index
      %parallel_loop3A_155 = tpu.vector_load %arg7[%parallel_loop3A_153, %parallel_loop3A_154] {strides = array<i32>} : memref<64x128xf32, #tpu.memory_space<vmem>>, vector<16xf32>,
      %parallel_loop3A_156 = arith.index_cast %parallel_loop3A_46 : i32 to index
      %parallel_loop3A_157 = arith.constant 112 : index
      %parallel_loop3A_158 = tpu.vector_load %arg8[%parallel_loop3A_156, %parallel_loop3A_157] {strides = array<i32>} : memref<64x128xf32, #tpu.memory_space<vmem>>, vector<16xf32>,
      %parallel_loop3A_159 = arith.cmpf oge, %parallel_loop3A_155, %get3A_9 : vector<16xf32>
      %parallel_loop3A_160 = arith.cmpf ole, %parallel_loop3A_155, %get3A_17 : vector<16xf32>
      %parallel_loop3A_161 = arith.andi %parallel_loop3A_159, %parallel_loop3A_160 : vector<16xi1>
      %parallel_loop3A_162 = arith.cmpf oge, %parallel_loop3A_158, %get3A_13 : vector<16xf32>
      %parallel_loop3A_163 = arith.andi %parallel_loop3A_161, %parallel_loop3A_162 : vector<16xi1>
      %parallel_loop3A_164 = arith.cmpf ole, %parallel_loop3A_158, %get3A_21 : vector<16xf32>
      %parallel_loop3A_165 = arith.andi %parallel_loop3A_163, %parallel_loop3A_164 : vector<16xi1>
      %parallel_loop3A_166 = tpu.all_reduce %parallel_loop3A_165 {dim = 0 : i64, kind = #tpu.reduction_kind<sum>} : vector<16xi1> -> vector<16xi32>
      %parallel_loop3A_167 = arith.addi %parallel_loop3A_152, %parallel_loop3A_166 : vector<16xi32>
      %parallel_loop3A_168 = arith.constant 0 : i32
      %parallel_loop3A_169 = vector.broadcast %parallel_loop3A_168 : i32 to vector<16xi32>
      %parallel_loop3A_170 = arith.muli %iota3A, %parallel_loop3A_169 : vector<16xi32>
      %parallel_loop3A_171 = vector.broadcast %parallel_loop3A_46 : i32 to vector<16xi32>
      %parallel_loop3A_172 = arith.addi %parallel_loop3A_170, %parallel_loop3A_171 : vector<16xi32>
      tpu.vector_store_idx %arg9[%parallel_loop3A_172], %parallel_loop3A_167 masked %eq3A_23 : memref<64xi32, #tpu.memory_space<vmem>>[vector<16xi32>], vector<16xi32>, vector<16xi1>
      scf.yield %parallel_loop3A_167 : vector<16xi32>
    } {sc.loop_unroll_factor = 2 : i64, sc.parallel_access}
    %eq3A_42 = arith.constant 31 : i32
    %eq3A_43 = arith.cmpi eq, %add3A, %eq3A_42 : i32
    %convert_element_type3A = arith.extui %eq3A_43 : i1 to i32
    %cond3A = arith.constant 0 : i32
    %cond3A_44 = arith.cmpi ne, %convert_element_type3A, %cond3A : i32
    scf.if %cond3A_44 {
      "tpu.region"() ({
        %run_scoped3A = tpu.sem_alloc : memref<!tpu.dma_semaphore, #tpu.memory_space<semaphore_mem>>
        %dma_start3A = arith.constant 0 : i32
        %dma_start3A_46 = tpu.memref_slice %arg9[%dma_start3A] : memref<64xi32, #tpu.memory_space<vmem>> -> memref<9xi32, #tpu.memory_space<vmem>>
        %dma_start3A_47 = arith.constant 15616 : i32
        %dma_start3A_48 = tpu.memref_slice %arg6[%dma_start3A_47] : memref<15625xi32, #tpu.memory_space<hbm>> -> memref<9xi32, #tpu.memory_space<hbm>>
        %dma_start3A_49 = arith.constant 15616 : i32
        %dma_start3A_50 = tpu.memref_slice %arg6[%dma_start3A_49] : memref<15625xi32, #tpu.memory_space<hbm>> -> memref<9xi32, #tpu.memory_space<hbm>>
        %dma_start3A_51 = arith.constant 0 : i32
        %dma_start3A_52 = tpu.memref_slice %arg9[%dma_start3A_51] : memref<64xi32, #tpu.memory_space<vmem>> -> memref<9xi32, #tpu.memory_space<vmem>>
        tpu.enqueue_dma source(%dma_start3A_52 : memref<9xi32, #tpu.memory_space<vmem>>) target(%dma_start3A_50 : memref<9xi32, #tpu.memory_space<hbm>>) target_semaphore(%run_scoped3A : memref<!tpu.dma_semaphore, #tpu.memory_space<semaphore_mem>>)
        %dma_wait3A = arith.constant 0 : i32
        %dma_wait3A_53 = tpu.memref_slice %arg9[%dma_wait3A] : memref<64xi32, #tpu.memory_space<vmem>> -> memref<9xi32, #tpu.memory_space<vmem>>
        %dma_wait3A_54 = arith.constant 15616 : i32
        %dma_wait3A_55 = tpu.memref_slice %arg6[%dma_wait3A_54] : memref<15625xi32, #tpu.memory_space<hbm>> -> memref<9xi32, #tpu.memory_space<hbm>>
        %dma_wait3A_56 = arith.constant 15616 : i32
        %dma_wait3A_57 = tpu.memref_slice %arg6[%dma_wait3A_56] : memref<15625xi32, #tpu.memory_space<hbm>> -> memref<9xi32, #tpu.memory_space<hbm>>
        %dma_wait3A_58 = arith.constant 0 : i32
        %dma_wait3A_59 = tpu.memref_slice %arg9[%dma_wait3A_58] : memref<64xi32, #tpu.memory_space<vmem>> -> memref<9xi32, #tpu.memory_space<vmem>>
        tpu.wait_dma2 semaphore(%run_scoped3A : memref<!tpu.dma_semaphore, #tpu.memory_space<semaphore_mem>>) src(%dma_wait3A_59 : memref<9xi32, #tpu.memory_space<vmem>>) dst(%dma_wait3A_57 : memref<9xi32, #tpu.memory_space<hbm>>)
        tpu.yield
      }) : () -> ()
    } else {
    }
    %swap3A = arith.constant 0 : index
    %swap3A_45 = tpu.vector_load %arg11[%swap3A] {strides = array<i32>} : memref<16xi32, #tpu.memory_space<vmem>>, vector<16xi32>,
    tpu.vector_store %arg11[%swap3A], %parallel_loop3A_41 {strides = array<i32>} : memref<16xi32, #tpu.memory_space<vmem>>, vector<16xi32>,
    "tpu.region"() ({
      %run_scoped3A = tpu.sem_alloc : memref<!tpu.dma_semaphore, #tpu.memory_space<semaphore_mem>>
      %dma_start3A = arith.constant 0 : i32
      %dma_start3A_46 = tpu.memref_slice %arg5[%add3A, %dma_start3A] : memref<32x16xi32, #tpu.memory_space<hbm>> -> memref<1x16xi32, #tpu.memory_space<hbm>>
      %dma_start3A_47 = tpu.memref_squeeze %dma_start3A_46 : memref<1x16xi32, #tpu.memory_space<hbm>> -> memref<16xi32, #tpu.memory_space<hbm>>
      %dma_start3A_48 = arith.constant 0 : i32
      %dma_start3A_49 = tpu.memref_slice %arg5[%add3A, %dma_start3A_48] : memref<32x16xi32, #tpu.memory_space<hbm>> -> memref<1x16xi32, #tpu.memory_space<hbm>>
      %dma_start3A_50 = tpu.memref_squeeze %dma_start3A_49 : memref<1x16xi32, #tpu.memory_space<hbm>> -> memref<16xi32, #tpu.memory_space<hbm>>
      tpu.enqueue_dma source(%arg11 : memref<16xi32, #tpu.memory_space<vmem>>) target(%dma_start3A_50 : memref<16xi32, #tpu.memory_space<hbm>>) target_semaphore(%run_scoped3A : memref<!tpu.dma_semaphore, #tpu.memory_space<semaphore_mem>>)
      %dma_wait3A = arith.constant 0 : i32
      %dma_wait3A_51 = tpu.memref_slice %arg5[%add3A, %dma_wait3A] : memref<32x16xi32, #tpu.memory_space<hbm>> -> memref<1x16xi32, #tpu.memory_space<hbm>>
      %dma_wait3A_52 = tpu.memref_squeeze %dma_wait3A_51 : memref<1x16xi32, #tpu.memory_space<hbm>> -> memref<16xi32, #tpu.memory_space<hbm>>
      %dma_wait3A_53 = arith.constant 0 : i32
      %dma_wait3A_54 = tpu.memref_slice %arg5[%add3A, %dma_wait3A_53] : memref<32x16xi32, #tpu.memory_space<hbm>> -> memref<1x16xi32, #tpu.memory_space<hbm>>
      %dma_wait3A_55 = tpu.memref_squeeze %dma_wait3A_54 : memref<1x16xi32, #tpu.memory_space<hbm>> -> memref<16xi32, #tpu.memory_space<hbm>>
      tpu.wait_dma2 semaphore(%run_scoped3A : memref<!tpu.dma_semaphore, #tpu.memory_space<semaphore_mem>>) src(%arg11 : memref<16xi32, #tpu.memory_space<vmem>>) dst(%dma_wait3A_55 : memref<16xi32, #tpu.memory_space<hbm>>)
      tpu.yield
    }) : () -> ()
    return
  }
}

#map = affine_map<(d0, d1) -> (0, 0)>
#map1 = affine_map<(d0, d1) -> (0)>
module attributes {stable_mosaic.version = 14 : i64} {
  func.func @_stage_b_body(%arg0: i32, %arg1: i32, %arg2: memref<15625x128xf32, #tpu.memory_space<hbm>>, %arg3: memref<15625x128xf32, #tpu.memory_space<hbm>>, %arg4: memref<10000000xf32, #tpu.memory_space<hbm>>, %arg5: memref<15625xi32, #tpu.memory_space<hbm>>, %arg6: memref<32x16xi32, #tpu.memory_space<hbm>>, %arg7: memref<10000xi32, #tpu.memory_space<hbm>>, %arg8: memref<6x16xf32, #tpu.memory_space<hbm>>, %arg9: memref<50000xf32, #tpu.memory_space<hbm>>, %arg10: memref<32x16xi32, #tpu.memory_space<vmem>>, %arg11: memref<32xi32, #tpu.memory_space<vmem>>, %arg12: memref<15625xi32, #tpu.memory_space<vmem>>, %arg13: memref<320xi32, #tpu.memory_space<vmem>>, %arg14: memref<320xi32, #tpu.memory_space<vmem>>, %arg15: memref<320xi32, #tpu.memory_space<vmem>>, %arg16: memref<320xi32, #tpu.memory_space<vmem>>, %arg17: memref<320x128xf32, #tpu.memory_space<vmem>>, %arg18: memref<320x128xf32, #tpu.memory_space<vmem>>, %arg19: memref<1600xf32, #tpu.memory_space<vmem>>, %arg20: memref<6x16xf32, #tpu.memory_space<vmem>>, %arg21: memref<!tpu.dma_semaphore, #tpu.memory_space<semaphore_mem>>) attributes {dimension_semantics = [#tpu.dimension_semantics<core_parallel>, #tpu.dimension_semantics<subcore_parallel>], iteration_bounds = array<i64: 2, 16>, scalar_prefetch = 0 : i64, scratch_operands = 12 : i64, tpu.core_type = #tpu.core_type<sc_vector_subcore>, window_params = [{transform_indices = #map}, {transform_indices = #map}, {transform_indices = #map1}, {transform_indices = #map1}, {transform_indices = #map}, {transform_indices = #map1}, {transform_indices = #map}, {transform_indices = #map1}]} {
    %mul3A = arith.constant 16 : i32
    %mul3A_0 = arith.muli %arg0, %mul3A : i32
    %add3A = arith.addi %mul3A_0, %arg1 : i32
    %mul3A_1 = arith.constant 320 : i32
    %mul3A_2 = arith.muli %add3A, %mul3A_1 : i32
    %min3A = arith.constant 9680 : i32
    %min3A_3 = arith.minsi %mul3A_2, %min3A : i32
    "tpu.region"() ({
      %run_scoped3A = tpu.sem_alloc : memref<!tpu.dma_semaphore, #tpu.memory_space<semaphore_mem>>
      tpu.enqueue_dma source(%arg6 : memref<32x16xi32, #tpu.memory_space<hbm>>) target(%arg10 : memref<32x16xi32, #tpu.memory_space<vmem>>) target_semaphore(%run_scoped3A : memref<!tpu.dma_semaphore, #tpu.memory_space<semaphore_mem>>)
      tpu.wait_dma2 semaphore(%run_scoped3A : memref<!tpu.dma_semaphore, #tpu.memory_space<semaphore_mem>>) src(%arg6 : memref<32x16xi32, #tpu.memory_space<hbm>>) dst(%arg10 : memref<32x16xi32, #tpu.memory_space<vmem>>)
      tpu.yield
    }) : () -> ()
    "tpu.region"() ({
      %run_scoped3A = tpu.sem_alloc : memref<!tpu.dma_semaphore, #tpu.memory_space<semaphore_mem>>
      %dma_start3A = tpu.memref_slice %arg7[%min3A_3] : memref<10000xi32, #tpu.memory_space<hbm>> -> memref<320xi32, #tpu.memory_space<hbm>>
      %dma_start3A_314 = tpu.memref_slice %arg7[%min3A_3] : memref<10000xi32, #tpu.memory_space<hbm>> -> memref<320xi32, #tpu.memory_space<hbm>>
      tpu.enqueue_dma source(%dma_start3A_314 : memref<320xi32, #tpu.memory_space<hbm>>) target(%arg13 : memref<320xi32, #tpu.memory_space<vmem>>) target_semaphore(%run_scoped3A : memref<!tpu.dma_semaphore, #tpu.memory_space<semaphore_mem>>)
      %dma_wait3A = tpu.memref_slice %arg7[%min3A_3] : memref<10000xi32, #tpu.memory_space<hbm>> -> memref<320xi32, #tpu.memory_space<hbm>>
      %dma_wait3A_315 = tpu.memref_slice %arg7[%min3A_3] : memref<10000xi32, #tpu.memory_space<hbm>> -> memref<320xi32, #tpu.memory_space<hbm>>
      tpu.wait_dma2 semaphore(%run_scoped3A : memref<!tpu.dma_semaphore, #tpu.memory_space<semaphore_mem>>) src(%dma_wait3A_315 : memref<320xi32, #tpu.memory_space<hbm>>) dst(%arg13 : memref<320xi32, #tpu.memory_space<vmem>>)
      tpu.yield
    }) : () -> ()
    "tpu.region"() ({
      %run_scoped3A = tpu.sem_alloc : memref<!tpu.dma_semaphore, #tpu.memory_space<semaphore_mem>>
      tpu.enqueue_dma source(%arg8 : memref<6x16xf32, #tpu.memory_space<hbm>>) target(%arg20 : memref<6x16xf32, #tpu.memory_space<vmem>>) target_semaphore(%run_scoped3A : memref<!tpu.dma_semaphore, #tpu.memory_space<semaphore_mem>>)
      tpu.wait_dma2 semaphore(%run_scoped3A : memref<!tpu.dma_semaphore, #tpu.memory_space<semaphore_mem>>) src(%arg8 : memref<6x16xf32, #tpu.memory_space<hbm>>) dst(%arg20 : memref<6x16xf32, #tpu.memory_space<vmem>>)
      tpu.yield
    }) : () -> ()
    %iota3A = tpu.iota {dimensions = array<i32: 0>} : vector<16xi32>
    %broadcast_in_dim3A = arith.constant 0 : i32
    %broadcast_in_dim3A_4 = vector.broadcast %broadcast_in_dim3A : i32 to vector<16xi32>
    %gather3A = tpu.vector_load_idx %arg10[%iota3A, %broadcast_in_dim3A_4] : memref<32x16xi32, #tpu.memory_space<vmem>>[vector<16xi32>, vector<16xi32>], vector<16xi32>,
    %add3A_5 = arith.constant 16 : i32
    %add3A_6 = vector.broadcast %add3A_5 : i32 to vector<16xi32>
    %add3A_7 = arith.addi %iota3A, %add3A_6 : vector<16xi32>
    %gather3A_8 = tpu.vector_load_idx %arg10[%add3A_7, %broadcast_in_dim3A_4] : memref<32x16xi32, #tpu.memory_space<vmem>>[vector<16xi32>, vector<16xi32>], vector<16xi32>,
    %broadcast_in_dim3A_9 = arith.constant true
    %broadcast_in_dim3A_10 = vector.broadcast %broadcast_in_dim3A_9 : i1 to vector<16xi1>
    %masked_cumsum3A = tpu.scan <sum>, %gather3A masked %broadcast_in_dim3A_10 : vector<16xi32>, vector<16xi1> -> vector<16xi32>
    %reduce_sum3A = arith.constant true
    %reduce_sum3A_11 = vector.broadcast %reduce_sum3A : i1 to vector<16xi1>
    %reduce_sum3A_12 = tpu.scan <sum>, %gather3A masked %reduce_sum3A_11 : vector<16xi32>, vector<16xi1> -> vector<16xi32>
    %reduce_sum3A_13 = vector.extract %reduce_sum3A_12[15] : i32 from vector<16xi32>
    %broadcast_in_dim3A_14 = arith.constant true
    %broadcast_in_dim3A_15 = vector.broadcast %broadcast_in_dim3A_14 : i1 to vector<16xi1>
    %masked_cumsum3A_16 = tpu.scan <sum>, %gather3A_8 masked %broadcast_in_dim3A_15 : vector<16xi32>, vector<16xi1> -> vector<16xi32>
    %add3A_17 = vector.broadcast %reduce_sum3A_13 : i32 to vector<16xi32>
    %add3A_18 = arith.addi %masked_cumsum3A_16, %add3A_17 : vector<16xi32>
    %sub3A = arith.subi %masked_cumsum3A, %gather3A : vector<16xi32>
    %swap3A = arith.constant 0 : index
    %swap3A_19 = tpu.vector_load %arg11[%swap3A] {strides = array<i32>} : memref<32xi32, #tpu.memory_space<vmem>>, vector<16xi32>,
    tpu.vector_store %arg11[%swap3A], %sub3A {strides = array<i32>} : memref<32xi32, #tpu.memory_space<vmem>>, vector<16xi32>,
    %sub3A_20 = arith.subi %add3A_18, %gather3A_8 : vector<16xi32>
    %swap3A_21 = arith.constant 16 : index
    %swap3A_22 = tpu.vector_load %arg11[%swap3A_21] {strides = array<i32>} : memref<32xi32, #tpu.memory_space<vmem>>, vector<16xi32>,
    tpu.vector_store %arg11[%swap3A_21], %sub3A_20 {strides = array<i32>} : memref<32xi32, #tpu.memory_space<vmem>>, vector<16xi32>,
    %scan3A = arith.constant 0 : i32
    %scan3A_23 = arith.constant 0 : i32
    %scan3A_24 = arith.constant 20 : i32
    %scan3A_25 = arith.addi %scan3A_23, %scan3A_24 : i32
    %scan3A_26 = arith.constant 1 : i32
    scf.for %scan3A_314 = %scan3A_23 to %scan3A_25 step %scan3A_26  : i32 {
      %mul3A_315 = arith.constant 16 : i32
      %mul3A_316 = arith.muli %scan3A_314, %mul3A_315 : i32
      %get3A_317 = arith.index_cast %mul3A_316 : i32 to index
      %get3A_318 = tpu.vector_load %arg13[%get3A_317] {strides = array<i32>} : memref<320xi32, #tpu.memory_space<vmem>>, vector<16xi32>,
      %shift_right_arithmetic3A = arith.constant 7 : i32
      %shift_right_arithmetic3A_319 = vector.broadcast %shift_right_arithmetic3A : i32 to vector<16xi32>
      %shift_right_arithmetic3A_320 = arith.shrsi %get3A_318, %shift_right_arithmetic3A_319 : vector<16xi32>
      %and3A = arith.constant 127 : i32
      %and3A_321 = vector.broadcast %and3A : i32 to vector<16xi32>
      %and3A_322 = arith.andi %get3A_318, %and3A_321 : vector<16xi32>
      %mul3A_323 = arith.constant 16 : i32
      %mul3A_324 = arith.muli %scan3A_314, %mul3A_323 : i32
      %swap3A_325 = arith.index_cast %mul3A_324 : i32 to index
      %swap3A_326 = tpu.vector_load %arg14[%swap3A_325] {strides = array<i32>} : memref<320xi32, #tpu.memory_space<vmem>>, vector<16xi32>,
      tpu.vector_store %arg14[%swap3A_325], %shift_right_arithmetic3A_320 {strides = array<i32>} : memref<320xi32, #tpu.memory_space<vmem>>, vector<16xi32>,
      %mul3A_327 = arith.constant 16 : i32
      %mul3A_328 = arith.muli %scan3A_314, %mul3A_327 : i32
      %swap3A_329 = arith.index_cast %mul3A_328 : i32 to index
      %swap3A_330 = tpu.vector_load %arg15[%swap3A_329] {strides = array<i32>} : memref<320xi32, #tpu.memory_space<vmem>>, vector<16xi32>,
      tpu.vector_store %arg15[%swap3A_329], %and3A_322 {strides = array<i32>} : memref<320xi32, #tpu.memory_space<vmem>>, vector<16xi32>,
    }
    %scan3A_27 = arith.constant 20 : i32
    %get3A = arith.constant 0 : i32
    %get3A_28 = arith.index_cast %get3A : i32 to index
    %get3A_29 = arith.constant 0 : index
    %get3A_30 = tpu.vector_load %arg20[%get3A_28, %get3A_29] {strides = array<i32>} : memref<6x16xf32, #tpu.memory_space<vmem>>, vector<16xf32>,
    %get3A_31 = arith.constant 1 : i32
    %get3A_32 = arith.index_cast %get3A_31 : i32 to index
    %get3A_33 = arith.constant 0 : index
    %get3A_34 = tpu.vector_load %arg20[%get3A_32, %get3A_33] {strides = array<i32>} : memref<6x16xf32, #tpu.memory_space<vmem>>, vector<16xf32>,
    %get3A_35 = arith.constant 2 : i32
    %get3A_36 = arith.index_cast %get3A_35 : i32 to index
    %get3A_37 = arith.constant 0 : index
    %get3A_38 = tpu.vector_load %arg20[%get3A_36, %get3A_37] {strides = array<i32>} : memref<6x16xf32, #tpu.memory_space<vmem>>, vector<16xf32>,
    %get3A_39 = arith.constant 3 : i32
    %get3A_40 = arith.index_cast %get3A_39 : i32 to index
    %get3A_41 = arith.constant 0 : index
    %get3A_42 = tpu.vector_load %arg20[%get3A_40, %get3A_41] {strides = array<i32>} : memref<6x16xf32, #tpu.memory_space<vmem>>, vector<16xf32>,
    %scan3A_43 = arith.constant 0 : i32
    %scan3A_44 = arith.constant 0 : i32
    %scan3A_45 = arith.constant 20 : i32
    %scan3A_46 = arith.addi %scan3A_44, %scan3A_45 : i32
    %scan3A_47 = arith.constant 1 : i32
    scf.for %scan3A_314 = %scan3A_44 to %scan3A_46 step %scan3A_47  : i32 {
      %mul3A_315 = arith.constant 16 : i32
      %mul3A_316 = arith.muli %scan3A_314, %mul3A_315 : i32
      %add3A_317 = vector.broadcast %mul3A_316 : i32 to vector<16xi32>
      %add3A_318 = arith.addi %add3A_317, %iota3A : vector<16xi32>
      %mul3A_319 = arith.constant 16 : i32
      %mul3A_320 = arith.muli %scan3A_314, %mul3A_319 : i32
      %get3A_321 = arith.index_cast %mul3A_320 : i32 to index
      %get3A_322 = tpu.vector_load %arg15[%get3A_321] {strides = array<i32>} : memref<320xi32, #tpu.memory_space<vmem>>, vector<16xi32>,
      %mul3A_323 = arith.constant 16 : i32
      %mul3A_324 = arith.muli %scan3A_314, %mul3A_323 : i32
      %get3A_325 = arith.index_cast %mul3A_324 : i32 to index
      %get3A_326 = tpu.vector_load %arg14[%get3A_325] {strides = array<i32>} : memref<320xi32, #tpu.memory_space<vmem>>, vector<16xi32>,
      %mul3A_327 = arith.constant 16 : i32
      %mul3A_328 = arith.muli %scan3A_314, %mul3A_327 : i32
      %get3A_329 = arith.index_cast %mul3A_328 : i32 to index
      %get3A_330 = tpu.vector_load %arg15[%get3A_329] {strides = array<i32>} : memref<320xi32, #tpu.memory_space<vmem>>, vector<16xi32>,
      %mul3A_331 = arith.constant 0 : i32
      %mul3A_332 = vector.broadcast %mul3A_331 : i32 to vector<16xi32>
      %mul3A_333 = arith.muli %get3A_330, %mul3A_332 : vector<16xi32>
      %mul3A_334 = arith.constant 128 : i32
      %mul3A_335 = vector.broadcast %mul3A_334 : i32 to vector<16xi32>
      %mul3A_336 = arith.muli %get3A_326, %mul3A_335 : vector<16xi32>
      %add3A_337 = arith.addi %mul3A_336, %mul3A_333 : vector<16xi32>
      %mul3A_338 = arith.constant 16 : i32
      %mul3A_339 = arith.muli %scan3A_314, %mul3A_338 : i32
      %swap3A_340 = arith.index_cast %mul3A_339 : i32 to index
      %swap3A_341 = tpu.vector_load %arg16[%swap3A_340] {strides = array<i32>} : memref<320xi32, #tpu.memory_space<vmem>>, vector<16xi32>,
      tpu.vector_store %arg16[%swap3A_340], %add3A_337 {strides = array<i32>} : memref<320xi32, #tpu.memory_space<vmem>>, vector<16xi32>,
    }
    %scan3A_48 = arith.constant 20 : i32
    %get3A_49 = arith.constant 0 : i32
    %get3A_50 = arith.index_cast %get3A_49 : i32 to index
    %get3A_51 = arith.constant 0 : index
    %get3A_52 = tpu.vector_load %arg20[%get3A_50, %get3A_51] {strides = array<i32>} : memref<6x16xf32, #tpu.memory_space<vmem>>, vector<16xf32>,
    %get3A_53 = arith.constant 4 : i32
    %get3A_54 = arith.index_cast %get3A_53 : i32 to index
    %get3A_55 = arith.constant 0 : index
    %get3A_56 = tpu.vector_load %arg20[%get3A_54, %get3A_55] {strides = array<i32>} : memref<6x16xf32, #tpu.memory_space<vmem>>, vector<16xf32>,
    %get3A_57 = arith.constant 0 : index
    %get3A_58 = tpu.vector_load %arg19[%get3A_57] {strides = array<i32>} : memref<1600xf32, #tpu.memory_space<vmem>>, vector<16xf32>,
    %sub3A_59 = arith.subf %get3A_58, %get3A_52 : vector<16xf32>
    %div3A = arith.divf %sub3A_59, %get3A_56 : vector<16xf32>
    %swap3A_60 = arith.constant 0 : index
    %swap3A_61 = tpu.vector_load %arg19[%swap3A_60] {strides = array<i32>} : memref<1600xf32, #tpu.memory_space<vmem>>, vector<16xf32>,
    tpu.vector_store %arg19[%swap3A_60], %div3A {strides = array<i32>} : memref<1600xf32, #tpu.memory_space<vmem>>, vector<16xf32>,
    %get3A_62 = arith.constant 16 : index
    %get3A_63 = tpu.vector_load %arg19[%get3A_62] {strides = array<i32>} : memref<1600xf32, #tpu.memory_space<vmem>>, vector<16xf32>,
    %sub3A_64 = arith.subf %get3A_63, %get3A_52 : vector<16xf32>
    %div3A_65 = arith.divf %sub3A_64, %get3A_56 : vector<16xf32>
    %swap3A_66 = arith.constant 16 : index
    %swap3A_67 = tpu.vector_load %arg19[%swap3A_66] {strides = array<i32>} : memref<1600xf32, #tpu.memory_space<vmem>>, vector<16xf32>,
    tpu.vector_store %arg19[%swap3A_66], %div3A_65 {strides = array<i32>} : memref<1600xf32, #tpu.memory_space<vmem>>, vector<16xf32>,
    %get3A_68 = arith.constant 32 : index
    %get3A_69 = tpu.vector_load %arg19[%get3A_68] {strides = array<i32>} : memref<1600xf32, #tpu.memory_space<vmem>>, vector<16xf32>,
    %sub3A_70 = arith.subf %get3A_69, %get3A_52 : vector<16xf32>
    %div3A_71 = arith.divf %sub3A_70, %get3A_56 : vector<16xf32>
    %swap3A_72 = arith.constant 32 : index
    %swap3A_73 = tpu.vector_load %arg19[%swap3A_72] {strides = array<i32>} : memref<1600xf32, #tpu.memory_space<vmem>>, vector<16xf32>,
    tpu.vector_store %arg19[%swap3A_72], %div3A_71 {strides = array<i32>} : memref<1600xf32, #tpu.memory_space<vmem>>, vector<16xf32>,
    %get3A_74 = arith.constant 48 : index
    %get3A_75 = tpu.vector_load %arg19[%get3A_74] {strides = array<i32>} : memref<1600xf32, #tpu.memory_space<vmem>>, vector<16xf32>,
    %sub3A_76 = arith.subf %get3A_75, %get3A_52 : vector<16xf32>
    %div3A_77 = arith.divf %sub3A_76, %get3A_56 : vector<16xf32>
    %swap3A_78 = arith.constant 48 : index
    %swap3A_79 = tpu.vector_load %arg19[%swap3A_78] {strides = array<i32>} : memref<1600xf32, #tpu.memory_space<vmem>>, vector<16xf32>,
    tpu.vector_store %arg19[%swap3A_78], %div3A_77 {strides = array<i32>} : memref<1600xf32, #tpu.memory_space<vmem>>, vector<16xf32>,
    %get3A_80 = arith.constant 64 : index
    %get3A_81 = tpu.vector_load %arg19[%get3A_80] {strides = array<i32>} : memref<1600xf32, #tpu.memory_space<vmem>>, vector<16xf32>,
    %sub3A_82 = arith.subf %get3A_81, %get3A_52 : vector<16xf32>
    %div3A_83 = arith.divf %sub3A_82, %get3A_56 : vector<16xf32>
    %swap3A_84 = arith.constant 64 : index
    %swap3A_85 = tpu.vector_load %arg19[%swap3A_84] {strides = array<i32>} : memref<1600xf32, #tpu.memory_space<vmem>>, vector<16xf32>,
    tpu.vector_store %arg19[%swap3A_84], %div3A_83 {strides = array<i32>} : memref<1600xf32, #tpu.memory_space<vmem>>, vector<16xf32>,
    %get3A_86 = arith.constant 80 : index
    %get3A_87 = tpu.vector_load %arg19[%get3A_86] {strides = array<i32>} : memref<1600xf32, #tpu.memory_space<vmem>>, vector<16xf32>,
    %sub3A_88 = arith.subf %get3A_87, %get3A_52 : vector<16xf32>
    %div3A_89 = arith.divf %sub3A_88, %get3A_56 : vector<16xf32>
    %swap3A_90 = arith.constant 80 : index
    %swap3A_91 = tpu.vector_load %arg19[%swap3A_90] {strides = array<i32>} : memref<1600xf32, #tpu.memory_space<vmem>>, vector<16xf32>,
    tpu.vector_store %arg19[%swap3A_90], %div3A_89 {strides = array<i32>} : memref<1600xf32, #tpu.memory_space<vmem>>, vector<16xf32>,
    %get3A_92 = arith.constant 96 : index
    %get3A_93 = tpu.vector_load %arg19[%get3A_92] {strides = array<i32>} : memref<1600xf32, #tpu.memory_space<vmem>>, vector<16xf32>,
    %sub3A_94 = arith.subf %get3A_93, %get3A_52 : vector<16xf32>
    %div3A_95 = arith.divf %sub3A_94, %get3A_56 : vector<16xf32>
    %swap3A_96 = arith.constant 96 : index
    %swap3A_97 = tpu.vector_load %arg19[%swap3A_96] {strides = array<i32>} : memref<1600xf32, #tpu.memory_space<vmem>>, vector<16xf32>,
    tpu.vector_store %arg19[%swap3A_96], %div3A_95 {strides = array<i32>} : memref<1600xf32, #tpu.memory_space<vmem>>, vector<16xf32>,
    %get3A_98 = arith.constant 112 : index
    %get3A_99 = tpu.vector_load %arg19[%get3A_98] {strides = array<i32>} : memref<1600xf32, #tpu.memory_space<vmem>>, vector<16xf32>,
    %sub3A_100 = arith.subf %get3A_99, %get3A_52 : vector<16xf32>
    %div3A_101 = arith.divf %sub3A_100, %get3A_56 : vector<16xf32>
    %swap3A_102 = arith.constant 112 : index
    %swap3A_103 = tpu.vector_load %arg19[%swap3A_102] {strides = array<i32>} : memref<1600xf32, #tpu.memory_space<vmem>>, vector<16xf32>,
    tpu.vector_store %arg19[%swap3A_102], %div3A_101 {strides = array<i32>} : memref<1600xf32, #tpu.memory_space<vmem>>, vector<16xf32>,
    %get3A_104 = arith.constant 128 : index
    %get3A_105 = tpu.vector_load %arg19[%get3A_104] {strides = array<i32>} : memref<1600xf32, #tpu.memory_space<vmem>>, vector<16xf32>,
    %sub3A_106 = arith.subf %get3A_105, %get3A_52 : vector<16xf32>
    %div3A_107 = arith.divf %sub3A_106, %get3A_56 : vector<16xf32>
    %swap3A_108 = arith.constant 128 : index
    %swap3A_109 = tpu.vector_load %arg19[%swap3A_108] {strides = array<i32>} : memref<1600xf32, #tpu.memory_space<vmem>>, vector<16xf32>,
    tpu.vector_store %arg19[%swap3A_108], %div3A_107 {strides = array<i32>} : memref<1600xf32, #tpu.memory_space<vmem>>, vector<16xf32>,
    %get3A_110 = arith.constant 144 : index
    %get3A_111 = tpu.vector_load %arg19[%get3A_110] {strides = array<i32>} : memref<1600xf32, #tpu.memory_space<vmem>>, vector<16xf32>,
    %sub3A_112 = arith.subf %get3A_111, %get3A_52 : vector<16xf32>
    %div3A_113 = arith.divf %sub3A_112, %get3A_56 : vector<16xf32>
    %swap3A_114 = arith.constant 144 : index
    %swap3A_115 = tpu.vector_load %arg19[%swap3A_114] {strides = array<i32>} : memref<1600xf32, #tpu.memory_space<vmem>>, vector<16xf32>,
    tpu.vector_store %arg19[%swap3A_114], %div3A_113 {strides = array<i32>} : memref<1600xf32, #tpu.memory_space<vmem>>, vector<16xf32>,
    %get3A_116 = arith.constant 160 : index
    %get3A_117 = tpu.vector_load %arg19[%get3A_116] {strides = array<i32>} : memref<1600xf32, #tpu.memory_space<vmem>>, vector<16xf32>,
    %sub3A_118 = arith.subf %get3A_117, %get3A_52 : vector<16xf32>
    %div3A_119 = arith.divf %sub3A_118, %get3A_56 : vector<16xf32>
    %swap3A_120 = arith.constant 160 : index
    %swap3A_121 = tpu.vector_load %arg19[%swap3A_120] {strides = array<i32>} : memref<1600xf32, #tpu.memory_space<vmem>>, vector<16xf32>,
    tpu.vector_store %arg19[%swap3A_120], %div3A_119 {strides = array<i32>} : memref<1600xf32, #tpu.memory_space<vmem>>, vector<16xf32>,
    %get3A_122 = arith.constant 176 : index
    %get3A_123 = tpu.vector_load %arg19[%get3A_122] {strides = array<i32>} : memref<1600xf32, #tpu.memory_space<vmem>>, vector<16xf32>,
    %sub3A_124 = arith.subf %get3A_123, %get3A_52 : vector<16xf32>
    %div3A_125 = arith.divf %sub3A_124, %get3A_56 : vector<16xf32>
    %swap3A_126 = arith.constant 176 : index
    %swap3A_127 = tpu.vector_load %arg19[%swap3A_126] {strides = array<i32>} : memref<1600xf32, #tpu.memory_space<vmem>>, vector<16xf32>,
    tpu.vector_store %arg19[%swap3A_126], %div3A_125 {strides = array<i32>} : memref<1600xf32, #tpu.memory_space<vmem>>, vector<16xf32>,
    %get3A_128 = arith.constant 192 : index
    %get3A_129 = tpu.vector_load %arg19[%get3A_128] {strides = array<i32>} : memref<1600xf32, #tpu.memory_space<vmem>>, vector<16xf32>,
    %sub3A_130 = arith.subf %get3A_129, %get3A_52 : vector<16xf32>
    %div3A_131 = arith.divf %sub3A_130, %get3A_56 : vector<16xf32>
    %swap3A_132 = arith.constant 192 : index
    %swap3A_133 = tpu.vector_load %arg19[%swap3A_132] {strides = array<i32>} : memref<1600xf32, #tpu.memory_space<vmem>>, vector<16xf32>,
    tpu.vector_store %arg19[%swap3A_132], %div3A_131 {strides = array<i32>} : memref<1600xf32, #tpu.memory_space<vmem>>, vector<16xf32>,
    %get3A_134 = arith.constant 208 : index
    %get3A_135 = tpu.vector_load %arg19[%get3A_134] {strides = array<i32>} : memref<1600xf32, #tpu.memory_space<vmem>>, vector<16xf32>,
    %sub3A_136 = arith.subf %get3A_135, %get3A_52 : vector<16xf32>
    %div3A_137 = arith.divf %sub3A_136, %get3A_56 : vector<16xf32>
    %swap3A_138 = arith.constant 208 : index
    %swap3A_139 = tpu.vector_load %arg19[%swap3A_138] {strides = array<i32>} : memref<1600xf32, #tpu.memory_space<vmem>>, vector<16xf32>,
    tpu.vector_store %arg19[%swap3A_138], %div3A_137 {strides = array<i32>} : memref<1600xf32, #tpu.memory_space<vmem>>, vector<16xf32>,
    %get3A_140 = arith.constant 224 : index
    %get3A_141 = tpu.vector_load %arg19[%get3A_140] {strides = array<i32>} : memref<1600xf32, #tpu.memory_space<vmem>>, vector<16xf32>,
    %sub3A_142 = arith.subf %get3A_141, %get3A_52 : vector<16xf32>
    %div3A_143 = arith.divf %sub3A_142, %get3A_56 : vector<16xf32>
    %swap3A_144 = arith.constant 224 : index
    %swap3A_145 = tpu.vector_load %arg19[%swap3A_144] {strides = array<i32>} : memref<1600xf32, #tpu.memory_space<vmem>>, vector<16xf32>,
    tpu.vector_store %arg19[%swap3A_144], %div3A_143 {strides = array<i32>} : memref<1600xf32, #tpu.memory_space<vmem>>, vector<16xf32>,
    %get3A_146 = arith.constant 240 : index
    %get3A_147 = tpu.vector_load %arg19[%get3A_146] {strides = array<i32>} : memref<1600xf32, #tpu.memory_space<vmem>>, vector<16xf32>,
    %sub3A_148 = arith.subf %get3A_147, %get3A_52 : vector<16xf32>
    %div3A_149 = arith.divf %sub3A_148, %get3A_56 : vector<16xf32>
    %swap3A_150 = arith.constant 240 : index
    %swap3A_151 = tpu.vector_load %arg19[%swap3A_150] {strides = array<i32>} : memref<1600xf32, #tpu.memory_space<vmem>>, vector<16xf32>,
    tpu.vector_store %arg19[%swap3A_150], %div3A_149 {strides = array<i32>} : memref<1600xf32, #tpu.memory_space<vmem>>, vector<16xf32>,
    %get3A_152 = arith.constant 256 : index
    %get3A_153 = tpu.vector_load %arg19[%get3A_152] {strides = array<i32>} : memref<1600xf32, #tpu.memory_space<vmem>>, vector<16xf32>,
    %sub3A_154 = arith.subf %get3A_153, %get3A_52 : vector<16xf32>
    %div3A_155 = arith.divf %sub3A_154, %get3A_56 : vector<16xf32>
    %swap3A_156 = arith.constant 256 : index
    %swap3A_157 = tpu.vector_load %arg19[%swap3A_156] {strides = array<i32>} : memref<1600xf32, #tpu.memory_space<vmem>>, vector<16xf32>,
    tpu.vector_store %arg19[%swap3A_156], %div3A_155 {strides = array<i32>} : memref<1600xf32, #tpu.memory_space<vmem>>, vector<16xf32>,
    %get3A_158 = arith.constant 272 : index
    %get3A_159 = tpu.vector_load %arg19[%get3A_158] {strides = array<i32>} : memref<1600xf32, #tpu.memory_space<vmem>>, vector<16xf32>,
    %sub3A_160 = arith.subf %get3A_159, %get3A_52 : vector<16xf32>
    %div3A_161 = arith.divf %sub3A_160, %get3A_56 : vector<16xf32>
    %swap3A_162 = arith.constant 272 : index
    %swap3A_163 = tpu.vector_load %arg19[%swap3A_162] {strides = array<i32>} : memref<1600xf32, #tpu.memory_space<vmem>>, vector<16xf32>,
    tpu.vector_store %arg19[%swap3A_162], %div3A_161 {strides = array<i32>} : memref<1600xf32, #tpu.memory_space<vmem>>, vector<16xf32>,
    %get3A_164 = arith.constant 288 : index
    %get3A_165 = tpu.vector_load %arg19[%get3A_164] {strides = array<i32>} : memref<1600xf32, #tpu.memory_space<vmem>>, vector<16xf32>,
    %sub3A_166 = arith.subf %get3A_165, %get3A_52 : vector<16xf32>
    %div3A_167 = arith.divf %sub3A_166, %get3A_56 : vector<16xf32>
    %swap3A_168 = arith.constant 288 : index
    %swap3A_169 = tpu.vector_load %arg19[%swap3A_168] {strides = array<i32>} : memref<1600xf32, #tpu.memory_space<vmem>>, vector<16xf32>,
    tpu.vector_store %arg19[%swap3A_168], %div3A_167 {strides = array<i32>} : memref<1600xf32, #tpu.memory_space<vmem>>, vector<16xf32>,
    %get3A_170 = arith.constant 304 : index
    %get3A_171 = tpu.vector_load %arg19[%get3A_170] {strides = array<i32>} : memref<1600xf32, #tpu.memory_space<vmem>>, vector<16xf32>,
    %sub3A_172 = arith.subf %get3A_171, %get3A_52 : vector<16xf32>
    %div3A_173 = arith.divf %sub3A_172, %get3A_56 : vector<16xf32>
    %swap3A_174 = arith.constant 304 : index
    %swap3A_175 = tpu.vector_load %arg19[%swap3A_174] {strides = array<i32>} : memref<1600xf32, #tpu.memory_space<vmem>>, vector<16xf32>,
    tpu.vector_store %arg19[%swap3A_174], %div3A_173 {strides = array<i32>} : memref<1600xf32, #tpu.memory_space<vmem>>, vector<16xf32>,
    %get3A_176 = arith.constant 1 : i32
    %get3A_177 = arith.index_cast %get3A_176 : i32 to index
    %get3A_178 = arith.constant 0 : index
    %get3A_179 = tpu.vector_load %arg20[%get3A_177, %get3A_178] {strides = array<i32>} : memref<6x16xf32, #tpu.memory_space<vmem>>, vector<16xf32>,
    %get3A_180 = arith.constant 5 : i32
    %get3A_181 = arith.index_cast %get3A_180 : i32 to index
    %get3A_182 = arith.constant 0 : index
    %get3A_183 = tpu.vector_load %arg20[%get3A_181, %get3A_182] {strides = array<i32>} : memref<6x16xf32, #tpu.memory_space<vmem>>, vector<16xf32>,
    %get3A_184 = arith.constant 320 : index
    %get3A_185 = tpu.vector_load %arg19[%get3A_184] {strides = array<i32>} : memref<1600xf32, #tpu.memory_space<vmem>>, vector<16xf32>,
    %sub3A_186 = arith.subf %get3A_185, %get3A_179 : vector<16xf32>
    %div3A_187 = arith.divf %sub3A_186, %get3A_183 : vector<16xf32>
    %swap3A_188 = arith.constant 320 : index
    %swap3A_189 = tpu.vector_load %arg19[%swap3A_188] {strides = array<i32>} : memref<1600xf32, #tpu.memory_space<vmem>>, vector<16xf32>,
    tpu.vector_store %arg19[%swap3A_188], %div3A_187 {strides = array<i32>} : memref<1600xf32, #tpu.memory_space<vmem>>, vector<16xf32>,
    %get3A_190 = arith.constant 336 : index
    %get3A_191 = tpu.vector_load %arg19[%get3A_190] {strides = array<i32>} : memref<1600xf32, #tpu.memory_space<vmem>>, vector<16xf32>,
    %sub3A_192 = arith.subf %get3A_191, %get3A_179 : vector<16xf32>
    %div3A_193 = arith.divf %sub3A_192, %get3A_183 : vector<16xf32>
    %swap3A_194 = arith.constant 336 : index
    %swap3A_195 = tpu.vector_load %arg19[%swap3A_194] {strides = array<i32>} : memref<1600xf32, #tpu.memory_space<vmem>>, vector<16xf32>,
    tpu.vector_store %arg19[%swap3A_194], %div3A_193 {strides = array<i32>} : memref<1600xf32, #tpu.memory_space<vmem>>, vector<16xf32>,
    %get3A_196 = arith.constant 352 : index
    %get3A_197 = tpu.vector_load %arg19[%get3A_196] {strides = array<i32>} : memref<1600xf32, #tpu.memory_space<vmem>>, vector<16xf32>,
    %sub3A_198 = arith.subf %get3A_197, %get3A_179 : vector<16xf32>
    %div3A_199 = arith.divf %sub3A_198, %get3A_183 : vector<16xf32>
    %swap3A_200 = arith.constant 352 : index
    %swap3A_201 = tpu.vector_load %arg19[%swap3A_200] {strides = array<i32>} : memref<1600xf32, #tpu.memory_space<vmem>>, vector<16xf32>,
    tpu.vector_store %arg19[%swap3A_200], %div3A_199 {strides = array<i32>} : memref<1600xf32, #tpu.memory_space<vmem>>, vector<16xf32>,
    %get3A_202 = arith.constant 368 : index
    %get3A_203 = tpu.vector_load %arg19[%get3A_202] {strides = array<i32>} : memref<1600xf32, #tpu.memory_space<vmem>>, vector<16xf32>,
    %sub3A_204 = arith.subf %get3A_203, %get3A_179 : vector<16xf32>
    %div3A_205 = arith.divf %sub3A_204, %get3A_183 : vector<16xf32>
    %swap3A_206 = arith.constant 368 : index
    %swap3A_207 = tpu.vector_load %arg19[%swap3A_206] {strides = array<i32>} : memref<1600xf32, #tpu.memory_space<vmem>>, vector<16xf32>,
    tpu.vector_store %arg19[%swap3A_206], %div3A_205 {strides = array<i32>} : memref<1600xf32, #tpu.memory_space<vmem>>, vector<16xf32>,
    %get3A_208 = arith.constant 384 : index
    %get3A_209 = tpu.vector_load %arg19[%get3A_208] {strides = array<i32>} : memref<1600xf32, #tpu.memory_space<vmem>>, vector<16xf32>,
    %sub3A_210 = arith.subf %get3A_209, %get3A_179 : vector<16xf32>
    %div3A_211 = arith.divf %sub3A_210, %get3A_183 : vector<16xf32>
    %swap3A_212 = arith.constant 384 : index
    %swap3A_213 = tpu.vector_load %arg19[%swap3A_212] {strides = array<i32>} : memref<1600xf32, #tpu.memory_space<vmem>>, vector<16xf32>,
    tpu.vector_store %arg19[%swap3A_212], %div3A_211 {strides = array<i32>} : memref<1600xf32, #tpu.memory_space<vmem>>, vector<16xf32>,
    %get3A_214 = arith.constant 400 : index
    %get3A_215 = tpu.vector_load %arg19[%get3A_214] {strides = array<i32>} : memref<1600xf32, #tpu.memory_space<vmem>>, vector<16xf32>,
    %sub3A_216 = arith.subf %get3A_215, %get3A_179 : vector<16xf32>
    %div3A_217 = arith.divf %sub3A_216, %get3A_183 : vector<16xf32>
    %swap3A_218 = arith.constant 400 : index
    %swap3A_219 = tpu.vector_load %arg19[%swap3A_218] {strides = array<i32>} : memref<1600xf32, #tpu.memory_space<vmem>>, vector<16xf32>,
    tpu.vector_store %arg19[%swap3A_218], %div3A_217 {strides = array<i32>} : memref<1600xf32, #tpu.memory_space<vmem>>, vector<16xf32>,
    %get3A_220 = arith.constant 416 : index
    %get3A_221 = tpu.vector_load %arg19[%get3A_220] {strides = array<i32>} : memref<1600xf32, #tpu.memory_space<vmem>>, vector<16xf32>,
    %sub3A_222 = arith.subf %get3A_221, %get3A_179 : vector<16xf32>
    %div3A_223 = arith.divf %sub3A_222, %get3A_183 : vector<16xf32>
    %swap3A_224 = arith.constant 416 : index
    %swap3A_225 = tpu.vector_load %arg19[%swap3A_224] {strides = array<i32>} : memref<1600xf32, #tpu.memory_space<vmem>>, vector<16xf32>,
    tpu.vector_store %arg19[%swap3A_224], %div3A_223 {strides = array<i32>} : memref<1600xf32, #tpu.memory_space<vmem>>, vector<16xf32>,
    %get3A_226 = arith.constant 432 : index
    %get3A_227 = tpu.vector_load %arg19[%get3A_226] {strides = array<i32>} : memref<1600xf32, #tpu.memory_space<vmem>>, vector<16xf32>,
    %sub3A_228 = arith.subf %get3A_227, %get3A_179 : vector<16xf32>
    %div3A_229 = arith.divf %sub3A_228, %get3A_183 : vector<16xf32>
    %swap3A_230 = arith.constant 432 : index
    %swap3A_231 = tpu.vector_load %arg19[%swap3A_230] {strides = array<i32>} : memref<1600xf32, #tpu.memory_space<vmem>>, vector<16xf32>,
    tpu.vector_store %arg19[%swap3A_230], %div3A_229 {strides = array<i32>} : memref<1600xf32, #tpu.memory_space<vmem>>, vector<16xf32>,
    %get3A_232 = arith.constant 448 : index
    %get3A_233 = tpu.vector_load %arg19[%get3A_232] {strides = array<i32>} : memref<1600xf32, #tpu.memory_space<vmem>>, vector<16xf32>,
    %sub3A_234 = arith.subf %get3A_233, %get3A_179 : vector<16xf32>
    %div3A_235 = arith.divf %sub3A_234, %get3A_183 : vector<16xf32>
    %swap3A_236 = arith.constant 448 : index
    %swap3A_237 = tpu.vector_load %arg19[%swap3A_236] {strides = array<i32>} : memref<1600xf32, #tpu.memory_space<vmem>>, vector<16xf32>,
    tpu.vector_store %arg19[%swap3A_236], %div3A_235 {strides = array<i32>} : memref<1600xf32, #tpu.memory_space<vmem>>, vector<16xf32>,
    %get3A_238 = arith.constant 464 : index
    %get3A_239 = tpu.vector_load %arg19[%get3A_238] {strides = array<i32>} : memref<1600xf32, #tpu.memory_space<vmem>>, vector<16xf32>,
    %sub3A_240 = arith.subf %get3A_239, %get3A_179 : vector<16xf32>
    %div3A_241 = arith.divf %sub3A_240, %get3A_183 : vector<16xf32>
    %swap3A_242 = arith.constant 464 : index
    %swap3A_243 = tpu.vector_load %arg19[%swap3A_242] {strides = array<i32>} : memref<1600xf32, #tpu.memory_space<vmem>>, vector<16xf32>,
    tpu.vector_store %arg19[%swap3A_242], %div3A_241 {strides = array<i32>} : memref<1600xf32, #tpu.memory_space<vmem>>, vector<16xf32>,
    %get3A_244 = arith.constant 480 : index
    %get3A_245 = tpu.vector_load %arg19[%get3A_244] {strides = array<i32>} : memref<1600xf32, #tpu.memory_space<vmem>>, vector<16xf32>,
    %sub3A_246 = arith.subf %get3A_245, %get3A_179 : vector<16xf32>
    %div3A_247 = arith.divf %sub3A_246, %get3A_183 : vector<16xf32>
    %swap3A_248 = arith.constant 480 : index
    %swap3A_249 = tpu.vector_load %arg19[%swap3A_248] {strides = array<i32>} : memref<1600xf32, #tpu.memory_space<vmem>>, vector<16xf32>,
    tpu.vector_store %arg19[%swap3A_248], %div3A_247 {strides = array<i32>} : memref<1600xf32, #tpu.memory_space<vmem>>, vector<16xf32>,
    %get3A_250 = arith.constant 496 : index
    %get3A_251 = tpu.vector_load %arg19[%get3A_250] {strides = array<i32>} : memref<1600xf32, #tpu.memory_space<vmem>>, vector<16xf32>,
    %sub3A_252 = arith.subf %get3A_251, %get3A_179 : vector<16xf32>
    %div3A_253 = arith.divf %sub3A_252, %get3A_183 : vector<16xf32>
    %swap3A_254 = arith.constant 496 : index
    %swap3A_255 = tpu.vector_load %arg19[%swap3A_254] {strides = array<i32>} : memref<1600xf32, #tpu.memory_space<vmem>>, vector<16xf32>,
    tpu.vector_store %arg19[%swap3A_254], %div3A_253 {strides = array<i32>} : memref<1600xf32, #tpu.memory_space<vmem>>, vector<16xf32>,
    %get3A_256 = arith.constant 512 : index
    %get3A_257 = tpu.vector_load %arg19[%get3A_256] {strides = array<i32>} : memref<1600xf32, #tpu.memory_space<vmem>>, vector<16xf32>,
    %sub3A_258 = arith.subf %get3A_257, %get3A_179 : vector<16xf32>
    %div3A_259 = arith.divf %sub3A_258, %get3A_183 : vector<16xf32>
    %swap3A_260 = arith.constant 512 : index
    %swap3A_261 = tpu.vector_load %arg19[%swap3A_260] {strides = array<i32>} : memref<1600xf32, #tpu.memory_space<vmem>>, vector<16xf32>,
    tpu.vector_store %arg19[%swap3A_260], %div3A_259 {strides = array<i32>} : memref<1600xf32, #tpu.memory_space<vmem>>, vector<16xf32>,
    %get3A_262 = arith.constant 528 : index
    %get3A_263 = tpu.vector_load %arg19[%get3A_262] {strides = array<i32>} : memref<1600xf32, #tpu.memory_space<vmem>>, vector<16xf32>,
    %sub3A_264 = arith.subf %get3A_263, %get3A_179 : vector<16xf32>
    %div3A_265 = arith.divf %sub3A_264, %get3A_183 : vector<16xf32>
    %swap3A_266 = arith.constant 528 : index
    %swap3A_267 = tpu.vector_load %arg19[%swap3A_266] {strides = array<i32>} : memref<1600xf32, #tpu.memory_space<vmem>>, vector<16xf32>,
    tpu.vector_store %arg19[%swap3A_266], %div3A_265 {strides = array<i32>} : memref<1600xf32, #tpu.memory_space<vmem>>, vector<16xf32>,
    %get3A_268 = arith.constant 544 : index
    %get3A_269 = tpu.vector_load %arg19[%get3A_268] {strides = array<i32>} : memref<1600xf32, #tpu.memory_space<vmem>>, vector<16xf32>,
    %sub3A_270 = arith.subf %get3A_269, %get3A_179 : vector<16xf32>
    %div3A_271 = arith.divf %sub3A_270, %get3A_183 : vector<16xf32>
    %swap3A_272 = arith.constant 544 : index
    %swap3A_273 = tpu.vector_load %arg19[%swap3A_272] {strides = array<i32>} : memref<1600xf32, #tpu.memory_space<vmem>>, vector<16xf32>,
    tpu.vector_store %arg19[%swap3A_272], %div3A_271 {strides = array<i32>} : memref<1600xf32, #tpu.memory_space<vmem>>, vector<16xf32>,
    %get3A_274 = arith.constant 560 : index
    %get3A_275 = tpu.vector_load %arg19[%get3A_274] {strides = array<i32>} : memref<1600xf32, #tpu.memory_space<vmem>>, vector<16xf32>,
    %sub3A_276 = arith.subf %get3A_275, %get3A_179 : vector<16xf32>
    %div3A_277 = arith.divf %sub3A_276, %get3A_183 : vector<16xf32>
    %swap3A_278 = arith.constant 560 : index
    %swap3A_279 = tpu.vector_load %arg19[%swap3A_278] {strides = array<i32>} : memref<1600xf32, #tpu.memory_space<vmem>>, vector<16xf32>,
    tpu.vector_store %arg19[%swap3A_278], %div3A_277 {strides = array<i32>} : memref<1600xf32, #tpu.memory_space<vmem>>, vector<16xf32>,
    %get3A_280 = arith.constant 576 : index
    %get3A_281 = tpu.vector_load %arg19[%get3A_280] {strides = array<i32>} : memref<1600xf32, #tpu.memory_space<vmem>>, vector<16xf32>,
    %sub3A_282 = arith.subf %get3A_281, %get3A_179 : vector<16xf32>
    %div3A_283 = arith.divf %sub3A_282, %get3A_183 : vector<16xf32>
    %swap3A_284 = arith.constant 576 : index
    %swap3A_285 = tpu.vector_load %arg19[%swap3A_284] {strides = array<i32>} : memref<1600xf32, #tpu.memory_space<vmem>>, vector<16xf32>,
    tpu.vector_store %arg19[%swap3A_284], %div3A_283 {strides = array<i32>} : memref<1600xf32, #tpu.memory_space<vmem>>, vector<16xf32>,
    %get3A_286 = arith.constant 592 : index
    %get3A_287 = tpu.vector_load %arg19[%get3A_286] {strides = array<i32>} : memref<1600xf32, #tpu.memory_space<vmem>>, vector<16xf32>,
    %sub3A_288 = arith.subf %get3A_287, %get3A_179 : vector<16xf32>
    %div3A_289 = arith.divf %sub3A_288, %get3A_183 : vector<16xf32>
    %swap3A_290 = arith.constant 592 : index
    %swap3A_291 = tpu.vector_load %arg19[%swap3A_290] {strides = array<i32>} : memref<1600xf32, #tpu.memory_space<vmem>>, vector<16xf32>,
    tpu.vector_store %arg19[%swap3A_290], %div3A_289 {strides = array<i32>} : memref<1600xf32, #tpu.memory_space<vmem>>, vector<16xf32>,
    %get3A_292 = arith.constant 608 : index
    %get3A_293 = tpu.vector_load %arg19[%get3A_292] {strides = array<i32>} : memref<1600xf32, #tpu.memory_space<vmem>>, vector<16xf32>,
    %sub3A_294 = arith.subf %get3A_293, %get3A_179 : vector<16xf32>
    %div3A_295 = arith.divf %sub3A_294, %get3A_183 : vector<16xf32>
    %swap3A_296 = arith.constant 608 : index
    %swap3A_297 = tpu.vector_load %arg19[%swap3A_296] {strides = array<i32>} : memref<1600xf32, #tpu.memory_space<vmem>>, vector<16xf32>,
    tpu.vector_store %arg19[%swap3A_296], %div3A_295 {strides = array<i32>} : memref<1600xf32, #tpu.memory_space<vmem>>, vector<16xf32>,
    %get3A_298 = arith.constant 624 : index
    %get3A_299 = tpu.vector_load %arg19[%get3A_298] {strides = array<i32>} : memref<1600xf32, #tpu.memory_space<vmem>>, vector<16xf32>,
    %sub3A_300 = arith.subf %get3A_299, %get3A_179 : vector<16xf32>
    %div3A_301 = arith.divf %sub3A_300, %get3A_183 : vector<16xf32>
    %swap3A_302 = arith.constant 624 : index
    %swap3A_303 = tpu.vector_load %arg19[%swap3A_302] {strides = array<i32>} : memref<1600xf32, #tpu.memory_space<vmem>>, vector<16xf32>,
    tpu.vector_store %arg19[%swap3A_302], %div3A_301 {strides = array<i32>} : memref<1600xf32, #tpu.memory_space<vmem>>, vector<16xf32>,
    %add3A_304 = arith.constant 0 : i32
    %add3A_305 = arith.addi %add3A_304, %min3A_3 : i32
    "tpu.region"() ({
      %run_scoped3A = tpu.sem_alloc : memref<!tpu.dma_semaphore, #tpu.memory_space<semaphore_mem>>
      %dma_start3A = arith.constant 0 : i32
      %dma_start3A_314 = tpu.memref_slice %arg19[%dma_start3A] : memref<1600xf32, #tpu.memory_space<vmem>> -> memref<320xf32, #tpu.memory_space<vmem>>
      %dma_start3A_315 = tpu.memref_slice %arg9[%add3A_305] : memref<50000xf32, #tpu.memory_space<hbm>> -> memref<320xf32, #tpu.memory_space<hbm>>
      %dma_start3A_316 = tpu.memref_slice %arg9[%add3A_305] : memref<50000xf32, #tpu.memory_space<hbm>> -> memref<320xf32, #tpu.memory_space<hbm>>
      %dma_start3A_317 = arith.constant 0 : i32
      %dma_start3A_318 = tpu.memref_slice %arg19[%dma_start3A_317] : memref<1600xf32, #tpu.memory_space<vmem>> -> memref<320xf32, #tpu.memory_space<vmem>>
      tpu.enqueue_dma source(%dma_start3A_318 : memref<320xf32, #tpu.memory_space<vmem>>) target(%dma_start3A_316 : memref<320xf32, #tpu.memory_space<hbm>>) target_semaphore(%run_scoped3A : memref<!tpu.dma_semaphore, #tpu.memory_space<semaphore_mem>>)
      %dma_wait3A = arith.constant 0 : i32
      %dma_wait3A_319 = tpu.memref_slice %arg19[%dma_wait3A] : memref<1600xf32, #tpu.memory_space<vmem>> -> memref<320xf32, #tpu.memory_space<vmem>>
      %dma_wait3A_320 = tpu.memref_slice %arg9[%add3A_305] : memref<50000xf32, #tpu.memory_space<hbm>> -> memref<320xf32, #tpu.memory_space<hbm>>
      %dma_wait3A_321 = tpu.memref_slice %arg9[%add3A_305] : memref<50000xf32, #tpu.memory_space<hbm>> -> memref<320xf32, #tpu.memory_space<hbm>>
      %dma_wait3A_322 = arith.constant 0 : i32
      %dma_wait3A_323 = tpu.memref_slice %arg19[%dma_wait3A_322] : memref<1600xf32, #tpu.memory_space<vmem>> -> memref<320xf32, #tpu.memory_space<vmem>>
      tpu.wait_dma2 semaphore(%run_scoped3A : memref<!tpu.dma_semaphore, #tpu.memory_space<semaphore_mem>>) src(%dma_wait3A_323 : memref<320xf32, #tpu.memory_space<vmem>>) dst(%dma_wait3A_321 : memref<320xf32, #tpu.memory_space<hbm>>)
      tpu.yield
    }) : () -> ()
    %add3A_306 = arith.constant 10000 : i32
    %add3A_307 = arith.addi %add3A_306, %min3A_3 : i32
    "tpu.region"() ({
      %run_scoped3A = tpu.sem_alloc : memref<!tpu.dma_semaphore, #tpu.memory_space<semaphore_mem>>
      %dma_start3A = arith.constant 320 : i32
      %dma_start3A_314 = tpu.memref_slice %arg19[%dma_start3A] : memref<1600xf32, #tpu.memory_space<vmem>> -> memref<320xf32, #tpu.memory_space<vmem>>
      %dma_start3A_315 = tpu.memref_slice %arg9[%add3A_307] : memref<50000xf32, #tpu.memory_space<hbm>> -> memref<320xf32, #tpu.memory_space<hbm>>
      %dma_start3A_316 = tpu.memref_slice %arg9[%add3A_307] : memref<50000xf32, #tpu.memory_space<hbm>> -> memref<320xf32, #tpu.memory_space<hbm>>
      %dma_start3A_317 = arith.constant 320 : i32
      %dma_start3A_318 = tpu.memref_slice %arg19[%dma_start3A_317] : memref<1600xf32, #tpu.memory_space<vmem>> -> memref<320xf32, #tpu.memory_space<vmem>>
      tpu.enqueue_dma source(%dma_start3A_318 : memref<320xf32, #tpu.memory_space<vmem>>) target(%dma_start3A_316 : memref<320xf32, #tpu.memory_space<hbm>>) target_semaphore(%run_scoped3A : memref<!tpu.dma_semaphore, #tpu.memory_space<semaphore_mem>>)
      %dma_wait3A = arith.constant 320 : i32
      %dma_wait3A_319 = tpu.memref_slice %arg19[%dma_wait3A] : memref<1600xf32, #tpu.memory_space<vmem>> -> memref<320xf32, #tpu.memory_space<vmem>>
      %dma_wait3A_320 = tpu.memref_slice %arg9[%add3A_307] : memref<50000xf32, #tpu.memory_space<hbm>> -> memref<320xf32, #tpu.memory_space<hbm>>
      %dma_wait3A_321 = tpu.memref_slice %arg9[%add3A_307] : memref<50000xf32, #tpu.memory_space<hbm>> -> memref<320xf32, #tpu.memory_space<hbm>>
      %dma_wait3A_322 = arith.constant 320 : i32
      %dma_wait3A_323 = tpu.memref_slice %arg19[%dma_wait3A_322] : memref<1600xf32, #tpu.memory_space<vmem>> -> memref<320xf32, #tpu.memory_space<vmem>>
      tpu.wait_dma2 semaphore(%run_scoped3A : memref<!tpu.dma_semaphore, #tpu.memory_space<semaphore_mem>>) src(%dma_wait3A_323 : memref<320xf32, #tpu.memory_space<vmem>>) dst(%dma_wait3A_321 : memref<320xf32, #tpu.memory_space<hbm>>)
      tpu.yield
    }) : () -> ()
    %add3A_308 = arith.constant 20000 : i32
    %add3A_309 = arith.addi %add3A_308, %min3A_3 : i32
    "tpu.region"() ({
      %run_scoped3A = tpu.sem_alloc : memref<!tpu.dma_semaphore, #tpu.memory_space<semaphore_mem>>
      %dma_start3A = arith.constant 640 : i32
      %dma_start3A_314 = tpu.memref_slice %arg19[%dma_start3A] : memref<1600xf32, #tpu.memory_space<vmem>> -> memref<320xf32, #tpu.memory_space<vmem>>
      %dma_start3A_315 = tpu.memref_slice %arg9[%add3A_309] : memref<50000xf32, #tpu.memory_space<hbm>> -> memref<320xf32, #tpu.memory_space<hbm>>
      %dma_start3A_316 = tpu.memref_slice %arg9[%add3A_309] : memref<50000xf32, #tpu.memory_space<hbm>> -> memref<320xf32, #tpu.memory_space<hbm>>
      %dma_start3A_317 = arith.constant 640 : i32
      %dma_start3A_318 = tpu.memref_slice %arg19[%dma_start3A_317] : memref<1600xf32, #tpu.memory_space<vmem>> -> memref<320xf32, #tpu.memory_space<vmem>>
      tpu.enqueue_dma source(%dma_start3A_318 : memref<320xf32, #tpu.memory_space<vmem>>) target(%dma_start3A_316 : memref<320xf32, #tpu.memory_space<hbm>>) target_semaphore(%run_scoped3A : memref<!tpu.dma_semaphore, #tpu.memory_space<semaphore_mem>>)
      %dma_wait3A = arith.constant 640 : i32
      %dma_wait3A_319 = tpu.memref_slice %arg19[%dma_wait3A] : memref<1600xf32, #tpu.memory_space<vmem>> -> memref<320xf32, #tpu.memory_space<vmem>>
      %dma_wait3A_320 = tpu.memref_slice %arg9[%add3A_309] : memref<50000xf32, #tpu.memory_space<hbm>> -> memref<320xf32, #tpu.memory_space<hbm>>
      %dma_wait3A_321 = tpu.memref_slice %arg9[%add3A_309] : memref<50000xf32, #tpu.memory_space<hbm>> -> memref<320xf32, #tpu.memory_space<hbm>>
      %dma_wait3A_322 = arith.constant 640 : i32
      %dma_wait3A_323 = tpu.memref_slice %arg19[%dma_wait3A_322] : memref<1600xf32, #tpu.memory_space<vmem>> -> memref<320xf32, #tpu.memory_space<vmem>>
      tpu.wait_dma2 semaphore(%run_scoped3A : memref<!tpu.dma_semaphore, #tpu.memory_space<semaphore_mem>>) src(%dma_wait3A_323 : memref<320xf32, #tpu.memory_space<vmem>>) dst(%dma_wait3A_321 : memref<320xf32, #tpu.memory_space<hbm>>)
      tpu.yield
    }) : () -> ()
    %add3A_310 = arith.constant 30000 : i32
    %add3A_311 = arith.addi %add3A_310, %min3A_3 : i32
    "tpu.region"() ({
      %run_scoped3A = tpu.sem_alloc : memref<!tpu.dma_semaphore, #tpu.memory_space<semaphore_mem>>
      %dma_start3A = arith.constant 960 : i32
      %dma_start3A_314 = tpu.memref_slice %arg19[%dma_start3A] : memref<1600xf32, #tpu.memory_space<vmem>> -> memref<320xf32, #tpu.memory_space<vmem>>
      %dma_start3A_315 = tpu.memref_slice %arg9[%add3A_311] : memref<50000xf32, #tpu.memory_space<hbm>> -> memref<320xf32, #tpu.memory_space<hbm>>
      %dma_start3A_316 = tpu.memref_slice %arg9[%add3A_311] : memref<50000xf32, #tpu.memory_space<hbm>> -> memref<320xf32, #tpu.memory_space<hbm>>
      %dma_start3A_317 = arith.constant 960 : i32
      %dma_start3A_318 = tpu.memref_slice %arg19[%dma_start3A_317] : memref<1600xf32, #tpu.memory_space<vmem>> -> memref<320xf32, #tpu.memory_space<vmem>>
      tpu.enqueue_dma source(%dma_start3A_318 : memref<320xf32, #tpu.memory_space<vmem>>) target(%dma_start3A_316 : memref<320xf32, #tpu.memory_space<hbm>>) target_semaphore(%run_scoped3A : memref<!tpu.dma_semaphore, #tpu.memory_space<semaphore_mem>>)
      %dma_wait3A = arith.constant 960 : i32
      %dma_wait3A_319 = tpu.memref_slice %arg19[%dma_wait3A] : memref<1600xf32, #tpu.memory_space<vmem>> -> memref<320xf32, #tpu.memory_space<vmem>>
      %dma_wait3A_320 = tpu.memref_slice %arg9[%add3A_311] : memref<50000xf32, #tpu.memory_space<hbm>> -> memref<320xf32, #tpu.memory_space<hbm>>
      %dma_wait3A_321 = tpu.memref_slice %arg9[%add3A_311] : memref<50000xf32, #tpu.memory_space<hbm>> -> memref<320xf32, #tpu.memory_space<hbm>>
      %dma_wait3A_322 = arith.constant 960 : i32
      %dma_wait3A_323 = tpu.memref_slice %arg19[%dma_wait3A_322] : memref<1600xf32, #tpu.memory_space<vmem>> -> memref<320xf32, #tpu.memory_space<vmem>>
      tpu.wait_dma2 semaphore(%run_scoped3A : memref<!tpu.dma_semaphore, #tpu.memory_space<semaphore_mem>>) src(%dma_wait3A_323 : memref<320xf32, #tpu.memory_space<vmem>>) dst(%dma_wait3A_321 : memref<320xf32, #tpu.memory_space<hbm>>)
      tpu.yield
    }) : () -> ()
    %add3A_312 = arith.constant 40000 : i32
    %add3A_313 = arith.addi %add3A_312, %min3A_3 : i32
    "tpu.region"() ({
      %run_scoped3A = tpu.sem_alloc : memref<!tpu.dma_semaphore, #tpu.memory_space<semaphore_mem>>
      %dma_start3A = arith.constant 1280 : i32
      %dma_start3A_314 = tpu.memref_slice %arg19[%dma_start3A] : memref<1600xf32, #tpu.memory_space<vmem>> -> memref<320xf32, #tpu.memory_space<vmem>>
      %dma_start3A_315 = tpu.memref_slice %arg9[%add3A_313] : memref<50000xf32, #tpu.memory_space<hbm>> -> memref<320xf32, #tpu.memory_space<hbm>>
      %dma_start3A_316 = tpu.memref_slice %arg9[%add3A_313] : memref<50000xf32, #tpu.memory_space<hbm>> -> memref<320xf32, #tpu.memory_space<hbm>>
      %dma_start3A_317 = arith.constant 1280 : i32
      %dma_start3A_318 = tpu.memref_slice %arg19[%dma_start3A_317] : memref<1600xf32, #tpu.memory_space<vmem>> -> memref<320xf32, #tpu.memory_space<vmem>>
      tpu.enqueue_dma source(%dma_start3A_318 : memref<320xf32, #tpu.memory_space<vmem>>) target(%dma_start3A_316 : memref<320xf32, #tpu.memory_space<hbm>>) target_semaphore(%run_scoped3A : memref<!tpu.dma_semaphore, #tpu.memory_space<semaphore_mem>>)
      %dma_wait3A = arith.constant 1280 : i32
      %dma_wait3A_319 = tpu.memref_slice %arg19[%dma_wait3A] : memref<1600xf32, #tpu.memory_space<vmem>> -> memref<320xf32, #tpu.memory_space<vmem>>
      %dma_wait3A_320 = tpu.memref_slice %arg9[%add3A_313] : memref<50000xf32, #tpu.memory_space<hbm>> -> memref<320xf32, #tpu.memory_space<hbm>>
      %dma_wait3A_321 = tpu.memref_slice %arg9[%add3A_313] : memref<50000xf32, #tpu.memory_space<hbm>> -> memref<320xf32, #tpu.memory_space<hbm>>
      %dma_wait3A_322 = arith.constant 1280 : i32
      %dma_wait3A_323 = tpu.memref_slice %arg19[%dma_wait3A_322] : memref<1600xf32, #tpu.memory_space<vmem>> -> memref<320xf32, #tpu.memory_space<vmem>>
      tpu.wait_dma2 semaphore(%run_scoped3A : memref<!tpu.dma_semaphore, #tpu.memory_space<semaphore_mem>>) src(%dma_wait3A_323 : memref<320xf32, #tpu.memory_space<vmem>>) dst(%dma_wait3A_321 : memref<320xf32, #tpu.memory_space<hbm>>)
      tpu.yield
    }) : () -> ()
    return
  }
}

</mosaic_0001>

<sc_bundles>
// kernel: kernel.4.cloned.1.call-start
scs
__scs_entry_jumppad:
0x0: {  	(pc) =	sbr.rel $0x88, $3  }
0x1: {  	(tag) =	ssettag $0x0;
	lr =	simm.s32 $0x1  }
0x2: {  	[smem:$0x3F9F] =	sst lr;
	_ =	strace $0xD0000000  }
0x3: {  	_ = 	snop  }
0x4: {  	_ = 	snop  }
0x5: {  	_ = 	snop  }
0x6: {  	_ = 	snop  }
0x7: {  	_ = 	snop  }
__scs_overlays_trampoline_lowered:
0x8: {  	[smem:$0x3FAE] =	sst s0  }
0x9: {  	[smem:$0x3FAF] =	sst s1  }
0xa: {  	[smem:$0x3FB0] =	sst s2  }
0xb: {  	[smem:$0x3FB1] =	sst s3  }
0xc: {  	[smem:$0x3FB2] =	sst s4  }
0xd: {  	[smem:$0x3FB3] =	sst s5  }
0xe: {  	[smem:$0x3FB4] =	sst s6  }
0xf: {  	[smem:$0x3FB5] =	sst s7  }
0x10: {  	[smem:$0x3FB6] =	sst s8  }
0x11: {  	[smem:$0x3FB7] =	sst s9;
	s0 =	simm.s32 @!p0 $0x0  }
0x12: {  	s1 =	sld [smem:$0x3F9D];
	s0 =	simm.s32 @p0 $0x1  }
0x13: {  	[smem:$0x3FB8] =	sst s0;
	s0 =	simm.s32 @!p1 $0x0  }
0x14: {  	s2 =	sld [smem:$0x3F9C];
	s0 =	simm.s32 @p1 $0x1  }
0x15: {  	[smem:$0x3FB9] =	sst s0;
	s0 =	simm.s32 @!p2 $0x0  }
0x16: {  	s3 =	sld [smem:$0x3FDB];
	s0 =	simm.s32 @p2 $0x1  }
0x17: {  	s4 =	simm.s32 $0x1BF5;
	[smem:$0x3FBB] =	sst s0  }
0x18: {  	s0 =	sld [smem:$0x3F9E];
	_ =	swait.ge [sflag:s4], $0x0  }
0x19: {  	s7 =	sld [smem:$0x3F9F]  }
0x1a: {  	s8 =	sadd.s32 $0xFFFFE003, lr  }
0x1b: {  	s9 =	sadd.s32 $0xFFFFFEF7, lr;
	s5 =	simm.s32 $0xFFFFFFFF;
	p2 =	slt.u32 s8, $0xFFFFF086  }
0x1c: {  	p1 =	slt.u32 s9, $0xF7A;
	s5 =	simm.s32 @!p2 $0x0  }
0x1d: {  	s5 =	simm.s32 @p1 $0x1;
	p0 =	seq.s32 s7, s2  }
0x1e: {  	s7 =	smul.u32 @!p0 $0xF7A, s2;
	p2 =	seq.s32 @!p0 s5, $0x0  }
0x1f: {  	s9 =	smul.u32 $0xF7A, s1;
	s8 =	simm.s32 @!p0 $0x1BF5;
	p2 =	por !p2, p0  }
0x20: {  	[sflag:s8] =	ssyncset.s32 @!p0 $0xFFFFF086;
	s6 =	sadd.s32 @!p0 s3, s7;
	s7 =	simm.s32 @!p0 $0x108  }
0x21: {  	s3 =	sadd.s32 s3, s9;
	s6 =	sadd.s32 @!p0 $0x88, s6;
	s7 =	simm.s32 @p2 $0x1082  }
0x22: {  	[simem:s7], [sflag:s8] =	dma.local @!p0 [hbm:s6], $0xF7A  }
0x23: {  	s9 =	sor.u32 $0xD0000000, s2;
	s6 =	simm.s32 $0x108;
	_ =	swait.ge @!p0 [sflag:s8], $0x0  }
0x24: {  	s3 =	sadd.s32 $0x88, s3;
	s6 =	simm.s32 @!p1 $0x1082;
	[sflag:s4] =	ssyncset.s32 $0xFFFFF086  }
0x25: {  	[simem:s6], [sflag:s4] =	dma.local [hbm:s3], $0xF7A  }
0x26: {  	[smem:$0x3F9F] =	sst s1;
	(tag) =	ssettag s2;
	_ =	strace s9  }
0x27: {  	s1 =	sld [smem:$0x3FAF]  }
0x28: {  	s2 =	sld [smem:$0x3FB0]  }
0x29: {  	s4 =	sld [smem:$0x3FB2]  }
0x2a: {  	p0 =	seq.s32 s5, $0x0;
	s5 =	sld [smem:$0x3FB3]  }
0x2b: {  	s6 =	sld [smem:$0x3FB4]  }
0x2c: {  	s7 =	sld [smem:$0x3FB5]  }
0x2d: {  	s3 =	simm.s32 $0x108;
	s8 =	sld [smem:$0x3FB6]  }
0x2e: {  	s3 =	simm.s32 @!p0 $0x1082;
	s9 =	sld [smem:$0x3FB7]  }
0x2f: {  	lr =	sadd.s32 s0, s3;
	s0 =	sld [smem:$0x3FAE]  }
0x30: {  	s3 =	sld [smem:$0x3FB1]  }
0x31: {  	[smem:$0x3FBA] =	sst s10  }
0x32: {  	s10 =	sld [smem:$0x3FB8];
	_ =	sdelay $0x3  }
0x33: {  	p0 =	seq.s32 s10, $0x1;
	s10 =	sld [smem:$0x3FBA];
	_ =	sdelay $0x3  }
0x34: {  	[smem:$0x3FBA] =	sst s10  }
0x35: {  	s10 =	sld [smem:$0x3FB9];
	_ =	sdelay $0x3  }
0x36: {  	p1 =	seq.s32 s10, $0x1;
	s10 =	sld [smem:$0x3FBA];
	_ =	sdelay $0x3  }
0x37: {  	[smem:$0x3FBA] =	sst s10  }
0x38: {  	s10 =	sld [smem:$0x3FBB]  }
0x39: {  	_ = 	snop;
	(pc) =	sbr.ind lr, $3  }
0x3a: {  	_ = 	snop  }
0x3b: {  	_ = 	snop  }
0x3c: {  	p2 =	seq.s32 s10, $0x1;
	s10 =	sld [smem:$0x3FBA]  }
0x3d: {  	_ =	shalt  }
0x3e: {  	_ =	shalt  }
0x3f: {  	_ =	shalt  }
0x40: {  	_ =	shalt  }
0x41: {  	_ =	shalt  }
0x42: {  	_ =	shalt  }
0x43: {  	_ =	shalt  }
0x44: {  	_ =	shalt  }
0x45: {  	_ =	shalt  }
0x46: {  	_ =	shalt  }
0x47: {  	_ =	shalt  }
0x48: {  	_ =	shalt  }
0x49: {  	_ =	shalt  }
0x4a: {  	_ =	shalt  }
0x4b: {  	_ =	shalt  }
0x4c: {  	_ =	shalt  }
0x4d: {  	_ =	shalt  }
0x4e: {  	_ =	shalt  }
0x4f: {  	_ =	shalt  }
0x50: {  	_ =	shalt  }
0x51: {  	_ =	shalt  }
0x52: {  	_ =	shalt  }
0x53: {  	_ =	shalt  }
0x54: {  	_ =	shalt  }
0x55: {  	_ =	shalt  }
0x56: {  	_ =	shalt  }
0x57: {  	_ =	shalt  }
0x58: {  	_ =	shalt  }
0x59: {  	_ =	shalt  }
0x5a: {  	_ =	shalt  }
0x5b: {  	_ =	shalt  }
0x5c: {  	_ =	shalt  }
0x5d: {  	_ =	shalt  }
0x5e: {  	_ =	shalt  }
0x5f: {  	_ =	shalt  }
0x60: {  	_ =	shalt  }
0x61: {  	_ =	shalt  }
0x62: {  	_ =	shalt  }
0x63: {  	_ =	shalt  }
0x64: {  	_ =	shalt  }
0x65: {  	_ =	shalt  }
0x66: {  	_ =	shalt  }
0x67: {  	_ =	shalt  }
0x68: {  	_ =	shalt  }
0x69: {  	_ =	shalt  }
0x6a: {  	_ =	shalt  }
0x6b: {  	_ =	shalt  }
0x6c: {  	_ =	shalt  }
0x6d: {  	_ =	shalt  }
0x6e: {  	_ =	shalt  }
0x6f: {  	_ =	shalt  }
0x70: {  	_ =	shalt  }
0x71: {  	_ =	shalt  }
0x72: {  	_ =	shalt  }
0x73: {  	_ =	shalt  }
0x74: {  	_ =	shalt  }
0x75: {  	_ =	shalt  }
0x76: {  	_ =	shalt  }
0x77: {  	_ =	shalt  }
0x78: {  	_ =	shalt  }
0x79: {  	_ =	shalt  }
0x7a: {  	_ =	shalt  }
0x7b: {  	_ =	shalt  }
0x7c: {  	_ =	shalt  }
0x7d: {  	_ =	shalt  }
0x7e: {  	_ =	shalt  }
0x7f: {  	_ =	shalt  }
0x80: {  	_ =	shalt  }
0x81: {  	_ =	shalt  }
0x82: {  	_ =	shalt  }
0x83: {  	_ =	shalt  }
0x84: {  	_ =	shalt  }
0x85: {  	_ =	shalt  }
0x86: {  	_ =	shalt  }
0x87: {  	_ =	shalt  }
.Lfunc_end0:
.L_simem_size_0:
called_computation_lowered:
.L_overlay_start_0:
0x88: {  	s2 =	sld [smem:$0x3FD9]  }
0x89: {  	s3 =	sld [smem:$0x3FFE];
	_ =	sdelay $0x1  }
0x8a: {  	s1 =	srdreg.scid  }
0x8b: {  	s0 =	sand.u32 $0x1, s1  }
0x8c: {  	s14 =	sshll.u32 s0, $0xA;
	s2 =	sadd.s32 s3, s2  }
0x8d: {  	s2 =	sadd.s32 s2, s14  }
0x8e: {  	[smem:$0x3FC6] =	sst s2  }
0x8f: {  	_ = 	snop  }
0x90: {  	s2 =	sld [smem:$0x3FD0];
	_ =	sdelay $0x2  }
0x91: {  	s15 =	simm.s32 $0xA;
	s4 =	simm.s32 $0x10  }
0x92: {  	[smem:s4], [sflag:s15] =	dma.local [hbm:s2], $0x1  }
0x93: {  	_ =	swait.eq [sflag:s15], $0x1  }
0x94: {  	[sflag:s15] =	ssyncset.done $0x0  }
0x95: {  	[sflag:s15] =	ssyncadd.s32 $0xFFFFFFFF  }
0x96: {  	s16 =	sld [smem:$0x10];
	(tm) =	ssettm $0x1  }
0x97: {  	s17 =	sld [smem:$0x3FFB];
	_ =	sdelay $0x3  }
0x98: {  	_ =	strace s17  }
0x99: {  	s3 =	sld [smem:$0x3FFC];
	_ =	sdelay $0x3  }
0x9a: {  	_ =	strace s3  }
0x9b: {  	s3 =	sld [smem:$0x3FFD];
	_ =	sdelay $0x3  }
0x9c: {  	_ =	strace s3  }
0x9d: {  	_ =	strace $0x8FFFFFFF  }
0x9e: {  	s18 =	sld [smem:$0x3FDB];
	_ =	sdelay $0x1  }
0x9f: {  	s19 =	simm.s32 $_scs_section_size  }
0xa0: {  	s5 =	simm.s32 $_size__tile_overlayer_lowered;
	s6 =	simm.s32 $_tile_overlayer_lowered  }
0xa1: {  	s22 =	simm.s32 $0x1BFF;
	s21 =	sshll.u32 s6, $0x1;
	s3 =	sadd.s32 s19, s18  }
0xa2: {  	s7 =	simm.s32 $0x0;
	s20 =	sshll.u32 s5, $0x1;
	s5 =	sadd.s32 s21, s3  }
0xa3: {  	[timem:s7], [sflag:s22] =	dma.local [hbm:s5], s20  }
0xa4: {  	_ =	swait.ge [sflag:s22], s20  }
0xa5: {  	s4 =	ssub.s32 $0x0, s20;
	[sflag:s22] =	ssyncset.done $0x0  }
0xa6: {  	[sflag:s22] =	ssyncadd.s32 s4;
	_ =	sdelay $0x1  }
0xa7: {  	s23 =	simm.s32 $0x1B8B  }
0xa8: {  	_ =	swait.ge [sflag:s23], $0x1  }
0xa9: {  	[sflag:s23] =	ssyncset.done $0x0  }
0xaa: {  	s25 =	simm.s32 $0x1B8E;
	s24 =	sld [smem:$0x3FFE];
	[sflag:s23] =	ssyncadd.s32 $0xFFFFFFFF  }
0xab: {  	s26 =	simm.s32 $execute0_lowered;
	[smem:$0x3FD2] =	sst s25  }
0xac: {  	s5 =	sshll.u32 s26, $0x1;
	_ =	strace $0x80000046;
	[dreg:$0x1] =	wrdreg $0xFFFFFFFF  }
0xad: {  	s28 =	simm.s32 $_size_execute0_lowered;
	s3 =	sadd.s32 s3, s5;
	[dreg:$0x0] =	wrdreg $0x0  }
0xae: {  	s5 =	sshll.u32 s28, $0x1;
	[dreg:$0x2] =	wrdreg s3  }
0xaf: {  	[dreg:$0x3] =	wrdreg s5  }
0xb0: {  	[dreg:$0x4] =	wrdreg $0xC0  }
0xb1: {  	_ =	task [dreg:s7], $0x5FFFF  }
0xb2: {  	[dreg:$0x1] =	wrdreg $0xFFFFFFFF  }
0xb3: {  	[dreg:$0x0] =	wrdreg $0x60  }
0xb4: {  	[dreg:$0x2] =	wrdreg s24  }
0xb5: {  	[dreg:$0x3] =	wrdreg s16  }
0xb6: {  	[dreg:$0x4] =	wrdreg $0x9  }
0xb7: {  	_ =	task.clear_ibuf [dreg:s7], $0x5FFFF;
	_ =	strace $0x90000046  }
0xb8: {  	s29 =	simm.s32 $0x9;
	_ =	strace $0x80000048  }
0xb9: {  	_ =	swait.ge [sflag:s29], $0x1  }
0xba: {  	[sflag:s29] =	ssyncadd.s32 $0xFFFFFFFF  }
0xbb: {  	_ =	strace $0x90000048  }
0xbc: {  	_ =	sfence  }
0xbd: {  	s30 =	sld [smem:$0x0];
	_ =	sdelay $0x2  }
0xbe: {  	s31 =	sshll.u32 s1, $0xD;
	s1 =	sshrl.u32 s1, $0x2  }
0xbf: {  	s3 =	sand.u32 $0x4000, s31;
	s1 =	sadd.s32 s1, s30  }
0xc0: {  	s0 =	sor.u32 s3, s0;
	s1 =	sshll.u32 s1, $0x11  }
0xc1: {  	s0 =	sor.u32 s1, s0  }
0xc2: {  	s0 =	sadd.s32 $0x8F2B, s0  }
0xc3: {  	[sflag:s0] =	ssyncadd.remote.s32 $0x1  }
0xc4: {  	_ =	sfence.sel $0xFFFF  }
0xc5: {  	[dreg:$0x0] =	wrdreg $0xFFFFFFFF;
	(pc) =	sbr.abs _section_cstart, $3  }
0xc6: {  	[dreg:$0x1] =	wrdreg $0xFFFFFFFF  }
0xc7: {  	_ =	task.clear_ibuf [dreg:s7], $0x2FFFF;
	_ =	strace $0x9FFFFFFF  }
0xc8: {  	(tm) =	ssettm $0x7FFFFFFF  }
0xc9: {  	_ =	shalt  }
tec
execute0_lowered:
.L_overlay_start_1:
0x0: {  	(tag) =	ssettag $0x1  }
0x1: {  	s0 =	rddreg [dreg:$0x0]  }
0x2: {  	s1 =	rddreg [dreg:$0x1];
	s2 =	simm.s32 $0x0  }
0x3: {  	s3 =	srdreg.scid;
	s9 =	stileid.u32;
	s22 =	simm.s32 $0x1  }
0x4: {  	s23 =	simm.s32 $0x2000;
	s24 =	simm.s32 $0x4000;
	s26 =	simm.s32 $0x0  }
0x5: {  	[smem:$0x7FF] =	sst s2;
	s4 =	sadd.s32 $0x3D400, s0;
	s5 =	sadd.s32 $0x200, s0  }
0x6: {  	s6 =	sadd.s32 $0x7A600, s0;
	s3 =	sand.u32 $0x1, s3;
	s28 =	sshll.u32 s9, $0x4  }
0x7: {  	s29 =	sadd.s32 $0x7A400, s0;
	s11 =	sadd.s32 $0x3D200, s0;
	_ =	strace $0x80000047  }
0x8: {  	[dreg:$0x3] =	wrdreg s6;
	s7 =	ssub.s32 $0x2, s3;
	s3 =	sshll.u32 s3, $0x4  }
0x9: {  	s6 =	sand.u32 $0x70, s28;
	[dreg:$0x4] =	wrdreg s29;
	s8 =	sshrl.u32 s7, $0x1  }
0xa: {  	s3 =	sor.u32 s9, s3;
	s6 =	sadd.s32 s6, s0;
	s15 =	ssub.s32 s7, s8  }
0xb: {  	s9 =	smul.u32 $0x7, s3;
	s10 =	smin.u32 s3, $0x14;
	p0 =	seq.s32 s3, $0x1F  }
0xc: {  	s7 =	simm.s32 $0x0;
	p1 =	slt.u32 s3, $0x14;
	s8 =	simm.s32 $0x8  }
0xd: {  	s14 =	sshll.u32 s3, $0x4;
	p2 =	sne.s32 s3, $0x1F;
	s7 =	simm.s32 @!p0 $0x9  }
0xe: {  	s8 =	simm.s32 @!p1 $0x7;
	s14 =	sand.u32 $0x180, s14;
	s15 =	smax.u32 s15, $0x1  }
0xf: {  	s9 =	sadd.s32 s10, s9;
	s13 =	sxor.u32 $0x9, s7;
	s16 =	sshll.u32 s7, $0x9  }
0x10: {  	s6 =	sadd.s32 s14, s6;
	s30 =	sand.u32 $0x8, s13;
	s13 =	sshll.u32 s13, $0x9  }
.Ltmp0:
0x11: {  	s14 =	sadd.s32 $0x7A800, s6;
	s17 =	sand.u32 $0x1000, s13;
	(pc) =	sbr.rel .LBB2_1-.Ltmp0, $4  }
0x12: {  	s31 =	sshrl.u32 s16, $0x2;
	s12 =	sadd.s32 s7, s30;
	s17 =	sadd.s32 s16, s17  }
0x13: {  	s13 =	sadd.s32 $0x7A0, s1;
	s18 =	sadd.s32 $0x2080, s31;
	s17 =	sor.u32 $0x100, s17  }
0x14: {  	p0 =	seq.s32 s30, $0x0;
	s16 =	sadd.s32 $0x80, s31;
	s17 =	sshrl.u32 s17, $0x2  }
0x15: {  	s19 =	sadd.s32 $0xFFFFFFFF, s12;
	p1 =	sgt.u32 s12, $0x8;
	s20 =	sor.u32 $0x2000, s17  }
.LBB2_8:
0x16: {  	s0 =	simm.s32 @!p2 $0x0;
	s3 =	simm.s32 @!p2 $0x4000  }
0x17: {  	[hbm4b:s13+s0] =	stream.linear.scatter @!p2 [tilespmem:s3], [sflag:$0x1], $0x9, $0x38;
	[tilespmem:$0x4300] =	vst v63  }
0x18: {  	s0 =	simm.s32 @!p2 $0x1  }
0x19: {  	_ =	swait.ge @!p2 [sflag:s0], $0x9  }
0x1a: {  	s26 =	sadd.s32 $0x1, s26;
	[sflag:s0] =	ssyncset.done @!p2 $0x0  }
0x1b: {  	p3 =	sne.s32 s26, s15;
	[sflag:s0] =	ssyncadd.s32 @!p2 $0xFFFFFFF7  }
.Ltmp1:
0x1c: {  	s31 =	simm.s32 $0x4280;
	[tilespmem:$0x4280] =	vst v4;
	(pc) =	sbr.rel @!p3 .LBB2_9-.Ltmp1, $4  }
0x1d: {  	[hbm4b:s14+s2] =	stream.linear.scatter [tilespmem:s31], [sflag:$0x1], $0x80, $0x38;
	[tilespmem:$0x4300] =	vst v63  }
0x1e: {  	_ =	swait.ge [sflag:s22], $0x80  }
0x1f: {  	[sflag:s22] =	ssyncset.done $0x0  }
0x20: {  	[sflag:s22] =	ssyncadd.s32 $0xFFFFFF80  }
.LBB2_1:
0x21: {  	s0 =	rddreg [dreg:$0x3];
	s3 =	simm.s32 $0x4080  }
0x22: {  	[tilespmem:s3], [sflag:$0x1] =	stream.linear.gather [hbm4b:s0+s2], $0x200, $0x38;
	[tilespmem:$0x4300] =	vst v63  }
0x23: {  	_ =	swait.ge [sflag:s22], $0x200  }
0x24: {  	[sflag:s22] =	ssyncset.done $0x0  }
0x25: {  	[sflag:s22] =	ssyncadd.s32 $0xFFFFFE00  }
0x26: {  	v0 =	vld [tilespmem:$0x4080]  }
0x27: {  	v1 =	vld [tilespmem:$0x4100];
	_ =	sdelay $0x1  }
0x28: {  	v2 =	vld [tilespmem:$0x4180]  }
0x29: {  	v4 =	vimm.s32 $0x0;
	s28 =	simm.s32 $0x0;
	v3 =	vld [tilespmem:$0x4200]  }
.LBB2_2:
0x2a: {  	s29 =	sadd.s32 s28, s9  }
0x2b: {  	s0 =	sshll.u32 s29, $0xA  }
0x2c: {  	s0 =	sand.u32 $0x1FFFFC00, s0  }
0x2d: {  	s30 =	simm.s32 $0x0;
	s3 =	sadd.s32 s4, s0  }
0x2e: {  	[tilespmem:s30], [sflag:$0x1] =	stream.linear.gather [hbm4b:s3+s30], $0x2000, $0x38;
	[tilespmem:$0x4300] =	vst v63  }
0x2f: {  	_ =	swait.ge [sflag:s22], $0x2000  }
0x30: {  	[sflag:s22] =	ssyncset.done $0x0  }
0x31: {  	s0 =	sadd.s32 s5, s0;
	[sflag:s22] =	ssyncadd.s32 $0xFFFFE000  }
0x32: {  	[tilespmem:s23], [sflag:$0x1] =	stream.linear.gather [hbm4b:s0+s30], $0x2000, $0x38;
	[tilespmem:$0x4300] =	vst v63  }
0x33: {  	_ =	swait.ge [sflag:s22], $0x2000  }
0x34: {  	[sflag:s22] =	ssyncset.done $0x0  }
0x35: {  	s31 =	simm.s32 $0x2080;
	[sflag:s22] =	ssyncadd.s32 $0xFFFFE000  }
0x36: {  	v5 =	vld [tilespmem:s31+$0x60]  }
0x37: {  	v6 =	vld [tilespmem:s31+$0x0]  }
0x38: {  	s0 =	simm.s32 $0x80;
	v7 =	vld [tilespmem:s31+$0xFFFFFF90]  }
0x39: {  	v8 =	vld [tilespmem:s0+$0xFFFFFF80]  }
0x3a: {  	v9 =	vld [tilespmem:s31+$0xFFFFFF80]  }
0x3b: {  	v10 =	vld [tilespmem:s0+$0xFFFFFF90]  }
0x3c: {  	vm2 =	vle.f32 v6, v3;
	vm0 =	vle.f32 v5, v3  }
0x3d: {  	v11 =	vld [tilespmem:s0+$0xFFFFFFA0];
	vm3 =	vge.f32 v7, v1;
	vm5 =	vle.f32 v7, v3;
	vm1 =	vge.f32 v5, v1  }
0x3e: {  	v7 =	vld [tilespmem:s31+$0xFFFFFFA0];
	vm6 =	vge.f32 v8, v0;
	v5 =	vmov s30;
	vm4 =	vge.f32 v6, v1  }
0x3f: {  	vm7 =	vge.f32 v9, v1;
	vm8 =	vle.f32 v9, v3;
	v6 =	vld [tilespmem:s0+$0xFFFFFFB0];
	vm9 =	vle.f32 v8, v2  }
0x40: {  	v8 =	vld [tilespmem:s31+$0xFFFFFFB0];
	v5 =	vand.u32 $0xFFFFFFFE, v5;
	vm6 =	vmand vm6, vm7;
	vm7 =	vge.f32 v10, v0  }
0x41: {  	v9 =	vld [tilespmem:s31+$0xFFFFFFC0];
	vm6 =	vmand vm6, vm9;
	vm9 =	vle.f32 v10, v2;
	vm3 =	vmand vm7, vm3  }
0x42: {  	v5 =	vbroadcast v5, $0x0;
	vm6 =	vmand vm8, vm6;
	vm3 =	vmand vm3, vm9  }
0x43: {  	vm7 =	vle.f32 v11, v2;
	v10 =	vld [tilespmem:s0+$0xFFFFFFC0];
	v12 =	vmpcnt.ones.xlane vm6;
	vm3 =	vmand vm5, vm3  }
0x44: {  	v13 =	vld [tilespmem:s0+$0xFFFFFFD0];
	vm5 =	vge.f32 v11, v0;
	vm6 =	vle.f32 v7, v3;
	vm8 =	vge.f32 v7, v1  }
0x45: {  	v7 =	vld [tilespmem:s31+$0xFFFFFFD0];
	v11 =	vmpcnt.ones.xlane vm3;
	vm3 =	vle.f32 v6, v2;
	vm9 =	vle.f32 v8, v3  }
0x46: {  	vm10 =	vge.f32 v6, v0;
	vm11 =	vle.f32 v9, v3;
	v6 =	vld [tilespmem:s0+$0xFFFFFFE0];
	v4 =	vadd.s32 v4, v12  }
0x47: {  	vm5 =	vmand vm5, vm8;
	vm8 =	vge.f32 v8, v1;
	v12 =	vld [tilespmem:s31+$0x30];
	v4 =	vadd.s32 v11, v4  }
0x48: {  	vm5 =	vmand vm5, vm7;
	vm7 =	vmand vm10, vm8;
	vm8 =	vle.f32 v10, v2  }
0x49: {  	vm10 =	vge.f32 v9, v1;
	vm5 =	vmand vm6, vm5;
	vm6 =	vge.f32 v10, v0  }
0x4a: {  	v11 =	vld [tilespmem:s31+$0xFFFFFFE0];
	vm3 =	vmand vm7, vm3;
	v8 =	vmpcnt.ones.xlane vm5;
	vm5 =	vmand vm6, vm10  }
0x4b: {  	v9 =	vld [tilespmem:s31+$0xFFFFFFF0];
	vm7 =	vge.f32 v13, v0;
	vm10 =	vle.f32 v7, v3;
	vm6 =	vmand vm5, vm8  }
0x4c: {  	vm8 =	vmand vm9, vm3;
	vm9 =	vle.f32 v6, v2;
	vm5 =	vge.f32 v12, v1  }
0x4d: {  	v15 =	vld [tilespmem:s0+$0xFFFFFFF0];
	v14 =	vadd.s32 v8, v4;
	vm3 =	vmand vm11, vm6;
	vm6 =	vge.f32 v7, v1  }
0x4e: {  	v10 =	vld [tilespmem:s31+$0x10];
	vm11 =	vge.f32 v6, v0;
	v6 =	vmpcnt.ones.xlane vm8;
	vm8 =	vle.f32 v13, v2  }
0x4f: {  	v8 =	vld [tilespmem:s0+$0x0];
	v4 =	vmpcnt.ones.xlane vm3;
	vm3 =	vle.f32 v12, v3;
	vm12 =	vmand vm7, vm6  }
0x50: {  	vm6 =	vle.f32 v11, v3;
	vm7 =	vle.f32 v9, v3;
	vm13 =	vge.f32 v11, v1  }
0x51: {  	vm8 =	vmand vm12, vm8;
	vm11 =	vmand vm11, vm13;
	vm12 =	vge.f32 v9, v1  }
0x52: {  	v9 =	vld [tilespmem:s0+$0x10];
	v12 =	vadd.s32 v6, v14;
	vm13 =	vge.f32 v15, v0;
	vm8 =	vmand vm10, vm8  }
0x53: {  	v7 =	vld [tilespmem:s0+$0x20];
	vm10 =	vmand vm11, vm9;
	vm11 =	vmand vm13, vm12;
	vm12 =	vle.f32 v15, v2  }
0x54: {  	s25 =	simm.s32 $0x2;
	s21 =	simm.s32 $0x2080;
	s3 =	simm.s32 $0x80;
	v6 =	vld [tilespmem:s31+$0x20];
	vm9 =	vle.f32 v10, v3;
	v11 =	vmpcnt.ones.xlane vm8;
	vm8 =	vle.f32 v8, v2  }
.LBB2_3:
0x55: {  	p3 =	slt.u32 s25, $0x3E;
	v4 =	vadd.s32 v4, v12;
	vm11 =	vmand vm11, vm12;
	vm12 =	vge.f32 v8, v0;
	s31 =	sadd.s32 $0x100, s31;
	s0 =	sadd.s32 $0x100, s0  }
0x56: {  	s6 =	smov.u32 s25;
	s25 =	sadd.s32 $0x2, s25;
	v4 =	vadd.s32 v11, v4;
	vm4 =	vmand vm12, vm4;
	vm12 =	vge.f32 v10, v1  }
0x57: {  	vm6 =	vmand vm6, vm10;
	vm10 =	vge.f32 v9, v0;
	vm7 =	vmand vm7, vm11;
	v8 =	vld [tilespmem:s3+$0x30]  }
0x58: {  	v10 =	vmpcnt.ones.xlane vm7;
	vm7 =	vle.f32 v9, v2;
	vm10 =	vmand vm10, vm12  }
0x59: {  	v9 =	vmpcnt.ones.xlane vm6;
	vm6 =	vmand vm10, vm7;
	vm7 =	vle.f32 v7, v2;
	v11 =	vld [tilespmem:s3+$0x40]  }
0x5a: {  	vm10 =	vle.f32 v6, v3;
	vm6 =	vmand vm9, vm6;
	vm9 =	vge.f32 v6, v1;
	v6 =	vld [tilespmem:s21+$0x40]  }
0x5b: {  	vm4 =	vmand vm4, vm8;
	v12 =	vmpcnt.ones.xlane vm6;
	vm6 =	vge.f32 v7, v0  }
0x5c: {  	vm4 =	vmand vm2, vm4;
	vm6 =	vmand vm6, vm9;
	vm2 =	vle.f32 v8, v2;
	v7 =	vld [tilespmem:s3+$0x50]  }
0x5d: {  	v4 =	vadd.s32 v9, v4;
	v9 =	vmpcnt.ones.xlane vm4;
	vm4 =	vmand vm6, vm7;
	v13 =	vld [tilespmem:s3+$0x70]  }
0x5e: {  	vm6 =	vge.f32 v8, v0;
	vm4 =	vmand vm10, vm4;
	vm7 =	vle.f32 v11, v2;
	v8 =	vld [tilespmem:s21+$0x50]  }
0x5f: {  	v14 =	vmpcnt.ones.xlane vm4;
	vm4 =	vge.f32 v11, v0;
	vm8 =	vle.f32 v6, v3;
	v11 =	vld [tilespmem:s21+$0x70];
	s21 =	smov.u32 s31  }
0x60: {  	v4 =	vadd.s32 v10, v4;
	vm5 =	vmand vm6, vm5;
	vm6 =	vge.f32 v6, v1;
	v6 =	vld [tilespmem:s3+$0x60];
	s3 =	smov.u32 s0  }
0x61: {  	vm4 =	vmand vm4, vm6;
	[tilespmem:v5+s24+$0x0] =	vst.idx.msk $0x1, v4;
	v4 =	vadd.s32 v4, v9;
	vm6 =	vle.f32 v7, v2  }
0x62: {  	vm4 =	vmand vm4, vm7;
	v4 =	vadd.s32 v12, v4;
	vm7 =	vle.f32 v13, v2  }
0x63: {  	vm4 =	vmand vm8, vm4;
	v4 =	vadd.s32 v14, v4;
	vm8 =	vle.f32 v8, v3  }
0x64: {  	v5 =	vmpcnt.ones.xlane vm4;
	vm4 =	vge.f32 v7, v0;
	vm9 =	vge.f32 v11, v1  }
0x65: {  	vm2 =	vmand vm5, vm2;
	vm5 =	vge.f32 v8, v1;
	vm10 =	vle.f32 v11, v3  }
0x66: {  	vm11 =	vge.f32 v13, v0;
	vm4 =	vmand vm4, vm5;
	vm5 =	vge.f32 v6, v0  }
0x67: {  	vm2 =	vmand vm3, vm2;
	vm3 =	vmand vm4, vm6;
	vm4 =	vmand vm11, vm9  }
0x68: {  	v7 =	vmpcnt.ones.xlane vm2;
	vm2 =	vmand vm8, vm3;
	vm3 =	vmand vm4, vm7  }
0x69: {  	vm4 =	vle.f32 v6, v2;
	vm1 =	vmand vm5, vm1;
	vm3 =	vmand vm10, vm3  }
0x6a: {  	s10 =	sadd.s32 $0x1, s30;
	s30 =	smov.u32 s6;
	v4 =	vadd.s32 v7, v4;
	v6 =	vmpcnt.ones.xlane vm2;
	vm1 =	vmand vm1, vm4  }
0x6b: {  	v4 =	vadd.s32 v5, v4;
	v5 =	vmov s10;
	vm0 =	vmand vm0, vm1  }
0x6c: {  	v7 =	vmpcnt.ones.xlane vm0  }
0x6d: {  	v4 =	vadd.s32 v6, v4;
	v6 =	vmpcnt.ones.xlane vm3  }
0x6e: {  	v4 =	vadd.s32 v7, v4;
	v8 =	vld [tilespmem:s31+$0x60]  }
0x6f: {  	v4 =	vadd.s32 v6, v4;
	v7 =	vld [tilespmem:s31+$0x0]  }
0x70: {  	v6 =	vld [tilespmem:s31+$0xFFFFFF90];
	[tilespmem:v5+s24+$0x0] =	vst.idx.msk $0x1, v4  }
0x71: {  	v5 =	vld [tilespmem:s0+$0xFFFFFF80]  }
0x72: {  	v9 =	vld [tilespmem:s31+$0xFFFFFF80]  }
0x73: {  	v10 =	vld [tilespmem:s0+$0xFFFFFF90]  }
0x74: {  	vm0 =	vle.f32 v8, v3;
	v11 =	vld [tilespmem:s0+$0xFFFFFFA0];
	vm2 =	vle.f32 v7, v3  }
0x75: {  	vm1 =	vge.f32 v8, v1;
	vm3 =	vge.f32 v6, v1;
	vm5 =	vle.f32 v6, v3;
	v6 =	vld [tilespmem:s31+$0xFFFFFFA0]  }
0x76: {  	v12 =	vmov s30;
	vm4 =	vge.f32 v7, v1;
	vm6 =	vge.f32 v5, v0;
	v8 =	vld [tilespmem:s0+$0xFFFFFFB0]  }
0x77: {  	v7 =	vand.u32 $0xFFFFFFFE, v12;
	vm7 =	vge.f32 v9, v1;
	vm8 =	vle.f32 v9, v3  }
0x78: {  	vm9 =	vle.f32 v5, v2;
	vm6 =	vmand vm6, vm7;
	vm7 =	vge.f32 v10, v0;
	v9 =	vld [tilespmem:s31+$0xFFFFFFB0]  }
0x79: {  	v5 =	vbroadcast v7, $0x0;
	vm6 =	vmand vm6, vm9;
	vm9 =	vle.f32 v10, v2;
	v10 =	vld [tilespmem:s31+$0xFFFFFFC0]  }
0x7a: {  	vm3 =	vmand vm7, vm3;
	vm7 =	vle.f32 v11, v2;
	vm6 =	vmand vm8, vm6;
	v7 =	vld [tilespmem:s0+$0xFFFFFFC0]  }
0x7b: {  	vm3 =	vmand vm3, vm9;
	v12 =	vmpcnt.ones.xlane vm6;
	vm6 =	vle.f32 v6, v3  }
0x7c: {  	vm8 =	vge.f32 v6, v1;
	vm3 =	vmand vm5, vm3;
	vm5 =	vge.f32 v11, v0;
	v6 =	vld [tilespmem:s31+$0xFFFFFFD0]  }
0x7d: {  	v11 =	vmpcnt.ones.xlane vm3;
	vm3 =	vle.f32 v8, v2;
	v4 =	vadd.s32 v4, v12;
	v12 =	vld [tilespmem:s0+$0xFFFFFFD0]  }
0x7e: {  	vm5 =	vmand vm5, vm8;
	vm8 =	vge.f32 v9, v1;
	vm9 =	vle.f32 v9, v3;
	v9 =	vld [tilespmem:s31+$0x30]  }
0x7f: {  	vm10 =	vge.f32 v8, v0;
	v4 =	vadd.s32 v11, v4;
	vm11 =	vle.f32 v10, v3;
	v11 =	vld [tilespmem:s31+$0xFFFFFFE0]  }
0x80: {  	vm5 =	vmand vm5, vm7;
	vm7 =	vmand vm10, vm8;
	vm10 =	vle.f32 v7, v2;
	v13 =	vld [tilespmem:s0+$0xFFFFFFE0]  }
0x81: {  	vm5 =	vmand vm6, vm5;
	vm8 =	vge.f32 v10, v1;
	vm6 =	vge.f32 v7, v0  }
0x82: {  	v7 =	vmpcnt.ones.xlane vm5;
	vm5 =	vmand vm6, vm8;
	vm8 =	vle.f32 v6, v3;
	v14 =	vld [tilespmem:s31+$0xFFFFFFF0]  }
0x83: {  	vm3 =	vmand vm7, vm3;
	vm6 =	vmand vm5, vm10;
	v15 =	vld [tilespmem:s0+$0xFFFFFFF0];
	vm5 =	vge.f32 v9, v1  }
0x84: {  	vm9 =	vmand vm9, vm3;
	v7 =	vadd.s32 v7, v4;
	vm3 =	vmand vm11, vm6  }
0x85: {  	vm6 =	vge.f32 v6, v1;
	v4 =	vmpcnt.ones.xlane vm3;
	vm10 =	vle.f32 v13, v2;
	v8 =	vld [tilespmem:s0+$0x0]  }
0x86: {  	vm7 =	vge.f32 v12, v0;
	vm3 =	vle.f32 v9, v3;
	vm11 =	vge.f32 v13, v0  }
0x87: {  	vm12 =	vmand vm7, vm6;
	vm6 =	vle.f32 v11, v3;
	vm7 =	vle.f32 v14, v3;
	v10 =	vld [tilespmem:s31+$0x10]  }
.Ltmp2:
0x88: {  	v6 =	vmpcnt.ones.xlane vm9;
	vm9 =	vle.f32 v12, v2;
	vm13 =	vge.f32 v11, v1;
	v9 =	vld [tilespmem:s0+$0x10];
	(pc) =	sbr.rel @p3 .LBB2_3-.Ltmp2, $4  }
0x89: {  	vm9 =	vmand vm12, vm9;
	vm11 =	vmand vm11, vm13;
	vm12 =	vge.f32 v14, v1  }
0x8a: {  	v12 =	vadd.s32 v6, v7;
	vm8 =	vmand vm8, vm9;
	vm9 =	vge.f32 v15, v0;
	v6 =	vld [tilespmem:s31+$0x20]  }
0x8b: {  	v11 =	vmpcnt.ones.xlane vm8;
	vm10 =	vmand vm11, vm10;
	vm11 =	vmand vm9, vm12;
	v7 =	vld [tilespmem:s0+$0x20]  }
0x8c: {  	vm12 =	vle.f32 v15, v2;
	vm8 =	vle.f32 v8, v2;
	vm9 =	vle.f32 v10, v3  }
0x8d: {  	vm13 =	vge.f32 v8, v0  }
0x8e: {  	vm11 =	vmand vm11, vm12;
	v4 =	vadd.s32 v4, v12;
	vm12 =	vge.f32 v10, v1  }
0x8f: {  	vm15 =	vge.f32 v9, v0;
	vm6 =	vmand vm6, vm10;
	vm4 =	vmand vm13, vm4  }
0x90: {  	v52 =	vld [tilespmem:s3+$0x30];
	s0 =	sadd.s32 $0x1, s30;
	vm7 =	vmand vm7, vm11;
	v4 =	vadd.s32 v11, v4;
	vm11 =	vmand vm15, vm12  }
0x91: {  	v55 =	vld [tilespmem:s3+$0x40];
	vm12 =	vle.f32 v9, v2;
	v54 =	vmpcnt.ones.xlane vm6;
	v62 =	vmov s0  }
0x92: {  	v13 =	vld [tilespmem:s3+$0x70];
	v53 =	vmpcnt.ones.xlane vm7;
	vm11 =	vmand vm11, vm12;
	vm13 =	vge.f32 v6, v1  }
0x93: {  	v58 =	vld [tilespmem:s21+$0x50];
	vm14 =	vle.f32 v6, v3;
	vm4 =	vmand vm4, vm8;
	vm12 =	vle.f32 v7, v2  }
0x94: {  	vm7 =	vmand vm9, vm11;
	vm15 =	vge.f32 v7, v0;
	vm2 =	vmand vm2, vm4  }
0x95: {  	v6 =	vld [tilespmem:s21+$0x40];
	v4 =	vadd.s32 v54, v4;
	v7 =	vmpcnt.ones.xlane vm7;
	vm9 =	vmand vm15, vm13  }
0x96: {  	v56 =	vld [tilespmem:s3+$0x50];
	v57 =	vmpcnt.ones.xlane vm2;
	v4 =	vadd.s32 v53, v4;
	vm4 =	vle.f32 v52, v2  }
0x97: {  	v59 =	vld [tilespmem:s21+$0x70];
	vm6 =	vmand vm9, vm12;
	vm12 =	vle.f32 v55, v2;
	vm13 =	vge.f32 v55, v0  }
0x98: {  	vm7 =	vle.f32 v13, v2;
	vm8 =	vle.f32 v58, v3;
	vm11 =	vmand vm14, vm6  }
0x99: {  	vm6 =	vge.f32 v52, v0;
	v9 =	vadd.s32 v4, v57;
	v14 =	vmpcnt.ones.xlane vm11  }
0x9a: {  	vm14 =	vle.f32 v6, v3;
	vm15 =	vge.f32 v6, v1;
	vm5 =	vmand vm6, vm5  }
0x9b: {  	v6 =	vld [tilespmem:s3+$0x60];
	vm6 =	vle.f32 v56, v2;
	v7 =	vadd.s32 v7, v9;
	vm2 =	vmand vm13, vm15  }
0x9c: {  	vm13 =	vge.f32 v59, v1;
	vm4 =	vmand vm5, vm4;
	vm5 =	vle.f32 v59, v3  }
0x9d: {  	vm2 =	vmand vm2, vm12;
	v7 =	vadd.s32 v14, v7;
	vm12 =	vge.f32 v56, v0  }
0x9e: {  	vm3 =	vmand vm3, vm4;
	vm2 =	vmand vm14, vm2;
	vm14 =	vge.f32 v58, v1  }
0x9f: {  	v61 =	vmpcnt.ones.xlane vm3;
	v60 =	vmpcnt.ones.xlane vm2;
	vm2 =	vmand vm12, vm14  }
0xa0: {  	vm12 =	vge.f32 v13, v0;
	vm15 =	vge.f32 v6, v0;
	vm2 =	vmand vm2, vm6  }
0xa1: {  	vm13 =	vmand vm12, vm13;
	vm14 =	vle.f32 v6, v2;
	vm1 =	vmand vm15, vm1  }
0xa2: {  	v6 =	vadd.s32 v61, v7;
	vm2 =	vmand vm8, vm2;
	vm1 =	vmand vm1, vm14  }
0xa3: {  	vm4 =	vmand vm13, vm7;
	v7 =	vmpcnt.ones.xlane vm2;
	vm0 =	vmand vm0, vm1  }
0xa4: {  	v6 =	vadd.s32 v60, v6;
	vm15 =	vmand vm5, vm4;
	v63 =	vmpcnt.ones.xlane vm0  }
0xa5: {  	v6 =	vadd.s32 v7, v6;
	v7 =	vmpcnt.ones.xlane vm15  }
0xa6: {  	s31 =	sshll.u32 s29, $0x3;
	s28 =	sadd.s32 $0x1, s28;
	v6 =	vadd.s32 v63, v6  }
0xa7: {  	s0 =	sand.u32 $0x1FFFFFF8, s31;
	p3 =	sne.s32 s28, s8;
	[tilespmem:v5+s24+$0x0] =	vst.idx.msk $0x1, v4;
	v4 =	vadd.s32 v7, v6  }
.Ltmp3:
0xa8: {  	s0 =	sadd.s32 s1, s0;
	[tilespmem:v62+s24+$0x0] =	vst.idx.msk $0x1, v4;
	(pc) =	sbr.rel @p3 .LBB2_2-.Ltmp3, $4  }
0xa9: {  	[hbm4b:s0+s2] =	stream.linear.scatter [tilespmem:s24], [sflag:$0x1], $0x40, $0x38;
	[tilespmem:$0x4300] =	vst v63  }
0xaa: {  	_ =	swait.ge [sflag:s22], $0x40  }
0xab: {  	[sflag:s22] =	ssyncset.done $0x0  }
0xac: {  	[sflag:s22] =	ssyncadd.s32 $0xFFFFFFC0  }
0xad: {  	s0 =	rddreg [dreg:$0x4]  }
0xae: {  	[tilespmem:s2], [sflag:$0x1] =	stream.linear.gather [hbm4b:s0+s2], $0x480, $0x38;
	[tilespmem:$0x4300] =	vst v63  }
0xaf: {  	_ =	swait.ge [sflag:s22], $0x480  }
0xb0: {  	[sflag:s22] =	ssyncset.done $0x0  }
.Ltmp4:
0xb1: {  	[sflag:s22] =	ssyncadd.s32 $0xFFFFFB80;
	(pc) =	sbr.rel @p0 .LBB2_6-.Ltmp4, $4  }
0xb2: {  	[tilespmem:s23], [sflag:$0x1] =	stream.linear.gather [hbm4b:s11+s2], $0x480, $0x38;
	[tilespmem:$0x4300] =	vst v63  }
0xb3: {  	_ =	swait.ge [sflag:s22], $0x480  }
0xb4: {  	[sflag:s22] =	ssyncset.done $0x0  }
0xb5: {  	[sflag:s22] =	ssyncadd.s32 $0xFFFFFB80  }
0xb6: {  	v5 =	vld [tilespmem:s16+$0x70]  }
0xb7: {  	v7 =	vld [tilespmem:s18+$0x70]  }
0xb8: {  	v6 =	vld [tilespmem:s16+$0x60]  }
0xb9: {  	v8 =	vld [tilespmem:s18+$0x60]  }
0xba: {  	v9 =	vld [tilespmem:s16+$0x50]  }
0xbb: {  	v10 =	vld [tilespmem:s18+$0x50]  }
0xbc: {  	v11 =	vld [tilespmem:s16+$0x40]  }
0xbd: {  	v12 =	vld [tilespmem:s18+$0x40]  }
0xbe: {  	v13 =	vld [tilespmem:s16+$0x30]  }
0xbf: {  	v14 =	vld [tilespmem:s18+$0x30]  }
0xc0: {  	v15 =	vld [tilespmem:s16+$0x20]  }
0xc1: {  	v16 =	vld [tilespmem:s18+$0x20]  }
0xc2: {  	v17 =	vld [tilespmem:s16+$0x10]  }
0xc3: {  	v18 =	vld [tilespmem:s18+$0x10]  }
0xc4: {  	v19 =	vld [tilespmem:s16+$0x0]  }
0xc5: {  	v20 =	vld [tilespmem:s18+$0x0]  }
0xc6: {  	v21 =	vld [tilespmem:s16+$0xFFFFFFF0]  }
0xc7: {  	v22 =	vld [tilespmem:s18+$0xFFFFFFF0];
	v33 =	vimm.s32 $0x0;
	v34 =	vimm.s32 $0x0;
	v36 =	vimm.s32 $0x0  }
0xc8: {  	v23 =	vld [tilespmem:s16+$0xFFFFFFE0];
	v37 =	vimm.s32 $0x0;
	v61 =	vimm.s32 $0x0;
	v62 =	vimm.s32 $0x0  }
0xc9: {  	v24 =	vld [tilespmem:s18+$0xFFFFFFE0];
	v63 =	vimm.s32 $0x0;
	vm0 =	vge.f32 v5, v0;
	vm1 =	vge.f32 v7, v1  }
0xca: {  	v25 =	vld [tilespmem:s16+$0xFFFFFFD0];
	vm4 =	vge.f32 v6, v0;
	vm5 =	vge.f32 v8, v1;
	vm3 =	vge.f32 v9, v0  }
0xcb: {  	v26 =	vld [tilespmem:s18+$0xFFFFFFD0];
	vm6 =	vge.f32 v10, v1;
	vm7 =	vge.f32 v11, v0;
	vm8 =	vge.f32 v12, v1  }
0xcc: {  	v27 =	vld [tilespmem:s16+$0xFFFFFFC0];
	vm9 =	vge.f32 v13, v0;
	vm10 =	vge.f32 v14, v1;
	vm11 =	vge.f32 v15, v0  }
0xcd: {  	v28 =	vld [tilespmem:s18+$0xFFFFFFC0];
	vm12 =	vge.f32 v16, v1;
	vm13 =	vge.f32 v17, v0;
	vm14 =	vge.f32 v18, v1  }
0xce: {  	v29 =	vld [tilespmem:s16+$0xFFFFFFB0];
	vm15 =	vge.f32 v19, v0;
	vm2 =	vge.f32 v20, v1;
	vm0 =	vmand vm0, vm1  }
0xcf: {  	v30 =	vld [tilespmem:s18+$0xFFFFFFB0];
	vm1 =	vge.f32 v21, v0;
	vm5 =	vmand vm4, vm5;
	vm4 =	vge.f32 v24, v1  }
0xd0: {  	v31 =	vld [tilespmem:s16+$0xFFFFFFA0];
	vm10 =	vmand vm9, vm10;
	v33 =	vsel vm0, $0xFFFFFFFF, v33;
	vm0 =	vmand vm7, vm8  }
0xd1: {  	v32 =	vld [tilespmem:s18+$0xFFFFFFA0];
	vm9 =	vge.f32 v27, v0;
	vm8 =	vge.f32 v22, v1;
	[tilespmem:$0x1FED0] =	vst v33;
	v34 =	vsel vm0, $0xFFFFFFFF, v34  }
0xd2: {  	vm7 =	vmand vm3, vm6;
	vm6 =	vge.f32 v23, v0;
	vm0 =	vmand vm13, vm14;
	v33 =	vld [tilespmem:s18+$0xFFFFFF90];
	[tilespmem:$0x1FEF0] =	vst v34  }
0xd3: {  	vm3 =	vmand vm11, vm12;
	vm12 =	vge.f32 v26, v1;
	v36 =	vsel vm0, $0xFFFFFFFF, v36;
	v34 =	vld [tilespmem:s18+$0xFFFFFF80]  }
0xd4: {  	vm14 =	vge.f32 v25, v0;
	vm1 =	vmand vm1, vm8;
	vm8 =	vge.f32 v30, v1;
	v35 =	vld [tilespmem:s16+$0xFFFFFF90];
	[tilespmem:$0x1FF20] =	vst v36  }
0xd5: {  	vm0 =	vmand vm6, vm4;
	vm4 =	vge.f32 v29, v0;
	vm6 =	vmand vm15, vm2;
	v36 =	vld [tilespmem:s16+$0xFFFFFF80]  }
0xd6: {  	vm15 =	vge.f32 v31, v0;
	vm11 =	vmand vm14, vm12;
	v37 =	vsel vm0, $0xFFFFFFFF, v37  }
0xd7: {  	vm0 =	vge.f32 v28, v1;
	[tilespmem:$0x1FF30] =	vst v37;
	v37 =	vsel vm1, $0xFFFFFFFF, v61;
	vm1 =	vmand vm4, vm8  }
0xd8: {  	vm0 =	vmand vm9, vm0;
	[tilespmem:$0x1FF10] =	vst v37;
	v37 =	vsel vm1, $0xFFFFFFFF, v62;
	vm1 =	vge.f32 v32, v1  }
0xd9: {  	[tilespmem:$0x1FEA0] =	vst v37;
	v37 =	vsel vm0, $0xFFFFFFFF, v63;
	vm12 =	vge.f32 v33, v1;
	vm9 =	vge.f32 v35, v0  }
0xda: {  	vm13 =	vge.f32 v34, v1;
	vm0 =	vge.f32 v36, v0;
	vm4 =	vmand vm9, vm12  }
0xdb: {  	vm0 =	vmand vm0, vm13;
	vm13 =	vmand vm15, vm1;
	vm15 =	vle.f32 v9, v2  }
0xdc: {  	vm12 =	vle.f32 v5, v2;
	v5 =	vimm.s32 $0x0;
	vm2 =	vmand vm7, vm15  }
0xdd: {  	vm1 =	vle.f32 v6, v2;
	v5 =	vsel vm2, $0xFFFFFFFF, v5  }
0xde: {  	vm1 =	vmand vm5, vm1;
	[tilespmem:$0x1FEB0] =	vst v5;
	v5 =	vimm.s32 $0x0  }
0xdf: {  	v5 =	vsel vm1, $0xFFFFFFFF, v5  }
0xe0: {  	[tilespmem:$0x1FEC0] =	vst v5;
	v5 =	vld [tilespmem:$0x1FED0];
	_ =	sdelay $0x4  }
0xe1: {  	vm1 =	vnez.u8 v5  }
0xe2: {  	v5 =	vimm.s32 $0x0;
	vm1 =	vmand vm1, vm12  }
0xe3: {  	v5 =	vsel vm1, $0xFFFFFFFF, v5  }
0xe4: {  	[tilespmem:$0x1FEE0] =	vst v5;
	v5 =	vld [tilespmem:$0x1FEF0];
	_ =	sdelay $0x4  }
0xe5: {  	vm1 =	vle.f32 v11, v2;
	vm2 =	vnez.u8 v5  }
0xe6: {  	v5 =	vimm.s32 $0x0;
	vm1 =	vmand vm2, vm1  }
0xe7: {  	v5 =	vsel vm1, $0xFFFFFFFF, v5  }
0xe8: {  	[tilespmem:$0x1FF00] =	vst v5;
	v5 =	vld [tilespmem:$0x1FF10];
	_ =	sdelay $0x4  }
0xe9: {  	vm2 =	vnez.u8 v5;
	v5 =	vld [tilespmem:$0x1FF20];
	_ =	sdelay $0x2  }
0xea: {  	vm7 =	vle.f32 v15, v2  }
0xeb: {  	vm8 =	vmand vm3, vm7;
	vm3 =	vle.f32 v19, v2  }
0xec: {  	vm12 =	vmand vm6, vm3;
	vm3 =	vnez.u8 v5;
	v5 =	vld [tilespmem:$0x1FF30];
	_ =	sdelay $0x1  }
0xed: {  	vm5 =	vle.f32 v13, v2  }
0xee: {  	vm7 =	vmand vm10, vm5;
	vm1 =	vle.f32 v17, v2  }
0xef: {  	[tilespmem:$0x1FF40] =	vst v37;
	vm10 =	vle.f32 v36, v2;
	vm9 =	vmand vm3, vm1;
	vm3 =	vle.f32 v25, v2  }
0xf0: {  	vm0 =	vmand vm0, vm10;
	vm10 =	vmand vm11, vm3;
	vm3 =	vnez.u8 v5;
	v5 =	vld [tilespmem:$0x1FF40];
	_ =	sdelay $0x1  }
0xf1: {  	vm5 =	vle.f32 v21, v2;
	vm6 =	vle.f32 v34, v3  }
0xf2: {  	vm0 =	vmand vm6, vm0;
	vm2 =	vmand vm2, vm5;
	vm11 =	vle.f32 v35, v2  }
0xf3: {  	vm1 =	vle.f32 v23, v2;
	vm6 =	vmand vm4, vm11;
	vm4 =	vle.f32 v7, v3  }
0xf4: {  	vm5 =	vmand vm3, vm1;
	vm1 =	vle.f32 v27, v2;
	vm3 =	vnez.u8 v5  }
0xf5: {  	vm11 =	vmand vm3, vm1;
	vm3 =	vle.f32 v8, v3;
	v8 =	vimm.s32 $0x0  }
0xf6: {  	v7 =	vimm.s32 $0x0;
	v8 =	vsel vm3, $0xFFFFFFFF, v8;
	vm3 =	vle.f32 v16, v3  }
0xf7: {  	v7 =	vsel vm3, $0xFFFFFFFF, v7  }
0xf8: {  	vm3 =	vle.f32 v18, v3;
	[tilespmem:$0x1FF60] =	vst v7;
	v7 =	vimm.s32 $0x0  }
0xf9: {  	v7 =	vsel vm3, $0xFFFFFFFF, v7  }
0xfa: {  	vm3 =	vle.f32 v20, v3;
	[tilespmem:$0x1FF70] =	vst v7;
	v7 =	vimm.s32 $0x0  }
0xfb: {  	v7 =	vsel vm3, $0xFFFFFFFF, v7  }
0xfc: {  	vm3 =	vle.f32 v22, v3;
	[tilespmem:$0x1FF80] =	vst v7;
	v7 =	vimm.s32 $0x0  }
0xfd: {  	v7 =	vsel vm3, $0xFFFFFFFF, v7  }
0xfe: {  	vm3 =	vle.f32 v24, v3;
	[tilespmem:$0x1FF90] =	vst v7;
	v7 =	vimm.s32 $0x0  }
0xff: {  	v7 =	vsel vm3, $0xFFFFFFFF, v7  }
0x100: {  	vm3 =	vle.f32 v26, v3;
	[tilespmem:$0x1FFA0] =	vst v7;
	v7 =	vimm.s32 $0x0  }
0x101: {  	v7 =	vsel vm3, $0xFFFFFFFF, v7  }
0x102: {  	vm3 =	vle.f32 v28, v3;
	[tilespmem:$0x1FFB0] =	vst v7;
	v7 =	vimm.s32 $0x0  }
0x103: {  	v7 =	vsel vm3, $0xFFFFFFFF, v7  }
0x104: {  	s3 =	sadd.s32 $0x2, s7;
	vm3 =	vle.f32 v30, v3;
	[tilespmem:$0x1FFC0] =	vst v7;
	v7 =	vimm.s32 $0x0  }
0x105: {  	p3 =	slt.u32 s3, s12;
	v7 =	vsel vm3, $0xFFFFFFFF, v7  }
.Ltmp5:
0x106: {  	vm14 =	vle.f32 v12, v3;
	vm3 =	vle.f32 v32, v3;
	[tilespmem:$0x1FFD0] =	vst v7;
	v7 =	vimm.s32 $0x0;
	(pc) =	sbr.rel @!p3 .LBB2_12-.Ltmp5, $4  }
0x107: {  	vm15 =	vle.f32 v14, v3;
	v6 =	vmpcnt.ones.xlane vm0;
	v7 =	vsel vm3, $0xFFFFFFFF, v7  }
0x108: {  	vm0 =	vle.f32 v33, v3;
	vm3 =	vle.f32 v29, v2;
	[tilespmem:$0x1FFE0] =	vst v7;
	v7 =	vimm.s32 $0x0  }
0x109: {  	vm0 =	vmand vm0, vm6;
	vm1 =	vle.f32 v31, v2;
	[tilespmem:$0x1FF50] =	vst v8;
	v7 =	vsel vm3, $0xFFFFFFFF, v7  }
0x10a: {  	s21 =	sadd.s32 $0x100, s16;
	s25 =	smov.u32 s18;
	s0 =	smov.u32 s7;
	v5 =	vmov s7;
	vm1 =	vmand vm13, vm1;
	vm13 =	vle.f32 v10, v3;
	[tilespmem:$0x1FFF0] =	vst v7  }
.LBB2_11:
0x10b: {  	v9 =	vld [tilespmem:$0x1FFE0]  }
0x10c: {  	v38 =	vld [tilespmem:$0x1FEA0]  }
0x10d: {  	v39 =	vld [tilespmem:$0x1FFF0]  }
0x10e: {  	v10 =	vld [tilespmem:$0x1FFD0];
	_ =	sdelay $0x1  }
0x10f: {  	v11 =	vld [tilespmem:$0x1FFC0]  }
0x110: {  	v8 =	vmpcnt.ones.xlane vm0;
	v4 =	vadd.s32 v4, v6;
	vm0 =	vnez.u8 v9  }
0x111: {  	v12 =	vld [tilespmem:$0x1FFB0];
	vm3 =	vnez.u8 v39;
	vm0 =	vmand vm0, vm1;
	vm1 =	vnez.u8 v38  }
0x112: {  	vm1 =	vmand vm1, vm3;
	v6 =	vmpcnt.ones.xlane vm0;
	vm0 =	vnez.u8 v10  }
0x113: {  	v13 =	vld [tilespmem:$0x1FFA0];
	vm0 =	vmand vm0, vm1  }
0x114: {  	v4 =	vadd.s32 v8, v4;
	v8 =	vmpcnt.ones.xlane vm0;
	vm0 =	vnez.u8 v11  }
0x115: {  	v14 =	vld [tilespmem:$0x1FF90];
	vm0 =	vmand vm0, vm11  }
0x116: {  	v4 =	vadd.s32 v6, v4;
	v6 =	vmpcnt.ones.xlane vm0;
	vm0 =	vnez.u8 v12  }
0x117: {  	v15 =	vld [tilespmem:$0x1FF80];
	vm0 =	vmand vm0, vm10  }
0x118: {  	v4 =	vadd.s32 v8, v4;
	v8 =	vmpcnt.ones.xlane vm0;
	vm0 =	vnez.u8 v13  }
0x119: {  	v16 =	vld [tilespmem:$0x1FF70];
	vm0 =	vmand vm0, vm5  }
0x11a: {  	v4 =	vadd.s32 v6, v4;
	v6 =	vmpcnt.ones.xlane vm0;
	vm0 =	vnez.u8 v14  }
0x11b: {  	v17 =	vld [tilespmem:$0x1FF60];
	vm0 =	vmand vm0, vm2  }
0x11c: {  	v4 =	vadd.s32 v8, v4;
	v8 =	vmpcnt.ones.xlane vm0;
	vm0 =	vnez.u8 v15  }
0x11d: {  	vm0 =	vmand vm0, vm12  }
0x11e: {  	v18 =	vld [tilespmem:$0x1FF00];
	v4 =	vadd.s32 v6, v4;
	v6 =	vmpcnt.ones.xlane vm0;
	vm0 =	vnez.u8 v16  }
0x11f: {  	vm0 =	vmand vm0, vm9  }
0x120: {  	v4 =	vadd.s32 v8, v4;
	v8 =	vmpcnt.ones.xlane vm0;
	vm0 =	vnez.u8 v17  }
0x121: {  	vm0 =	vmand vm0, vm8  }
0x122: {  	[tilespmem:v5+s24+$0x0] =	vst.idx.msk $0x1, v4;
	v4 =	vadd.s32 v4, v6;
	v5 =	vmpcnt.ones.xlane vm0;
	vm0 =	vmand vm15, vm7  }
0x123: {  	v19 =	vld [tilespmem:$0x1FEB0];
	v4 =	vadd.s32 v8, v4;
	v8 =	vmpcnt.ones.xlane vm0;
	vm0 =	vnez.u8 v18  }
0x124: {  	v20 =	vld [tilespmem:$0x1FEC0];
	vm0 =	vmand vm14, vm0  }
0x125: {  	v51 =	vld [tilespmem:$0x1FF50];
	v25 =	vimm.s32 $0x0;
	v4 =	vadd.s32 v5, v4;
	v5 =	vmpcnt.ones.xlane vm0  }
0x126: {  	v53 =	vimm.s32 $0x0;
	v54 =	vimm.s32 $0x0;
	v4 =	vadd.s32 v8, v4  }
0x127: {  	v55 =	vimm.s32 $0x0;
	v56 =	vimm.s32 $0x0;
	v4 =	vadd.s32 v5, v4;
	v5 =	vld [tilespmem:$0x1FEE0]  }
0x128: {  	s25 =	sadd.s32 $0x100, s25;
	v26 =	vimm.s32 $0x0;
	v58 =	vimm.s32 $0x0;
	vm0 =	vnez.u8 v19  }
0x129: {  	v60 =	vimm.s32 $0x0;
	v61 =	vimm.s32 $0x0;
	v42 =	vld [tilespmem:s25+$0x60];
	vm0 =	vmand vm13, vm0  }
0x12a: {  	v40 =	vld [tilespmem:s25+$0x70];
	vm1 =	vnez.u8 v51;
	v8 =	vmpcnt.ones.xlane vm0;
	vm0 =	vnez.u8 v20  }
0x12b: {  	v63 =	vimm.s32 $0x0;
	v27 =	vimm.s32 $0x0;
	v44 =	vld [tilespmem:s25+$0x50];
	vm0 =	vmand vm1, vm0  }
0x12c: {  	v41 =	vld [tilespmem:s21+$0x60];
	v29 =	vimm.s32 $0x0;
	v21 =	vmpcnt.ones.xlane vm0;
	vm0 =	vnez.u8 v5  }
0x12d: {  	v7 =	vld [tilespmem:s21+$0x70];
	v31 =	vimm.s32 $0x0;
	v32 =	vimm.s32 $0x0;
	vm0 =	vmand vm4, vm0  }
0x12e: {  	v46 =	vld [tilespmem:s25+$0x40];
	v4 =	vadd.s32 v8, v4;
	v8 =	vmpcnt.ones.xlane vm0;
	vm0 =	vle.f32 v42, v3  }
0x12f: {  	v43 =	vld [tilespmem:s21+$0x50];
	v33 =	vimm.s32 $0x0;
	v25 =	vsel vm0, $0xFFFFFFFF, v25;
	vm0 =	vle.f32 v40, v3  }
0x130: {  	v34 =	vimm.s32 $0x0;
	v48 =	vld [tilespmem:s25+$0x30];
	[tilespmem:$0x1FF50] =	vst v25;
	v25 =	vsel vm0, $0xFFFFFFFF, v53;
	vm0 =	vle.f32 v44, v3  }
0x131: {  	v45 =	vld [tilespmem:s21+$0x40];
	v35 =	vimm.s32 $0x0;
	[tilespmem:$0x1FE90] =	vst v25;
	v25 =	vsel vm0, $0xFFFFFFFF, v54;
	vm0 =	vle.f32 v41, v2  }
0x132: {  	v37 =	vimm.s32 $0x0;
	v49 =	vld [tilespmem:s25+$0x20];
	[tilespmem:$0x1FE50] =	vst v25;
	v25 =	vsel vm0, $0xFFFFFFFF, v55;
	vm0 =	vle.f32 v7, v2  }
0x133: {  	v47 =	vld [tilespmem:s21+$0x30];
	v39 =	vimm.s32 $0x0;
	[tilespmem:$0x1FD50] =	vst v25;
	v25 =	vsel vm0, $0xFFFFFFFF, v56;
	vm0 =	vle.f32 v46, v3  }
0x134: {  	v52 =	vld [tilespmem:s25+$0x10];
	vm6 =	vge.f32 v42, v1;
	v26 =	vsel vm0, $0xFFFFFFFF, v26;
	vm0 =	vle.f32 v43, v2  }
0x135: {  	v38 =	vimm.s32 $0x0;
	v6 =	vld [tilespmem:s21+$0x20];
	v9 =	vsel vm0, $0xFFFFFFFF, v58;
	vm0 =	vle.f32 v48, v3  }
0x136: {  	v23 =	vld [tilespmem:s25+$0x0];
	vm3 =	vge.f32 v41, v0;
	v10 =	vsel vm0, $0xFFFFFFFF, v60;
	vm0 =	vle.f32 v45, v2  }
0x137: {  	v50 =	vld [tilespmem:s21+$0x10];
	v12 =	vimm.s32 $0x0;
	[tilespmem:$0x1FE00] =	vst v10;
	v10 =	vsel vm0, $0xFFFFFFFF, v61;
	vm0 =	vle.f32 v49, v3  }
0x138: {  	v4 =	vadd.s32 v21, v4;
	v11 =	vsel vm0, $0xFFFFFFFF, v63;
	vm0 =	vle.f32 v47, v2  }
0x139: {  	v4 =	vadd.s32 v8, v4;
	v8 =	vld [tilespmem:s25+$0xFFFFFFF0];
	[tilespmem:$0x1FF60] =	vst v11;
	v11 =	vsel vm0, $0xFFFFFFFF, v12;
	vm0 =	vle.f32 v52, v3  }
0x13a: {  	v22 =	vld [tilespmem:s21+$0x0];
	v51 =	vimm.s32 $0x0;
	v12 =	vsel vm0, $0xFFFFFFFF, v27;
	vm0 =	vle.f32 v6, v2  }
0x13b: {  	vm10 =	vge.f32 v45, v0;
	v13 =	vsel vm0, $0xFFFFFFFF, v29;
	vm0 =	vle.f32 v23, v3  }
0x13c: {  	vm1 =	vge.f32 v7, v0;
	v7 =	vld [tilespmem:s25+$0xFFFFFFE0];
	v14 =	vsel vm0, $0xFFFFFFFF, v31;
	vm0 =	vle.f32 v50, v2  }
0x13d: {  	[tilespmem:$0x1FF80] =	vst v14;
	v14 =	vsel vm0, $0xFFFFFFFF, v32;
	vm0 =	vge.f32 v6, v0;
	v6 =	vimm.s32 $0x0  }
0x13e: {  	vm12 =	vge.f32 v46, v1;
	v6 =	vsel vm0, $0xFFFFFFFF, v6;
	vm0 =	vle.f32 v8, v3  }
0x13f: {  	vm9 =	vge.f32 v44, v1;
	v24 =	vld [tilespmem:s21+$0xFFFFFFF0];
	[tilespmem:$0x1FDD0] =	vst v14;
	v14 =	vsel vm0, $0xFFFFFFFF, v33;
	vm0 =	vle.f32 v22, v2  }
0x140: {  	vm8 =	vge.f32 v43, v0;
	[tilespmem:$0x1FF90] =	vst v14;
	v14 =	vsel vm0, $0xFFFFFFFF, v34;
	vm0 =	vge.f32 v49, v1  }
0x141: {  	vm7 =	vge.f32 v40, v1;
	[tilespmem:$0x1FDC0] =	vst v14;
	v14 =	vsel vm0, $0xFFFFFFFF, v35;
	vm0 =	vle.f32 v7, v3  }
0x142: {  	v62 =	vld [tilespmem:s25+$0xFFFFFFD0];
	vm15 =	vge.f32 v48, v1;
	v15 =	vsel vm0, $0xFFFFFFFF, v37;
	vm0 =	vge.f32 v50, v0  }
0x143: {  	v57 =	vld [tilespmem:s21+$0xFFFFFFE0];
	vm14 =	vge.f32 v47, v0;
	[tilespmem:$0x1FFA0] =	vst v15;
	v15 =	vsel vm0, $0xFFFFFFFF, v38;
	vm0 =	vge.f32 v52, v1  }
0x144: {  	v41 =	vimm.s32 $0x0;
	[tilespmem:$0x1FC30] =	vst v15;
	v15 =	vsel vm0, $0xFFFFFFFF, v39;
	vm0 =	vle.f32 v24, v2  }
0x145: {  	v28 =	vld [tilespmem:s25+$0xFFFFFFC0];
	v42 =	vimm.s32 $0x0;
	v16 =	vsel vm0, $0xFFFFFFFF, v41;
	vm0 =	vge.f32 v22, v0  }
0x146: {  	v59 =	vld [tilespmem:s21+$0xFFFFFFD0];
	v43 =	vimm.s32 $0x0;
	[tilespmem:$0x1FDB0] =	vst v16;
	v16 =	vsel vm0, $0xFFFFFFFF, v42;
	vm0 =	vge.f32 v23, v1  }
0x147: {  	v45 =	vimm.s32 $0x0;
	[tilespmem:$0x1FCB0] =	vst v16;
	v16 =	vsel vm0, $0xFFFFFFFF, v43;
	vm0 =	vle.f32 v62, v3  }
0x148: {  	v46 =	vimm.s32 $0x0;
	[tilespmem:$0x1FC50] =	vst v6;
	v6 =	vld [tilespmem:s25+$0xFFFFFFB0];
	v17 =	vsel vm0, $0xFFFFFFFF, v45;
	vm0 =	vle.f32 v57, v2  }
0x149: {  	v47 =	vimm.s32 $0x0;
	[tilespmem:$0x1FFB0] =	vst v17;
	v17 =	vsel vm0, $0xFFFFFFFF, v46;
	vm0 =	vge.f32 v24, v0  }
0x14a: {  	v49 =	vimm.s32 $0x0;
	[tilespmem:$0x1FE10] =	vst v17;
	v17 =	vsel vm0, $0xFFFFFFFF, v47;
	vm0 =	vle.f32 v28, v3  }
0x14b: {  	[tilespmem:$0x1FE20] =	vst v26;
	v26 =	vld [tilespmem:s21+$0xFFFFFFC0];
	v50 =	vimm.s32 $0x0;
	v18 =	vsel vm0, $0xFFFFFFFF, v49;
	vm0 =	vle.f32 v59, v2  }
0x14c: {  	[tilespmem:$0x1FFC0] =	vst v18;
	v18 =	vsel vm0, $0xFFFFFFFF, v50;
	vm0 =	vge.f32 v8, v1;
	v8 =	vimm.s32 $0x0  }
0x14d: {  	v53 =	vimm.s32 $0x0;
	v8 =	vsel vm0, $0xFFFFFFFF, v8;
	vm0 =	vle.f32 v6, v3  }
0x14e: {  	v40 =	vld [tilespmem:s25+$0xFFFFFFA0];
	v52 =	vimm.s32 $0x0;
	[tilespmem:$0x1FDF0] =	vst v18;
	v18 =	vsel vm0, $0xFFFFFFFF, v51;
	vm0 =	vge.f32 v57, v0  }
0x14f: {  	v30 =	vld [tilespmem:s21+$0xFFFFFFB0];
	[tilespmem:$0x1FFD0] =	vst v18;
	v18 =	vsel vm0, $0xFFFFFFFF, v52;
	vm0 =	vge.f32 v7, v1;
	v7 =	vimm.s32 $0x0  }
0x150: {  	v54 =	vimm.s32 $0x0;
	[tilespmem:$0x1FD40] =	vst v9;
	v7 =	vsel vm0, $0xFFFFFFFF, v7;
	vm0 =	vle.f32 v26, v2  }
0x151: {  	v44 =	vld [tilespmem:s25+$0xFFFFFF90];
	v55 =	vimm.s32 $0x0;
	[tilespmem:$0x1FC70] =	vst v18;
	v18 =	vsel vm0, $0xFFFFFFFF, v53;
	vm0 =	vge.f32 v59, v0  }
0x152: {  	v36 =	vld [tilespmem:s21+$0xFFFFFFA0];
	v56 =	vimm.s32 $0x0;
	[tilespmem:$0x1FCA0] =	vst v8;
	v9 =	vsel vm0, $0xFFFFFFFF, v54;
	vm0 =	vge.f32 v62, v1  }
0x153: {  	v58 =	vimm.s32 $0x0;
	[tilespmem:$0x1FD00] =	vst v9;
	v9 =	vsel vm0, $0xFFFFFFFF, v55;
	vm0 =	vle.f32 v40, v3  }
0x154: {  	v48 =	vld [tilespmem:s25+$0xFFFFFF80];
	v57 =	vimm.s32 $0x0;
	[tilespmem:$0x1FD10] =	vst v9;
	v9 =	vsel vm0, $0xFFFFFFFF, v56;
	vm0 =	vle.f32 v30, v2  }
0x155: {  	v60 =	vimm.s32 $0x0;
	[tilespmem:$0x1FFE0] =	vst v9;
	v9 =	vsel vm0, $0xFFFFFFFF, v57;
	vm0 =	vge.f32 v26, v0  }
0x156: {  	v8 =	vld [tilespmem:s21+$0xFFFFFF90];
	v59 =	vimm.s32 $0x0;
	[tilespmem:$0x1FFF0] =	vst v9;
	v9 =	vsel vm0, $0xFFFFFFFF, v58;
	vm0 =	vle.f32 v44, v3  }
0x157: {  	v61 =	vimm.s32 $0x0;
	[tilespmem:$0x1FCE0] =	vst v9;
	v9 =	vsel vm0, $0xFFFFFFFF, v59;
	vm0 =	vle.f32 v36, v2  }
0x158: {  	v63 =	vimm.s32 $0x0;
	[tilespmem:$0x1FE70] =	vst v9;
	v9 =	vsel vm0, $0xFFFFFFFF, v60;
	vm0 =	vge.f32 v28, v1  }
0x159: {  	v62 =	vimm.s32 $0x0;
	[tilespmem:$0x1FE80] =	vst v9;
	v9 =	vsel vm0, $0xFFFFFFFF, v61;
	vm0 =	vle.f32 v48, v3  }
0x15a: {  	vm11 =	vge.f32 v6, v1;
	[tilespmem:$0x1FCF0] =	vst v9;
	v9 =	vsel vm0, $0xFFFFFFFF, v62;
	vm0 =	vge.f32 v30, v0  }
0x15b: {  	v6 =	vimm.s32 $0x0;
	[tilespmem:$0x1FE30] =	vst v9;
	v9 =	vsel vm0, $0xFFFFFFFF, v63;
	vm0 =	vle.f32 v8, v2  }
0x15c: {  	[tilespmem:$0x1FC80] =	vst v7;
	v7 =	vld [tilespmem:s21+$0xFFFFFF80];
	v6 =	vsel vm0, $0xFFFFFFFF, v6  }
0x15d: {  	vm0 =	vge.f32 v36, v0;
	[tilespmem:$0x1FE40] =	vst v6;
	v6 =	vimm.s32 $0x0  }
0x15e: {  	v6 =	vsel vm0, $0xFFFFFFFF, v6  }
0x15f: {  	vm0 =	vge.f32 v40, v1;
	[tilespmem:$0x1FD20] =	vst v6;
	v6 =	vimm.s32 $0x0  }
0x160: {  	v6 =	vsel vm0, $0xFFFFFFFF, v6  }
0x161: {  	vm0 =	vle.f32 v7, v2;
	[tilespmem:$0x1FD30] =	vst v6;
	v6 =	vimm.s32 $0x0  }
0x162: {  	v6 =	vsel vm0, $0xFFFFFFFF, v6  }
0x163: {  	vm0 =	vmand vm1, vm7;
	vm1 =	vmand vm10, vm12;
	[tilespmem:$0x1FDE0] =	vst v6;
	v6 =	vimm.s32 $0x0  }
0x164: {  	v6 =	vsel vm1, $0xFFFFFFFF, v6  }
0x165: {  	[tilespmem:$0x1FDA0] =	vst v6;
	v6 =	vld [tilespmem:$0x1FC30];
	_ =	sdelay $0x3  }
0x166: {  	[tilespmem:$0x1FC40] =	vst v15  }
0x167: {  	vm6 =	vmand vm3, vm6;
	vm3 =	vnez.u8 v6;
	v6 =	vld [tilespmem:$0x1FC40];
	_ =	sdelay $0x4  }
0x168: {  	vm7 =	vnez.u8 v6;
	v6 =	vld [tilespmem:$0x1FC50];
	_ =	sdelay $0x3  }
0x169: {  	[tilespmem:$0x1FC60] =	vst v14  }
0x16a: {  	vm10 =	vmand vm3, vm7;
	vm3 =	vnez.u8 v6;
	v6 =	vld [tilespmem:$0x1FC60];
	_ =	sdelay $0x4  }
0x16b: {  	vm7 =	vnez.u8 v6;
	v6 =	vld [tilespmem:$0x1FC70];
	_ =	sdelay $0x4  }
0x16c: {  	vm1 =	vnez.u8 v6;
	v6 =	vld [tilespmem:$0x1FC80];
	_ =	sdelay $0x3  }
0x16d: {  	[tilespmem:$0x1FC90] =	vst v17  }
0x16e: {  	vm12 =	vmand vm3, vm7;
	vm3 =	vnez.u8 v6;
	v6 =	vld [tilespmem:$0x1FC90];
	_ =	sdelay $0x4  }
0x16f: {  	vm7 =	vmand vm14, vm15;
	vm14 =	vmand vm1, vm3;
	vm3 =	vnez.u8 v6;
	v6 =	vld [tilespmem:$0x1FCA0];
	_ =	sdelay $0x4  }
0x170: {  	vm8 =	vmand vm8, vm9;
	vm9 =	vnez.u8 v6;
	v6 =	vld [tilespmem:$0x1FCB0];
	_ =	sdelay $0x3  }
0x171: {  	[tilespmem:$0x1FCC0] =	vst v16  }
0x172: {  	vm9 =	vmand vm3, vm9;
	vm3 =	vnez.u8 v6;
	v6 =	vld [tilespmem:$0x1FCC0];
	_ =	sdelay $0x3  }
0x173: {  	[tilespmem:$0x1FCD0] =	vst v9  }
0x174: {  	vm15 =	vnez.u8 v6;
	v6 =	vld [tilespmem:$0x1FCD0];
	_ =	sdelay $0x4  }
0x175: {  	vm1 =	vnez.u8 v6  }
0x176: {  	v6 =	vimm.s32 $0x0;
	vm11 =	vmand vm1, vm11  }
0x177: {  	v6 =	vsel vm11, $0xFFFFFFFF, v6  }
0x178: {  	[tilespmem:$0x1FEA0] =	vst v6;
	v6 =	vld [tilespmem:$0x1FCE0];
	_ =	sdelay $0x4  }
0x179: {  	vm1 =	vnez.u8 v6;
	v6 =	vld [tilespmem:$0x1FCF0];
	_ =	sdelay $0x4  }
0x17a: {  	vm11 =	vnez.u8 v6;
	v6 =	vld [tilespmem:$0x1FD00];
	_ =	sdelay $0x4  }
0x17b: {  	vm3 =	vmand vm3, vm15;
	vm15 =	vnez.u8 v6;
	v6 =	vld [tilespmem:$0x1FD10];
	_ =	sdelay $0x4  }
0x17c: {  	vm11 =	vmand vm1, vm11;
	vm1 =	vnez.u8 v6;
	v6 =	vld [tilespmem:$0x1FD20];
	_ =	sdelay $0x4  }
0x17d: {  	vm15 =	vmand vm15, vm1;
	vm1 =	vnez.u8 v6;
	v6 =	vld [tilespmem:$0x1FD30];
	_ =	sdelay $0x3  }
0x17e: {  	vm5 =	vge.f32 v48, v1;
	vm2 =	vge.f32 v7, v0  }
0x17f: {  	vm5 =	vmand vm2, vm5;
	vm2 =	vnez.u8 v6;
	v6 =	vld [tilespmem:$0x1FD40];
	_ =	sdelay $0x3  }
0x180: {  	vm4 =	vge.f32 v44, v1;
	vm13 =	vge.f32 v8, v0  }
0x181: {  	vm13 =	vmand vm13, vm4;
	vm4 =	vmand vm1, vm2;
	vm2 =	vnez.u8 v6  }
0x182: {  	v6 =	vimm.s32 $0x0;
	vm2 =	vmand vm8, vm2  }
0x183: {  	v6 =	vsel vm2, $0xFFFFFFFF, v6  }
0x184: {  	[tilespmem:$0x1FEB0] =	vst v6;
	v6 =	vld [tilespmem:$0x1FD50];
	_ =	sdelay $0x4  }
0x185: {  	vm2 =	vnez.u8 v6  }
0x186: {  	v6 =	vimm.s32 $0x0;
	vm2 =	vmand vm6, vm2  }
0x187: {  	[tilespmem:$0x1FD60] =	vst v25;
	v6 =	vsel vm2, $0xFFFFFFFF, v6  }
0x188: {  	[tilespmem:$0x1FEC0] =	vst v6;
	v6 =	vld [tilespmem:$0x1FD60];
	_ =	sdelay $0x4  }
0x189: {  	vm2 =	vnez.u8 v6  }
0x18a: {  	v6 =	vimm.s32 $0x0;
	vm0 =	vmand vm0, vm2  }
0x18b: {  	[tilespmem:$0x1FD70] =	vst v13;
	v6 =	vsel vm0, $0xFFFFFFFF, v6  }
0x18c: {  	[tilespmem:$0x1FEE0] =	vst v6;
	v6 =	vld [tilespmem:$0x1FD70];
	_ =	sdelay $0x3  }
0x18d: {  	[tilespmem:$0x1FD80] =	vst v11  }
0x18e: {  	vm0 =	vnez.u8 v6;
	v6 =	vld [tilespmem:$0x1FD80];
	_ =	sdelay $0x3  }
0x18f: {  	[tilespmem:$0x1FD90] =	vst v10  }
0x190: {  	vm8 =	vmand vm12, vm0;
	vm0 =	vnez.u8 v6;
	v6 =	vld [tilespmem:$0x1FD90];
	_ =	sdelay $0x4  }
0x191: {  	vm7 =	vmand vm7, vm0;
	vm0 =	vnez.u8 v6;
	v6 =	vld [tilespmem:$0x1FDA0];
	_ =	sdelay $0x4  }
0x192: {  	vm1 =	vnez.u8 v6  }
0x193: {  	v6 =	vimm.s32 $0x0;
	vm0 =	vmand vm1, vm0  }
0x194: {  	v6 =	vsel vm0, $0xFFFFFFFF, v6  }
0x195: {  	[tilespmem:$0x1FF00] =	vst v6;
	v6 =	vld [tilespmem:$0x1FDB0];
	_ =	sdelay $0x4  }
0x196: {  	vm0 =	vnez.u8 v6;
	v6 =	vld [tilespmem:$0x1FDC0];
	_ =	sdelay $0x4  }
0x197: {  	vm2 =	vmand vm9, vm0;
	vm0 =	vnez.u8 v6;
	v6 =	vld [tilespmem:$0x1FDD0];
	_ =	sdelay $0x4  }
0x198: {  	vm12 =	vmand vm3, vm0;
	vm0 =	vnez.u8 v6;
	v6 =	vld [tilespmem:$0x1FDE0];
	_ =	sdelay $0x4  }
0x199: {  	vm9 =	vmand vm10, vm0;
	vm0 =	vnez.u8 v6;
	v6 =	vld [tilespmem:$0x1FDF0];
	_ =	sdelay $0x4  }
0x19a: {  	vm1 =	vnez.u8 v6;
	v6 =	vld [tilespmem:$0x1FE00];
	_ =	sdelay $0x4  }
0x19b: {  	vm10 =	vmand vm15, vm1;
	vm15 =	vnez.u8 v6;
	v6 =	vld [tilespmem:$0x1FE10];
	_ =	sdelay $0x4  }
0x19c: {  	vm1 =	vnez.u8 v6;
	v6 =	vld [tilespmem:$0x1FE20];
	_ =	sdelay $0x4  }
0x19d: {  	vm0 =	vmand vm5, vm0;
	vm5 =	vmand vm14, vm1;
	vm14 =	vnez.u8 v6;
	v6 =	vld [tilespmem:$0x1FE30];
	_ =	sdelay $0x4  }
0x19e: {  	vm1 =	vnez.u8 v6;
	v6 =	vld [tilespmem:$0x1FE40];
	_ =	sdelay $0x4  }
0x19f: {  	vm0 =	vmand vm1, vm0;
	vm1 =	vnez.u8 v6;
	v6 =	vld [tilespmem:$0x1FE50];
	_ =	sdelay $0x3  }
0x1a0: {  	[tilespmem:$0x1FE60] =	vst v18;
	v7 =	vld [tilespmem:$0x1FE70]  }
0x1a1: {  	vm1 =	vmand vm13, vm1;
	vm13 =	vnez.u8 v6;
	v6 =	vld [tilespmem:$0x1FE60];
	_ =	sdelay $0x4  }
0x1a2: {  	vm3 =	vnez.u8 v6;
	v6 =	vmpcnt.ones.xlane vm0;
	vm0 =	vnez.u8 v7;
	v7 =	vld [tilespmem:$0x1FE80];
	_ =	sdelay $0x2  }
0x1a3: {  	s6 =	sadd.s32 $0x1, s0  }
0x1a4: {  	s0 =	smov.u32 s3;
	v21 =	vmov s6;
	v5 =	vmov s3;
	s3 =	sadd.s32 $0x2, s3  }
0x1a5: {  	p3 =	slt.u32 s3, s12;
	vm0 =	vmand vm0, vm1;
	vm1 =	vnez.u8 v7;
	v7 =	vld [tilespmem:$0x1FE90]  }
.Ltmp6:
0x1a6: {  	_ = 	snop;
	(pc) =	sbr.rel @p3 .LBB2_11-.Ltmp6, $3  }
0x1a7: {  	_ =	sdelay $0x1  }
0x1a8: {  	[tilespmem:v21+s24+$0x0] =	vst.idx.msk $0x1, v4  }
0x1a9: {  	[tilespmem:$0x1FF70] =	vst v12;
	s21 =	sadd.s32 $0x100, s21;
	vm11 =	vmand vm11, vm3;
	vm1 =	vmand vm4, vm1;
	vm4 =	vnez.u8 v7  }
.LBB2_12:
0x1aa: {  	v7 =	vld [tilespmem:$0x1FEA0];
	_ =	sdelay $0x4  }
0x1ab: {  	vm3 =	vnez.u8 v7;
	v7 =	vld [tilespmem:$0x1FFF0]  }
0x1ac: {  	v8 =	vld [tilespmem:$0x1FFE0]  }
0x1ad: {  	v49 =	vld [tilespmem:$0x1FFD0]  }
0x1ae: {  	v4 =	vadd.s32 v4, v6;
	v6 =	vld [tilespmem:$0x1FFC0];
	_ =	sdelay $0x1  }
0x1af: {  	vm6 =	vnez.u8 v7  }
0x1b0: {  	vm3 =	vmand vm3, vm6;
	vm6 =	vnez.u8 v8  }
0x1b1: {  	v7 =	vmpcnt.ones.xlane vm0;
	vm0 =	vmand vm6, vm1;
	vm6 =	vnez.u8 v49  }
0x1b2: {  	vm1 =	vmand vm6, vm3;
	vm6 =	vnez.u8 v6;
	v6 =	vld [tilespmem:$0x1FFB0];
	_ =	sdelay $0x2  }
0x1b3: {  	v50 =	vmpcnt.ones.xlane vm0  }
0x1b4: {  	v4 =	vadd.s32 v7, v4;
	v9 =	vmpcnt.ones.xlane vm1;
	vm0 =	vmand vm6, vm11  }
0x1b5: {  	v4 =	vadd.s32 v50, v4;
	vm6 =	vnez.u8 v6;
	v6 =	vmpcnt.ones.xlane vm0  }
0x1b6: {  	v51 =	vld [tilespmem:$0x1FFA0];
	v4 =	vadd.s32 v9, v4  }
0x1b7: {  	v4 =	vadd.s32 v6, v4;
	v6 =	vld [tilespmem:$0x1FF80]  }
0x1b8: {  	v52 =	vld [tilespmem:$0x1FF90];
	_ =	sdelay $0x1  }
0x1b9: {  	v10 =	vld [tilespmem:$0x1FF00]  }
0x1ba: {  	v11 =	vld [tilespmem:$0x1FEE0];
	vm1 =	vmand vm6, vm10;
	vm10 =	vnez.u8 v51  }
0x1bb: {  	s0 =	sadd.s32 $0x1, s0;
	vm0 =	vmand vm10, vm5;
	vm5 =	vnez.u8 v6;
	v6 =	vld [tilespmem:$0x1FF70]  }
0x1bc: {  	v55 =	vld [tilespmem:$0x1FF60];
	v62 =	vmov s0;
	vm11 =	vnez.u8 v52;
	v7 =	vmpcnt.ones.xlane vm1  }
0x1bd: {  	v58 =	vld [tilespmem:$0x1FEB0];
	vm1 =	vmand vm11, vm2;
	vm10 =	vmand vm15, vm7;
	v53 =	vmpcnt.ones.xlane vm0  }
0x1be: {  	vm11 =	vnez.u8 v10;
	v54 =	vmpcnt.ones.xlane vm1;
	v4 =	vadd.s32 v7, v4  }
0x1bf: {  	v60 =	vld [tilespmem:$0x1FEC0];
	vm15 =	vnez.u8 v11;
	v57 =	vmpcnt.ones.xlane vm10;
	v4 =	vadd.s32 v53, v4  }
0x1c0: {  	v61 =	vld [tilespmem:$0x1FF50];
	v4 =	vadd.s32 v54, v4;
	vm0 =	vmand vm5, vm12;
	vm6 =	vnez.u8 v6  }
0x1c1: {  	v6 =	vmpcnt.ones.xlane vm0;
	vm1 =	vmand vm6, vm9;
	vm9 =	vnez.u8 v55  }
0x1c2: {  	vm12 =	vnez.u8 v58;
	v7 =	vmpcnt.ones.xlane vm1;
	vm0 =	vmand vm9, vm8  }
0x1c3: {  	v6 =	vadd.s32 v4, v6;
	vm1 =	vmand vm13, vm12;
	v56 =	vmpcnt.ones.xlane vm0  }
0x1c4: {  	vm13 =	vnez.u8 v60;
	vm0 =	vmand vm14, vm11;
	v6 =	vadd.s32 v7, v6  }
0x1c5: {  	vm14 =	vnez.u8 v61;
	v7 =	vmpcnt.ones.xlane vm0;
	v6 =	vadd.s32 v56, v6  }
0x1c6: {  	v59 =	vmpcnt.ones.xlane vm1;
	vm0 =	vmand vm14, vm13;
	v6 =	vadd.s32 v57, v6  }
0x1c7: {  	v63 =	vmpcnt.ones.xlane vm0;
	vm0 =	vmand vm4, vm15;
	v6 =	vadd.s32 v7, v6  }
0x1c8: {  	v7 =	vmpcnt.ones.xlane vm0;
	v6 =	vadd.s32 v59, v6  }
0x1c9: {  	v6 =	vadd.s32 v63, v6  }
0x1ca: {  	[tilespmem:v5+s24+$0x0] =	vst.idx.msk $0x1, v4;
	v4 =	vadd.s32 v7, v6  }
0x1cb: {  	[tilespmem:v62+s24+$0x0] =	vst.idx.msk $0x1, v4  }
.LBB2_6:
.Ltmp7:
0x1cc: {  	(pc) =	sbr.rel @p1 .LBB2_8-.Ltmp7, $2  }
0x1cd: {  	_ =	sdelay $0x2  }
0x1ce: {  	s0 =	smov.u32 s20;
	s3 =	smov.u32 s17;
	s21 =	smov.u32 s19  }
.LBB2_7:
0x1cf: {  	v5 =	vld [tilespmem:s3+$0xFFFFFFC0]  }
0x1d0: {  	v6 =	vld [tilespmem:s0+$0xFFFFFFC0]  }
0x1d1: {  	v7 =	vld [tilespmem:s3+$0xFFFFFFD0]  }
0x1d2: {  	v8 =	vld [tilespmem:s0+$0xFFFFFFD0]  }
0x1d3: {  	v9 =	vld [tilespmem:s3+$0xFFFFFFF0]  }
0x1d4: {  	v11 =	vld [tilespmem:s0+$0xFFFFFFF0];
	_ =	sdelay $0x1  }
0x1d5: {  	v60 =	vld [tilespmem:s3+$0x20];
	vm0 =	vge.f32 v5, v0;
	vm1 =	vge.f32 v6, v1;
	vm2 =	vle.f32 v5, v2  }
0x1d6: {  	v58 =	vld [tilespmem:s0+$0x0];
	vm7 =	vle.f32 v6, v3;
	vm8 =	vge.f32 v7, v0;
	vm9 =	vge.f32 v8, v1  }
0x1d7: {  	v5 =	vld [tilespmem:s3+$0xFFFFFFE0];
	vm10 =	vle.f32 v7, v2;
	vm11 =	vle.f32 v8, v3;
	vm15 =	vge.f32 v9, v0  }
0x1d8: {  	v6 =	vld [tilespmem:s0+$0xFFFFFFE0];
	vm4 =	vge.f32 v11, v1;
	vm5 =	vle.f32 v9, v2;
	vm0 =	vmand vm0, vm1  }
0x1d9: {  	v7 =	vld [tilespmem:s3+$0x0];
	vm6 =	vle.f32 v11, v3;
	vm1 =	vmand vm15, vm4;
	vm0 =	vmand vm0, vm2  }
0x1da: {  	vm15 =	vge.f32 v60, v0;
	vm1 =	vmand vm1, vm5;
	vm0 =	vmand vm7, vm0  }
0x1db: {  	vm1 =	vmand vm6, vm1;
	v10 =	vmpcnt.ones.xlane vm0;
	vm0 =	vmand vm8, vm9  }
0x1dc: {  	vm8 =	vge.f32 v58, v1;
	vm0 =	vmand vm0, vm10;
	vm12 =	vge.f32 v5, v0  }
0x1dd: {  	vm13 =	vle.f32 v5, v2;
	v5 =	vld [tilespmem:s3+$0x10];
	vm14 =	vge.f32 v6, v1;
	vm3 =	vle.f32 v6, v3  }
0x1de: {  	v6 =	vld [tilespmem:s0+$0x10];
	vm7 =	vge.f32 v7, v0;
	vm5 =	vle.f32 v7, v2;
	vm0 =	vmand vm11, vm0  }
0x1df: {  	v61 =	vld [tilespmem:s0+$0x20];
	v4 =	vadd.s32 v4, v10;
	vm2 =	vmand vm7, vm8;
	v59 =	vmpcnt.ones.xlane vm0  }
0x1e0: {  	v7 =	vld [tilespmem:s0+$0x30];
	vm0 =	vmand vm12, vm14;
	vm2 =	vmand vm2, vm5;
	vm12 =	vle.f32 v58, v3  }
0x1e1: {  	vm8 =	vle.f32 v60, v2;
	vm0 =	vmand vm0, vm13;
	vm14 =	vmand vm12, vm2  }
0x1e2: {  	vm0 =	vmand vm3, vm0;
	v4 =	vadd.s32 v59, v4;
	v63 =	vmpcnt.ones.xlane vm14  }
0x1e3: {  	vm9 =	vge.f32 v5, v0;
	vm10 =	vge.f32 v6, v1;
	vm11 =	vle.f32 v5, v2;
	v5 =	vld [tilespmem:s3+$0x30]  }
0x1e4: {  	v62 =	vmpcnt.ones.xlane vm0;
	vm13 =	vle.f32 v6, v3;
	v6 =	vmpcnt.ones.xlane vm1  }
0x1e5: {  	vm12 =	vge.f32 v7, v1;
	vm3 =	vmand vm9, vm10;
	vm9 =	vge.f32 v61, v1  }
0x1e6: {  	vm10 =	vle.f32 v61, v3;
	vm3 =	vmand vm3, vm11;
	vm2 =	vmand vm15, vm9  }
0x1e7: {  	v4 =	vadd.s32 v62, v4;
	vm15 =	vle.f32 v7, v3;
	vm0 =	vmand vm13, vm3  }
0x1e8: {  	vm2 =	vmand vm2, vm8;
	v4 =	vadd.s32 v6, v4;
	vm11 =	vge.f32 v5, v0  }
0x1e9: {  	s21 =	sadd.s32 $0x1, s21;
	vm1 =	vmand vm10, vm2;
	vm14 =	vle.f32 v5, v2;
	vm13 =	vmand vm11, vm12  }
0x1ea: {  	p3 =	slt.u32 s21, $0x8;
	v6 =	vmpcnt.ones.xlane vm0;
	v5 =	vmov s21;
	vm0 =	vmand vm13, vm14  }
.Ltmp8:
0x1eb: {  	v4 =	vadd.s32 v63, v4;
	v7 =	vmpcnt.ones.xlane vm1;
	vm0 =	vmand vm15, vm0;
	(pc) =	sbr.rel @p3 .LBB2_7-.Ltmp8, $4  }
0x1ec: {  	v4 =	vadd.s32 v6, v4;
	v6 =	vmpcnt.ones.xlane vm0  }
0x1ed: {  	v4 =	vadd.s32 v7, v4  }
0x1ee: {  	v4 =	vadd.s32 v6, v4  }
0x1ef: {  	s0 =	sadd.s32 $0x80, s0;
	s3 =	sadd.s32 $0x80, s3;
	[tilespmem:v5+s24+$0x0] =	vst.idx.msk $0x1, v4  }
.Ltmp9:
0x1f0: {  	_ = 	snop;
	(pc) =	sbr.rel .LBB2_8-.Ltmp9, $1  }
0x1f1: {  	_ =	sdelay $0x3  }
.LBB2_9:
0x1f2: {  	_ =	sfence.sel $0x180000  }
0x1f3: {  	[bflag:$0x0] =	sbarrier.arrive $0xFFFF  }
0x1f4: {  	_ =	strace $0x90000047  }
0x1f5: {  	s0 =	stileid.u32;
	[bflag:$0x2] =	sbarrier.arrive $0xFFFF  }
0x1f6: {  	p0 =	sne.s32 s0, $0x0;
	s0 =	rddreg [dreg:$0x2]  }
0x1f7: {  	s0 =	sadd.s32 @!p0 $0x100000, s0  }
0x1f8: {  	[sflag:s0] =	ssyncadd.tile.s32 @!p0 $0x1;
	_ =	shalt  }
.Lfunc_end2:
_tile_overlayer_lowered:
.L_overlay_start_2:
0x1f9: {  	(tag) =	ssettag $0x2  }
0x1fa: {  	s0 =	rddreg [dreg:$0x0];
	s2 =	stileid.u32  }
0x1fb: {  	s1 =	rddreg [dreg:$0x1];
	p0 =	sne.s32 s2, $0x0  }
0x1fc: {  	s3 =	rddreg [dreg:$0x2];
	[bflag:$0x3] =	sbarrier.arrive $0xFFFF;
	s2 =	simm.s32 @!p0 $0x1C01  }
0x1fd: {  	[timem:s3], [sflag:s2] =	dma.local @!p0 [hbm:s0], s1  }
0x1fe: {  	s0 =	simm.s32 @!p0 $0x1  }
0x1ff: {  	_ =	swait.ge @!p0 [sflag:s0], s1  }
0x200: {  	s1 =	ssub.s32 @!p0 $0x0, s1;
	[sflag:s0] =	ssyncset.done @!p0 $0x0  }
0x201: {  	[sflag:s0] =	ssyncadd.s32 @!p0 s1  }
0x202: {  	[bflag:$0x3] =	sbarrier.arrive $0xFFFF  }
0x203: {  	_ =	shalt  }

// kernel: kernel.7.cloned.1.call-start
scs
__scs_entry_jumppad:
0x0: {  	(pc) =	sbr.rel $0x88, $3  }
0x1: {  	(tag) =	ssettag $0x0;
	lr =	simm.s32 $0x1  }
0x2: {  	[smem:$0x3F9F] =	sst lr;
	_ =	strace $0xD0000000  }
0x3: {  	_ = 	snop  }
0x4: {  	_ = 	snop  }
0x5: {  	_ = 	snop  }
0x6: {  	_ = 	snop  }
0x7: {  	_ = 	snop  }
__scs_overlays_trampoline_lowered:
0x8: {  	[smem:$0x3FAE] =	sst s0  }
0x9: {  	[smem:$0x3FAF] =	sst s1  }
0xa: {  	[smem:$0x3FB0] =	sst s2  }
0xb: {  	[smem:$0x3FB1] =	sst s3  }
0xc: {  	[smem:$0x3FB2] =	sst s4  }
0xd: {  	[smem:$0x3FB3] =	sst s5  }
0xe: {  	[smem:$0x3FB4] =	sst s6  }
0xf: {  	[smem:$0x3FB5] =	sst s7  }
0x10: {  	[smem:$0x3FB6] =	sst s8  }
0x11: {  	[smem:$0x3FB7] =	sst s9;
	s0 =	simm.s32 @!p0 $0x0  }
0x12: {  	s1 =	sld [smem:$0x3F9D];
	s0 =	simm.s32 @p0 $0x1  }
0x13: {  	[smem:$0x3FB8] =	sst s0;
	s0 =	simm.s32 @!p1 $0x0  }
0x14: {  	s2 =	sld [smem:$0x3F9C];
	s0 =	simm.s32 @p1 $0x1  }
0x15: {  	[smem:$0x3FB9] =	sst s0;
	s0 =	simm.s32 @!p2 $0x0  }
0x16: {  	s3 =	sld [smem:$0x3FDB];
	s0 =	simm.s32 @p2 $0x1  }
0x17: {  	s4 =	simm.s32 $0x1BF5;
	[smem:$0x3FBB] =	sst s0  }
0x18: {  	s0 =	sld [smem:$0x3F9E];
	_ =	swait.ge [sflag:s4], $0x0  }
0x19: {  	s7 =	sld [smem:$0x3F9F]  }
0x1a: {  	s8 =	sadd.s32 $0xFFFFE003, lr  }
0x1b: {  	s9 =	sadd.s32 $0xFFFFFEF7, lr;
	s5 =	simm.s32 $0xFFFFFFFF;
	p2 =	slt.u32 s8, $0xFFFFF086  }
0x1c: {  	p1 =	slt.u32 s9, $0xF7A;
	s5 =	simm.s32 @!p2 $0x0  }
0x1d: {  	s5 =	simm.s32 @p1 $0x1;
	p0 =	seq.s32 s7, s2  }
0x1e: {  	s7 =	smul.u32 @!p0 $0xF7A, s2;
	p2 =	seq.s32 @!p0 s5, $0x0  }
0x1f: {  	s9 =	smul.u32 $0xF7A, s1;
	s8 =	simm.s32 @!p0 $0x1BF5;
	p2 =	por !p2, p0  }
0x20: {  	[sflag:s8] =	ssyncset.s32 @!p0 $0xFFFFF086;
	s6 =	sadd.s32 @!p0 s3, s7;
	s7 =	simm.s32 @!p0 $0x108  }
0x21: {  	s3 =	sadd.s32 s3, s9;
	s6 =	sadd.s32 @!p0 $0x88, s6;
	s7 =	simm.s32 @p2 $0x1082  }
0x22: {  	[simem:s7], [sflag:s8] =	dma.local @!p0 [hbm:s6], $0xF7A  }
0x23: {  	s9 =	sor.u32 $0xD0000000, s2;
	s6 =	simm.s32 $0x108;
	_ =	swait.ge @!p0 [sflag:s8], $0x0  }
0x24: {  	s3 =	sadd.s32 $0x88, s3;
	s6 =	simm.s32 @!p1 $0x1082;
	[sflag:s4] =	ssyncset.s32 $0xFFFFF086  }
0x25: {  	[simem:s6], [sflag:s4] =	dma.local [hbm:s3], $0xF7A  }
0x26: {  	[smem:$0x3F9F] =	sst s1;
	(tag) =	ssettag s2;
	_ =	strace s9  }
0x27: {  	s1 =	sld [smem:$0x3FAF]  }
0x28: {  	s2 =	sld [smem:$0x3FB0]  }
0x29: {  	s4 =	sld [smem:$0x3FB2]  }
0x2a: {  	p0 =	seq.s32 s5, $0x0;
	s5 =	sld [smem:$0x3FB3]  }
0x2b: {  	s6 =	sld [smem:$0x3FB4]  }
0x2c: {  	s7 =	sld [smem:$0x3FB5]  }
0x2d: {  	s3 =	simm.s32 $0x108;
	s8 =	sld [smem:$0x3FB6]  }
0x2e: {  	s3 =	simm.s32 @!p0 $0x1082;
	s9 =	sld [smem:$0x3FB7]  }
0x2f: {  	lr =	sadd.s32 s0, s3;
	s0 =	sld [smem:$0x3FAE]  }
0x30: {  	s3 =	sld [smem:$0x3FB1]  }
0x31: {  	[smem:$0x3FBA] =	sst s10  }
0x32: {  	s10 =	sld [smem:$0x3FB8];
	_ =	sdelay $0x3  }
0x33: {  	p0 =	seq.s32 s10, $0x1;
	s10 =	sld [smem:$0x3FBA];
	_ =	sdelay $0x3  }
0x34: {  	[smem:$0x3FBA] =	sst s10  }
0x35: {  	s10 =	sld [smem:$0x3FB9];
	_ =	sdelay $0x3  }
0x36: {  	p1 =	seq.s32 s10, $0x1;
	s10 =	sld [smem:$0x3FBA];
	_ =	sdelay $0x3  }
0x37: {  	[smem:$0x3FBA] =	sst s10  }
0x38: {  	s10 =	sld [smem:$0x3FBB]  }
0x39: {  	_ = 	snop;
	(pc) =	sbr.ind lr, $3  }
0x3a: {  	_ = 	snop  }
0x3b: {  	_ = 	snop  }
0x3c: {  	p2 =	seq.s32 s10, $0x1;
	s10 =	sld [smem:$0x3FBA]  }
0x3d: {  	_ =	shalt  }
0x3e: {  	_ =	shalt  }
0x3f: {  	_ =	shalt  }
0x40: {  	_ =	shalt  }
0x41: {  	_ =	shalt  }
0x42: {  	_ =	shalt  }
0x43: {  	_ =	shalt  }
0x44: {  	_ =	shalt  }
0x45: {  	_ =	shalt  }
0x46: {  	_ =	shalt  }
0x47: {  	_ =	shalt  }
0x48: {  	_ =	shalt  }
0x49: {  	_ =	shalt  }
0x4a: {  	_ =	shalt  }
0x4b: {  	_ =	shalt  }
0x4c: {  	_ =	shalt  }
0x4d: {  	_ =	shalt  }
0x4e: {  	_ =	shalt  }
0x4f: {  	_ =	shalt  }
0x50: {  	_ =	shalt  }
0x51: {  	_ =	shalt  }
0x52: {  	_ =	shalt  }
0x53: {  	_ =	shalt  }
0x54: {  	_ =	shalt  }
0x55: {  	_ =	shalt  }
0x56: {  	_ =	shalt  }
0x57: {  	_ =	shalt  }
0x58: {  	_ =	shalt  }
0x59: {  	_ =	shalt  }
0x5a: {  	_ =	shalt  }
0x5b: {  	_ =	shalt  }
0x5c: {  	_ =	shalt  }
0x5d: {  	_ =	shalt  }
0x5e: {  	_ =	shalt  }
0x5f: {  	_ =	shalt  }
0x60: {  	_ =	shalt  }
0x61: {  	_ =	shalt  }
0x62: {  	_ =	shalt  }
0x63: {  	_ =	shalt  }
0x64: {  	_ =	shalt  }
0x65: {  	_ =	shalt  }
0x66: {  	_ =	shalt  }
0x67: {  	_ =	shalt  }
0x68: {  	_ =	shalt  }
0x69: {  	_ =	shalt  }
0x6a: {  	_ =	shalt  }
0x6b: {  	_ =	shalt  }
0x6c: {  	_ =	shalt  }
0x6d: {  	_ =	shalt  }
0x6e: {  	_ =	shalt  }
0x6f: {  	_ =	shalt  }
0x70: {  	_ =	shalt  }
0x71: {  	_ =	shalt  }
0x72: {  	_ =	shalt  }
0x73: {  	_ =	shalt  }
0x74: {  	_ =	shalt  }
0x75: {  	_ =	shalt  }
0x76: {  	_ =	shalt  }
0x77: {  	_ =	shalt  }
0x78: {  	_ =	shalt  }
0x79: {  	_ =	shalt  }
0x7a: {  	_ =	shalt  }
0x7b: {  	_ =	shalt  }
0x7c: {  	_ =	shalt  }
0x7d: {  	_ =	shalt  }
0x7e: {  	_ =	shalt  }
0x7f: {  	_ =	shalt  }
0x80: {  	_ =	shalt  }
0x81: {  	_ =	shalt  }
0x82: {  	_ =	shalt  }
0x83: {  	_ =	shalt  }
0x84: {  	_ =	shalt  }
0x85: {  	_ =	shalt  }
0x86: {  	_ =	shalt  }
0x87: {  	_ =	shalt  }
.Lfunc_end0:
.L_simem_size_0:
called_computation.1_lowered:
.L_overlay_start_0:
0x88: {  	s2 =	sld [smem:$0x3FD9]  }
0x89: {  	s3 =	sld [smem:$0x3FFE];
	_ =	sdelay $0x1  }
0x8a: {  	s1 =	srdreg.scid  }
0x8b: {  	s0 =	sand.u32 $0x1, s1  }
0x8c: {  	s16 =	sshll.u32 s0, $0xA;
	s2 =	sadd.s32 s3, s2  }
0x8d: {  	s2 =	sadd.s32 s2, s16  }
0x8e: {  	[smem:$0x3FC6] =	sst s2  }
0x8f: {  	_ = 	snop  }
0x90: {  	(tm) =	ssettm $0x1  }
0x91: {  	s17 =	sld [smem:$0x3FFB];
	_ =	sdelay $0x3  }
0x92: {  	_ =	strace s17  }
0x93: {  	s2 =	sld [smem:$0x3FFC];
	_ =	sdelay $0x3  }
0x94: {  	_ =	strace s2  }
0x95: {  	s2 =	sld [smem:$0x3FFD];
	_ =	sdelay $0x3  }
0x96: {  	_ =	strace s2  }
0x97: {  	_ =	strace $0x8FFFFFFF  }
0x98: {  	s18 =	sld [smem:$0x3FDB];
	_ =	sdelay $0x1  }
0x99: {  	s19 =	simm.s32 $_scs_section_size  }
0x9a: {  	s4 =	simm.s32 $_size__tile_overlayer_lowered;
	s5 =	simm.s32 $_tile_overlayer_lowered  }
0x9b: {  	s22 =	simm.s32 $0x1BFF;
	s21 =	sshll.u32 s5, $0x1;
	s2 =	sadd.s32 s19, s18  }
0x9c: {  	s6 =	simm.s32 $0x0;
	s20 =	sshll.u32 s4, $0x1;
	s4 =	sadd.s32 s21, s2  }
0x9d: {  	[timem:s6], [sflag:s22] =	dma.local [hbm:s4], s20  }
0x9e: {  	_ =	swait.ge [sflag:s22], s20  }
0x9f: {  	s3 =	ssub.s32 $0x0, s20;
	[sflag:s22] =	ssyncset.done $0x0  }
0xa0: {  	[sflag:s22] =	ssyncadd.s32 s3;
	_ =	sdelay $0x1  }
0xa1: {  	s23 =	simm.s32 $0x1B8B  }
0xa2: {  	_ =	swait.ge [sflag:s23], $0x1  }
0xa3: {  	[sflag:s23] =	ssyncset.done $0x0  }
0xa4: {  	s25 =	simm.s32 $0x1B8E;
	s24 =	sld [smem:$0x3FFE];
	[sflag:s23] =	ssyncadd.s32 $0xFFFFFFFF  }
0xa5: {  	s26 =	simm.s32 $execute0_lowered;
	[smem:$0x3FD2] =	sst s25  }
0xa6: {  	s4 =	sshll.u32 s26, $0x1;
	_ =	strace $0x80000049;
	[dreg:$0x1] =	wrdreg $0xFFFFFFFF  }
0xa7: {  	s28 =	simm.s32 $_size_execute0_lowered;
	s2 =	sadd.s32 s2, s4;
	[dreg:$0x0] =	wrdreg $0x0  }
0xa8: {  	s4 =	sshll.u32 s28, $0x1;
	[dreg:$0x2] =	wrdreg s2  }
0xa9: {  	[dreg:$0x3] =	wrdreg s4  }
0xaa: {  	[dreg:$0x4] =	wrdreg $0xC0  }
0xab: {  	_ =	task [dreg:s6], $0x5FFFF  }
0xac: {  	[dreg:$0x1] =	wrdreg $0xFFFFFFFF  }
0xad: {  	[dreg:$0x0] =	wrdreg $0x60  }
0xae: {  	[dreg:$0x2] =	wrdreg s24  }
0xaf: {  	[dreg:$0x3] =	wrdreg $0x9  }
0xb0: {  	_ =	task.clear_ibuf [dreg:s6], $0x4FFFF;
	_ =	strace $0x90000049  }
0xb1: {  	s29 =	simm.s32 $0x9;
	_ =	strace $0x8000004B  }
0xb2: {  	_ =	swait.ge [sflag:s29], $0x1  }
0xb3: {  	[sflag:s29] =	ssyncadd.s32 $0xFFFFFFFF  }
0xb4: {  	_ =	strace $0x9000004B  }
0xb5: {  	_ =	sfence  }
0xb6: {  	s30 =	sld [smem:$0x0];
	_ =	sdelay $0x2  }
0xb7: {  	s31 =	sshll.u32 s1, $0xD;
	s1 =	sshrl.u32 s1, $0x2  }
0xb8: {  	s3 =	sand.u32 $0x4000, s31;
	s1 =	sadd.s32 s1, s30  }
0xb9: {  	s0 =	sor.u32 s3, s0;
	s1 =	sshll.u32 s1, $0x11  }
0xba: {  	s0 =	sor.u32 s1, s0  }
0xbb: {  	s0 =	sadd.s32 $0x8F2B, s0  }
0xbc: {  	[sflag:s0] =	ssyncadd.remote.s32 $0x1  }
0xbd: {  	_ =	sfence.sel $0xFFFF  }
0xbe: {  	[dreg:$0x0] =	wrdreg $0xFFFFFFFF;
	(pc) =	sbr.abs _section_cstart, $3  }
0xbf: {  	[dreg:$0x1] =	wrdreg $0xFFFFFFFF  }
0xc0: {  	_ =	task.clear_ibuf [dreg:s6], $0x2FFFF;
	_ =	strace $0x9FFFFFFF  }
0xc1: {  	(tm) =	ssettm $0x7FFFFFFF  }
tec
execute0_lowered:
.L_overlay_start_1:
0x0: {  	(tag) =	ssettag $0x1  }
0x1: {  	s0 =	srdreg.scid;
	s6 =	rddreg [dreg:$0x0]  }
0x2: {  	s2 =	simm.s32 $0x0;
	s12 =	simm.s32 $0x1;
	s5 =	sand.u32 $0x1, s0  }
0x3: {  	s13 =	simm.s32 $0x1080;
	s0 =	stileid.u32;
	s1 =	sshll.u32 s5, $0x4  }
0x4: {  	s14 =	simm.s32 $0x1D00;
	s15 =	simm.s32 $0x1680;
	s1 =	sor.u32 s0, s1  }
0x5: {  	s16 =	simm.s32 $0x17C0;
	s17 =	simm.s32 $0x1900;
	s3 =	smul.u32 $0x140, s1  }
0x6: {  	s18 =	simm.s32 $0x1A40;
	s19 =	simm.s32 $0x1B80;
	s20 =	simm.s32 $0x0  }
0x7: {  	[smem:$0x7FF] =	sst s2;
	s31 =	ssub.s32 $0x2, s5;
	s4 =	smin.u32 s3, $0x25D0  }
0x8: {  	s1 =	rddreg [dreg:$0x1];
	_ =	strace $0x8000004A;
	s7 =	sshrl.u32 s4, $0x3  }
0x9: {  	v0 =	vlaneseq.u32;
	s3 =	sadd.s32 $0x7A800, s6;
	s4 =	sadd.s32 $0x1ABE00, s6;
	s10 =	sadd.s32 s7, s6  }
0xa: {  	v0 =	vmul.u32 $0x80, v0;
	s8 =	sshrl.u32 s31, $0x1;
	s5 =	sadd.s32 $0x1AC200, s10;
	s6 =	sadd.s32 $0x1AC800, s10  }
0xb: {  	s11 =	ssub.s32 s31, s8;
	s7 =	sadd.s32 $0x1ACCE2, s10;
	s8 =	sadd.s32 $0x1AD1C4, s10  }
0xc: {  	v1 =	vor.u32 $0x800, v0;
	s11 =	smax.u32 s11, $0x1;
	s9 =	sadd.s32 $0x1AD6A6, s10;
	s10 =	sadd.s32 $0x1ADB88, s10  }
.LBB2_1:
0xd: {  	[tilespmem:s2], [sflag:$0x1] =	stream.linear.gather [hbm4b:s3+s2], $0x1000, $0x38;
	[tilespmem:$0x2100] =	vst v63  }
0xe: {  	_ =	swait.ge [sflag:s12], $0x1000  }
0xf: {  	[sflag:s12] =	ssyncset.done $0x0  }
0x10: {  	[sflag:s12] =	ssyncadd.s32 $0xFFFFF000  }
0x11: {  	[tilespmem:s13], [sflag:$0x1] =	stream.linear.gather [hbm4b:s5+s2], $0x140, $0x38;
	[tilespmem:$0x2100] =	vst v63  }
0x12: {  	_ =	swait.ge [sflag:s12], $0x140  }
0x13: {  	[sflag:s12] =	ssyncset.done $0x0  }
0x14: {  	[sflag:s12] =	ssyncadd.s32 $0xFFFFFEC0  }
0x15: {  	[tilespmem:s14], [sflag:$0x1] =	stream.linear.gather [hbm4b:s4+s2], $0x300, $0x38;
	[tilespmem:$0x2100] =	vst v63  }
0x16: {  	_ =	swait.ge [sflag:s12], $0x300  }
0x17: {  	[sflag:s12] =	ssyncset.done $0x0  }
0x18: {  	[sflag:s12] =	ssyncadd.s32 $0xFFFFFD00  }
0x19: {  	v2 =	vld.idx.msk [tilespmem:v0+s2+$0x0], $0xffff;
	_ =	sdelay $0x2  }
0x1a: {  	v3 =	vld.idx.msk [tilespmem:v1+s2+$0x0], $0xffff;
	_ =	sdelay $0x1  }
0x1b: {  	(xrf0) =	vadd.scan.msk.s32 $0xffff, v2;
	_ =	sdelay $0x2  }
0x1c: {  	(xrf0) =	vadd.scan.msk.s32 $0xffff, v3;
	_ =	sdelay $0x2  }
0x1d: {  	v4, _, _ =	vpop (xrf0)  }
0x1e: {  	v5 =	vbroadcast v4, $0xF;
	_ =	sdelay $0x1  }
0x1f: {  	v6, _, _ =	vpop (xrf0);
	v2 =	vsub.s32 v4, v2;
	v3 =	vsub.s32 v5, v3  }
0x20: {  	[tilespmem:$0x1000] =	vst v2;
	v2 =	vadd.s32 v6, v3  }
0x21: {  	s21 =	simm.s32 $0x0;
	[tilespmem:$0x1010] =	vst v2  }
0x22: {  	v2 =	vld [tilespmem:s21+$0x1080]  }
0x23: {  	s22 =	simm.s32 $0x40  }
.LBB2_2:
0x24: {  	p0 =	sne.s32 s22, $0x4C0  }
.Ltmp0:
0x25: {  	_ = 	snop;
	(pc) =	sbr.rel @p0 .LBB2_2-.Ltmp0, $4  }
0x26: {  	_ = 	snop  }
0x27: {  	s23 =	sshra.s32 s22, $0x2;
	s22 =	sadd.s32 $0x40, s22;
	v3 =	vshra.s32 v2, $0x7;
	v4 =	vand.u32 $0x7F, v2  }
0x28: {  	v2 =	vld [tilespmem:s23+$0x1080];
	[tilespmem:s21+$0x1380] =	vst v4  }
0x29: {  	[tilespmem:s21+$0x1200] =	vst v3;
	s21 =	smov.u32 s23  }
0x2a: {  	_ =	sdelay $0x2  }
0x2b: {  	v3 =	vand.u32 $0x7F, v2  }
0x2c: {  	v2 =	vshra.s32 v2, $0x7;
	[tilespmem:s21+$0x1380] =	vst v3  }
0x2d: {  	[tilespmem:s21+$0x1200] =	vst v2  }
0x2e: {  	v2 =	vld [tilespmem:$0x1200]  }
0x2f: {  	v3 =	vld [tilespmem:$0x1210]  }
0x30: {  	v4 =	vld [tilespmem:$0x1220]  }
0x31: {  	v5 =	vld [tilespmem:$0x1230]  }
0x32: {  	v6 =	vld [tilespmem:$0x1240]  }
0x33: {  	v7 =	vld [tilespmem:$0x1250]  }
0x34: {  	v8 =	vld [tilespmem:$0x1260]  }
0x35: {  	v9 =	vld [tilespmem:$0x1270]  }
0x36: {  	v10 =	vld [tilespmem:$0x1280]  }
0x37: {  	v11 =	vld [tilespmem:$0x1290]  }
0x38: {  	v12 =	vld [tilespmem:$0x12A0];
	v2 =	vshll.u32 v2, $0x7  }
0x39: {  	v13 =	vld [tilespmem:$0x12B0];
	[tilespmem:$0x1500] =	vst v2;
	v2 =	vshll.u32 v3, $0x7  }
0x3a: {  	v14 =	vld [tilespmem:$0x12C0];
	[tilespmem:$0x1510] =	vst v2;
	v2 =	vshll.u32 v4, $0x7  }
0x3b: {  	v20 =	vld [tilespmem:$0x12E0];
	[tilespmem:$0x1520] =	vst v2;
	v2 =	vshll.u32 v5, $0x7  }
0x3c: {  	v21 =	vld [tilespmem:$0x12F0];
	[tilespmem:$0x1530] =	vst v2;
	v2 =	vshll.u32 v6, $0x7  }
0x3d: {  	v22 =	vld [tilespmem:$0x1F00];
	[tilespmem:$0x1540] =	vst v2;
	v2 =	vshll.u32 v7, $0x7  }
0x3e: {  	v23 =	vld [tilespmem:$0x1300];
	[tilespmem:$0x1550] =	vst v2;
	v2 =	vshll.u32 v8, $0x7  }
0x3f: {  	v24 =	vld [tilespmem:$0x1310];
	[tilespmem:$0x1560] =	vst v2;
	v2 =	vshll.u32 v9, $0x7  }
0x40: {  	v3 =	vld [tilespmem:$0x12D0];
	[tilespmem:$0x1570] =	vst v2;
	v2 =	vshll.u32 v10, $0x7  }
0x41: {  	v25 =	vld [tilespmem:$0x1320];
	[tilespmem:$0x1580] =	vst v2;
	v2 =	vshll.u32 v11, $0x7  }
0x42: {  	v26 =	vld [tilespmem:$0x1330];
	(erf) = vrcp.f32 v22;
	[tilespmem:$0x1590] =	vst v2;
	v2 =	vshll.u32 v12, $0x7  }
0x43: {  	v27 =	vld [tilespmem:$0x1D00];
	[tilespmem:$0x15A0] =	vst v2;
	v2 =	vshll.u32 v13, $0x7  }
0x44: {  	v28 =	vld [tilespmem:$0x1680];
	[tilespmem:$0x15B0] =	vst v2;
	v2 =	vshll.u32 v14, $0x7  }
0x45: {  	v29 =	vld [tilespmem:$0x1690];
	[tilespmem:$0x15C0] =	vst v2;
	v2 =	vshll.u32 v3, $0x7  }
0x46: {  	v30 =	vld [tilespmem:$0x16A0];
	[tilespmem:$0x15D0] =	vst v2;
	v2 =	vshll.u32 v20, $0x7  }
0x47: {  	v3 =	vld [tilespmem:$0x16B0];
	[tilespmem:$0x15E0] =	vst v2;
	v2 =	vshll.u32 v21, $0x7  }
0x48: {  	v31 =	vld [tilespmem:$0x16C0];
	[tilespmem:$0x15F0] =	vst v2;
	v2 =	vshll.u32 v23, $0x7  }
0x49: {  	v32 =	vld [tilespmem:$0x16D0];
	[tilespmem:$0x1600] =	vst v2;
	v2 =	vshll.u32 v24, $0x7  }
0x4a: {  	v33 =	vld [tilespmem:$0x16E0];
	v12 =	vsub.f32 v29, v27;
	[tilespmem:$0x1610] =	vst v2;
	v2 =	vshll.u32 v25, $0x7  }
0x4b: {  	v34 =	vld [tilespmem:$0x16F0];
	v35 =	vpop (erf);
	[tilespmem:$0x1620] =	vst v2;
	v2 =	vshll.u32 v26, $0x7  }
0x4c: {  	v36 =	vld [tilespmem:$0x1700];
	v3 =	vsub.f32 v3, v27;
	[tilespmem:$0x1630] =	vst v2;
	v2 =	vmul.f32 v12, v35  }
0x4d: {  	v38 =	vld [tilespmem:$0x1710];
	v6 =	vsub.f32 v28, v27  }
0x4e: {  	v39 =	vld [tilespmem:$0x1720];
	[tilespmem:$0x1690] =	vst v2;
	v2 =	vmul.f32 v3, v35;
	v3 =	vsub.f32 v32, v27  }
0x4f: {  	v41 =	vld [tilespmem:$0x1730];
	v37 =	vsub.f32 v30, v27;
	v6 =	vmul.f32 v6, v35  }
0x50: {  	v42 =	vld [tilespmem:$0x1740];
	[tilespmem:$0x16B0] =	vst v2;
	v2 =	vmul.f32 v3, v35;
	v3 =	vsub.f32 v34, v27  }
0x51: {  	v44 =	vld [tilespmem:$0x1750];
	v4 =	vsub.f32 v31, v27;
	v40 =	vmul.f32 v37, v35;
	[tilespmem:$0x1680] =	vst v6  }
0x52: {  	v45 =	vld [tilespmem:$0x1F80];
	[tilespmem:$0x16D0] =	vst v2;
	v2 =	vmul.f32 v3, v35;
	v3 =	vsub.f32 v38, v27  }
0x53: {  	v49 =	vld [tilespmem:$0x1770];
	v43 =	vsub.f32 v33, v27;
	v4 =	vmul.f32 v4, v35;
	[tilespmem:$0x16A0] =	vst v40  }
0x54: {  	v48 =	vld [tilespmem:$0x1760];
	[tilespmem:$0x16F0] =	vst v2;
	v2 =	vmul.f32 v3, v35;
	v3 =	vsub.f32 v41, v27  }
0x55: {  	v53 =	vld [tilespmem:$0x1790];
	v47 =	vsub.f32 v36, v27;
	v46 =	vmul.f32 v43, v35;
	[tilespmem:$0x16C0] =	vst v4  }
0x56: {  	v52 =	vld [tilespmem:$0x1780];
	[tilespmem:$0x1710] =	vst v2;
	v2 =	vmul.f32 v3, v35;
	v3 =	vsub.f32 v44, v27  }
0x57: {  	v56 =	vld [tilespmem:$0x17B0];
	v51 =	vsub.f32 v39, v27;
	(erf) = vrcp.f32 v45;
	v50 =	vmul.f32 v47, v35;
	[tilespmem:$0x16E0] =	vst v46  }
0x58: {  	v55 =	vld [tilespmem:$0x17A0];
	[tilespmem:$0x1730] =	vst v2;
	v2 =	vmul.f32 v3, v35;
	v3 =	vsub.f32 v49, v27  }
0x59: {  	v59 =	vld [tilespmem:$0x17C0];
	v5 =	vsub.f32 v42, v27;
	v54 =	vmul.f32 v51, v35;
	[tilespmem:$0x1700] =	vst v50  }
0x5a: {  	v58 =	vsub.f32 v48, v27;
	v8 =	vld [tilespmem:$0x1D80];
	[tilespmem:$0x1750] =	vst v2;
	v2 =	vmul.f32 v3, v35;
	v3 =	vsub.f32 v53, v27  }
0x5b: {  	v62 =	vld [tilespmem:$0x17D0];
	v61 =	vsub.f32 v52, v27;
	v57 =	vmul.f32 v5, v35;
	[tilespmem:$0x1720] =	vst v54  }
0x5c: {  	v63 =	vld [tilespmem:$0x17E0];
	v60 =	vmul.f32 v58, v35;
	[tilespmem:$0x1770] =	vst v2;
	v2 =	vmul.f32 v3, v35;
	v3 =	vsub.f32 v56, v27  }
0x5d: {  	v18 =	vld [tilespmem:$0x17F0];
	v17 =	vsub.f32 v55, v27;
	v16 =	vmul.f32 v61, v35;
	[tilespmem:$0x1740] =	vst v57  }
0x5e: {  	v19 =	vld [tilespmem:$0x1800];
	[tilespmem:$0x1760] =	vst v60  }
0x5f: {  	v22 =	vld [tilespmem:$0x1810];
	[tilespmem:$0x1780] =	vst v16;
	v20 =	vmul.f32 v17, v35;
	v21 =	vsub.f32 v59, v8  }
0x60: {  	v23 =	vsub.f32 v62, v8;
	v24 =	vld [tilespmem:$0x1820];
	[tilespmem:$0x1790] =	vst v2;
	v2 =	vmul.f32 v3, v35;
	v3 =	vpop (erf)  }
0x61: {  	[tilespmem:$0x17A0] =	vst v20;
	v26 =	vsub.f32 v63, v8;
	v27 =	vld [tilespmem:$0x1830];
	v25 =	vmul.f32 v21, v3  }
0x62: {  	v28 =	vld [tilespmem:$0x1840];
	v6 =	vsub.f32 v18, v8;
	[tilespmem:$0x17B0] =	vst v2;
	v2 =	vmul.f32 v23, v3  }
0x63: {  	v31 =	vld [tilespmem:$0x1850];
	v30 =	vsub.f32 v19, v8;
	v29 =	vmul.f32 v26, v3;
	[tilespmem:$0x17C0] =	vst v25  }
0x64: {  	v33 =	vld [tilespmem:$0x1860];
	v32 =	vsub.f32 v22, v8;
	[tilespmem:$0x17D0] =	vst v2;
	v2 =	vmul.f32 v6, v3  }
0x65: {  	v36 =	vld [tilespmem:$0x1870];
	v35 =	vsub.f32 v24, v8;
	v34 =	vmul.f32 v30, v3;
	[tilespmem:$0x17E0] =	vst v29  }
0x66: {  	v38 =	vld [tilespmem:$0x1880];
	v37 =	vsub.f32 v27, v8;
	[tilespmem:$0x17F0] =	vst v2;
	v2 =	vmul.f32 v32, v3  }
0x67: {  	v40 =	vsub.f32 v28, v8;
	v41 =	vld [tilespmem:$0x1890];
	v39 =	vmul.f32 v35, v3;
	[tilespmem:$0x1800] =	vst v34  }
0x68: {  	v43 =	vld [tilespmem:$0x18A0];
	v42 =	vsub.f32 v31, v8;
	[tilespmem:$0x1810] =	vst v2;
	v2 =	vmul.f32 v37, v3  }
0x69: {  	v45 =	vsub.f32 v33, v8;
	v46 =	vld [tilespmem:$0x18B0];
	v44 =	vmul.f32 v40, v3;
	[tilespmem:$0x1820] =	vst v39  }
0x6a: {  	v48 =	vld [tilespmem:$0x18C0];
	v47 =	vsub.f32 v36, v8;
	[tilespmem:$0x1830] =	vst v2;
	v2 =	vmul.f32 v42, v3  }
0x6b: {  	v50 =	vsub.f32 v38, v8;
	v53 =	vld [tilespmem:$0x18E0];
	v49 =	vmul.f32 v45, v3;
	[tilespmem:$0x1840] =	vst v44  }
0x6c: {  	v51 =	vld [tilespmem:$0x18D0];
	v52 =	vsub.f32 v41, v8;
	[tilespmem:$0x1850] =	vst v2;
	v2 =	vmul.f32 v47, v3  }
0x6d: {  	v55 =	vsub.f32 v43, v8;
	v56 =	vld [tilespmem:$0x18F0];
	v54 =	vmul.f32 v50, v3;
	[tilespmem:$0x1860] =	vst v49  }
0x6e: {  	v57 =	vsub.f32 v46, v8;
	[tilespmem:$0x1870] =	vst v2;
	v2 =	vmul.f32 v52, v3  }
0x6f: {  	v59 =	vsub.f32 v48, v8;
	v58 =	vmul.f32 v55, v3;
	[tilespmem:$0x1880] =	vst v54  }
0x70: {  	v62 =	vsub.f32 v53, v8;
	[tilespmem:$0x1890] =	vst v2;
	v2 =	vmul.f32 v57, v3  }
0x71: {  	v60 =	vsub.f32 v51, v8;
	v61 =	vmul.f32 v59, v3;
	[tilespmem:$0x18A0] =	vst v58  }
0x72: {  	v63 =	vmul.f32 v62, v3;
	[tilespmem:$0x18B0] =	vst v2;
	v2 =	vsub.f32 v56, v8  }
0x73: {  	v6 =	vmul.f32 v60, v3;
	[tilespmem:$0x18C0] =	vst v61  }
0x74: {  	[tilespmem:$0x18E0] =	vst v63;
	v2 =	vmul.f32 v2, v3  }
0x75: {  	[tilespmem:$0x18D0] =	vst v6  }
0x76: {  	[tilespmem:$0x18F0] =	vst v2  }
0x77: {  	[hbm4b:s6+s2] =	stream.linear.scatter [tilespmem:s15], [sflag:$0x1], $0x140, $0x38;
	[tilespmem:$0x2100] =	vst v63  }
0x78: {  	_ =	swait.ge [sflag:s12], $0x140  }
0x79: {  	[sflag:s12] =	ssyncset.done $0x0  }
0x7a: {  	[sflag:s12] =	ssyncadd.s32 $0xFFFFFEC0  }
0x7b: {  	[hbm4b:s7+s2] =	stream.linear.scatter [tilespmem:s16], [sflag:$0x1], $0x140, $0x38;
	[tilespmem:$0x2100] =	vst v63  }
0x7c: {  	_ =	swait.ge [sflag:s12], $0x140  }
0x7d: {  	[sflag:s12] =	ssyncset.done $0x0  }
0x7e: {  	[sflag:s12] =	ssyncadd.s32 $0xFFFFFEC0  }
0x7f: {  	[hbm4b:s8+s2] =	stream.linear.scatter [tilespmem:s17], [sflag:$0x1], $0x140, $0x38;
	[tilespmem:$0x2100] =	vst v63  }
0x80: {  	_ =	swait.ge [sflag:s12], $0x140  }
0x81: {  	[sflag:s12] =	ssyncset.done $0x0  }
0x82: {  	[sflag:s12] =	ssyncadd.s32 $0xFFFFFEC0  }
0x83: {  	[hbm4b:s9+s2] =	stream.linear.scatter [tilespmem:s18], [sflag:$0x1], $0x140, $0x38;
	[tilespmem:$0x2100] =	vst v63  }
0x84: {  	s20 =	sadd.s32 $0x1, s20;
	_ =	swait.ge [sflag:s12], $0x140  }
0x85: {  	p0 =	sne.s32 s20, s11;
	[sflag:s12] =	ssyncset.done $0x0  }
.Ltmp1:
0x86: {  	[sflag:s12] =	ssyncadd.s32 $0xFFFFFEC0;
	(pc) =	sbr.rel @p0 .LBB2_1-.Ltmp1, $4  }
0x87: {  	[hbm4b:s10+s2] =	stream.linear.scatter [tilespmem:s19], [sflag:$0x1], $0x140, $0x38;
	[tilespmem:$0x2100] =	vst v63  }
0x88: {  	_ =	swait.ge [sflag:s12], $0x140  }
0x89: {  	[sflag:s12] =	ssyncset.done $0x0  }
0x8a: {  	[sflag:s12] =	ssyncadd.s32 $0xFFFFFEC0  }
0x8b: {  	_ =	sfence.sel $0x180000  }
0x8c: {  	[bflag:$0x0] =	sbarrier.arrive $0xFFFF  }
0x8d: {  	p0 =	sne.s32 s0, $0x0;
	_ =	strace $0x9000004A  }
0x8e: {  	s0 =	sadd.s32 @!p0 $0x100000, s1;
	[bflag:$0x2] =	sbarrier.arrive $0xFFFF  }
0x8f: {  	[sflag:s0] =	ssyncadd.tile.s32 @!p0 $0x1;
	_ =	shalt  }
.Lfunc_end2:
_tile_overlayer_lowered:
.L_overlay_start_2:
0x90: {  	(tag) =	ssettag $0x2  }
0x91: {  	s0 =	rddreg [dreg:$0x0];
	s2 =	stileid.u32  }
0x92: {  	s1 =	rddreg [dreg:$0x1];
	p0 =	sne.s32 s2, $0x0  }
0x93: {  	s3 =	rddreg [dreg:$0x2];
	[bflag:$0x3] =	sbarrier.arrive $0xFFFF;
	s2 =	simm.s32 @!p0 $0x1C01  }
0x94: {  	[timem:s3], [sflag:s2] =	dma.local @!p0 [hbm:s0], s1  }
0x95: {  	s0 =	simm.s32 @!p0 $0x1  }
0x96: {  	_ =	swait.ge @!p0 [sflag:s0], s1  }
0x97: {  	s1 =	ssub.s32 @!p0 $0x0, s1;
	[sflag:s0] =	ssyncset.done @!p0 $0x0  }
0x98: {  	[sflag:s0] =	ssyncadd.s32 @!p0 s1  }
0x99: {  	[bflag:$0x3] =	sbarrier.arrive $0xFFFF  }
0x9a: {  	_ =	shalt  }

</sc_bundles>
